<compile_context>
chip_gen: v7x
topology: tpu7x:2x2x1
jax: 0.10.2.dev20260603
libtpu: 0.0.44.dev20260713+nightly
codegen_flags: <defaults>
</compile_context>

<pallas_src>
import jax
import jax.numpy as jnp
from jax import lax
from jax.experimental import pallas as pl
from jax.experimental.pallas import tpu as pltpu
from jax.experimental.pallas import tpu_sc as plsc

_B = 16384
_C = 1000
_TC_ROWS = 8192
_SC_ROWS = _B - _TC_ROWS
_BLK = 512

_NC, _NS, _L = 2, 16, 16
_NW = _NC * _NS
_ROWS_PER_TILE = _SC_ROWS // _NW
_CHUNK = 32
_NCHUNK = _ROWS_PER_TILE // _CHUNK
_GROUPS = _CHUNK // _L
_UNROLL = 8
_STEPS = _C // _UNROLL



def _tc_body(x_ref, logit_ref, ema_ref, out_ref):
    x = x_ref[...]
    blk, c = x.shape
    m = jnp.max(x, axis=1, keepdims=True)
    iota_f = jax.lax.broadcasted_iota(jnp.int32, (blk, c), 1).astype(jnp.float32)
    idxf = jnp.min(jnp.where(x == m, iota_f, 1024.0), axis=1, keepdims=True)
    ema_b = jnp.broadcast_to(ema_ref[...], (blk, c))
    thr = jnp.max(jnp.where(iota_f == idxf, ema_b, -jnp.inf), axis=1,
                  keepdims=True)
    diff = jnp.maximum(thr - logit_ref[...], 0.0)
    out_ref[...] = diff * diff


def _tc_part(gen_logits, gen_classes, ema_real):
    c = _C
    return pl.pallas_call(
        _tc_body,
        grid=(_TC_ROWS // _BLK,),
        in_specs=[
            pl.BlockSpec((_BLK, c), lambda i: (i, 0)),
            pl.BlockSpec((_BLK, 1), lambda i: (i, 0)),
            pl.BlockSpec((1, c), lambda i: (0, 0)),
        ],
        out_specs=pl.BlockSpec((_BLK, 1), lambda i: (i, 0)),
        out_shape=jax.ShapeDtypeStruct((_TC_ROWS, 1), jnp.float32),
        compiler_params=pltpu.CompilerParams(
            dimension_semantics=("arbitrary",),
        ),
    )(gen_classes, gen_logits, ema_real.reshape(1, c))



def _combine(aval, aidx, bval, bidx):
    pred = bval > aval
    return jnp.where(pred, bval, aval), jnp.where(pred, bidx, aidx)


def _sc_body(classes_hbm, logits_hbm, ema_hbm, out_hbm,
             xbuf0, xbuf1, ema_v, logit_v, loss_v, sem0, sem1):
    wid = lax.axis_index("s") * _NC + lax.axis_index("c")
    base = _TC_ROWS + wid * _ROWS_PER_TILE
    pltpu.sync_copy(ema_hbm, ema_v)
    pltpu.sync_copy(logits_hbm.at[pl.ds(base, _ROWS_PER_TILE)], logit_v)
    row16 = lax.iota(jnp.int32, _L)

    bufs = (xbuf0, xbuf1)
    sems = (sem0, sem1)

    def chunk_dma(chunk):
        row0 = base + chunk * _CHUNK
        return pltpu.make_async_copy(
            classes_hbm.at[pl.ds(row0, _CHUNK), :],
            bufs[chunk % 2], sems[chunk % 2])

    chunk_dma(0).start()
    uconst = [jnp.full((_L,), u, dtype=jnp.int32) for u in range(_UNROLL)]

    for chunk in range(_NCHUNK):
        xbuf = bufs[chunk % 2]
        chunk_dma(chunk).wait()
        if chunk + 1 < _NCHUNK:
            chunk_dma(chunk + 1).start()
        for g in range(_GROUPS):
            rows = row16 + (g * _L)

            def body(i, carry, rows=rows, xbuf=xbuf):
                best, bidx = carry
                j0 = i * _UNROLL
                jsplat = jnp.full((_L,), j0, dtype=jnp.int32)
                vs = [plsc.load_gather(xbuf, [rows, jsplat + uconst[u]])
                      for u in range(_UNROLL)]
                pairs = [(vs[u], uconst[u]) for u in range(_UNROLL)]
                while len(pairs) > 1:
                    nxt = []
                    for k in range(0, len(pairs), 2):
                        nxt.append(_combine(pairs[k][0], pairs[k][1],
                                            pairs[k + 1][0], pairs[k + 1][1]))
                    pairs = nxt
                val, idx = pairs[0]
                jabs = jsplat + idx
                best, bidx = _combine(best, bidx, val, jabs)
                return best, bidx

            init = (jnp.full((_L,), -jnp.inf, jnp.float32),
                    jnp.zeros((_L,), jnp.int32))
            best, bidx = lax.fori_loop(0, _STEPS, body, init)
            thr = plsc.load_gather(ema_v, [bidx])
            lg = logit_v[pl.ds(chunk * _CHUNK + g * _L, _L)]
            d = jnp.maximum(thr - lg, 0.0)
            loss_v[pl.ds(chunk * _CHUNK + g * _L, _L)] = d * d
    pltpu.sync_copy(loss_v, out_hbm.at[pl.ds(wid * _ROWS_PER_TILE,
                                             _ROWS_PER_TILE)])


def _sc_part(gen_logits, gen_classes, ema_real):
    b, c = _B, _C
    mesh = plsc.VectorSubcoreMesh(core_axis_name="c", subcore_axis_name="s")
    f = pl.kernel(
        _sc_body,
        out_type=jax.ShapeDtypeStruct((_SC_ROWS,), jnp.float32),
        mesh=mesh,
        compiler_params=pltpu.CompilerParams(
            needs_layout_passes=False,
            use_tc_tiling_on_sc=False,
        ),
        scratch_types=[
            pltpu.VMEM((_CHUNK, c), jnp.float32),
            pltpu.VMEM((_CHUNK, c), jnp.float32),
            pltpu.VMEM((c,), jnp.float32),
            pltpu.VMEM((_ROWS_PER_TILE,), jnp.float32),
            pltpu.VMEM((_ROWS_PER_TILE,), jnp.float32),
            pltpu.SemaphoreType.DMA,
            pltpu.SemaphoreType.DMA,
        ],
    )
    return f(gen_classes, gen_logits.reshape(b), ema_real)


def kernel(gen_logits, gen_classes, ema_real):
    tc_out = _tc_part(gen_logits, gen_classes, ema_real)
    sc_out = _sc_part(gen_logits, gen_classes, ema_real)
    return jnp.concatenate([tc_out, sc_out.reshape(_SC_ROWS, 1)], axis=0)

# --- scband reference (transcript-rebuilt; emitter-appended) ---
"""Pipeline reference for scband-gap-18700287607704 (READ-ONLY COPY).

The authoritative reference and input builder live on the scoring server;
editing this copy changes nothing except your own understanding.
"""

import jax, jax.numpy as jnp
import numpy as np

N_CLASSES = 1000
BATCH = 16384


def setup_inputs(seed: int = 0) -> dict:
    key = jax.random.key(seed)
    k1, k2, k3 = jax.random.split(key, 3)
    gen_logits = jax.random.normal(k1, (BATCH, 1), dtype=jnp.float32)
    # gen_classes is consumed via argmax(); random floats yield a valid random class per row
    gen_classes = jax.random.normal(k2, (BATCH, N_CLASSES), dtype=jnp.float32)
    # ema_real buffer (init is ones(n_classes); use random values as a mid-training snapshot)
    ema_real = jax.random.normal(k3, (N_CLASSES,), dtype=jnp.float32)
    return {"gen_logits": gen_logits, "gen_classes": gen_classes, "ema_real": ema_real}


def reference(gen_logits, gen_classes, ema_real):
    # Vectorized, faithful translation of Gap.loss_fake (assuming self.started=True,
    # effective_num_samples=None):
    #   for i: c = gen_classes[i].argmax(); loss[i] = relu(ema_real[c] - gen_logits[i])**2
    c = jnp.argmax(gen_classes, axis=1)               # [B] class index per sample
    thr = jnp.take(ema_real, c, axis=0)[:, None]       # [B, 1] gather per-class EMA threshold
    loss = jnp.square(jax.nn.relu(thr - gen_logits))   # [B, 1]
    return loss

if __name__ == "__main__":
    import jax
    _d = setup_inputs()
    print(jax.jit(kernel)(*tuple(_d.values())))

</pallas_src>

<mosaic_0001>
#map = affine_map<(d0, d1) -> (0, 0)>
#map1 = affine_map<(d0, d1) -> (0)>
module attributes {stable_mosaic.version = 14 : i64} {
  func.func @_sc_body(%arg0: i32, %arg1: i32, %arg2: memref<16384x1000xf32, #tpu.memory_space<hbm>>, %arg3: memref<16384xf32, #tpu.memory_space<hbm>>, %arg4: memref<1000xf32, #tpu.memory_space<hbm>>, %arg5: memref<8192xf32, #tpu.memory_space<hbm>>, %arg6: memref<32x1000xf32, #tpu.memory_space<vmem>>, %arg7: memref<32x1000xf32, #tpu.memory_space<vmem>>, %arg8: memref<1000xf32, #tpu.memory_space<vmem>>, %arg9: memref<256xf32, #tpu.memory_space<vmem>>, %arg10: memref<256xf32, #tpu.memory_space<vmem>>, %arg11: memref<!tpu.dma_semaphore, #tpu.memory_space<semaphore_mem>>, %arg12: memref<!tpu.dma_semaphore, #tpu.memory_space<semaphore_mem>>) attributes {dimension_semantics = [#tpu.dimension_semantics<core_parallel>, #tpu.dimension_semantics<subcore_parallel>], iteration_bounds = array<i64: 2, 16>, scalar_prefetch = 0 : i64, scratch_operands = 7 : i64, tpu.core_type = #tpu.core_type<sc_vector_subcore>, window_params = [{transform_indices = #map}, {transform_indices = #map1}, {transform_indices = #map1}, {transform_indices = #map1}]} {
    %mul3A = arith.constant 2 : i32
    %mul3A_0 = arith.muli %arg1, %mul3A : i32
    %add3A = arith.addi %mul3A_0, %arg0 : i32
    %mul3A_1 = arith.constant 256 : i32
    %mul3A_2 = arith.muli %add3A, %mul3A_1 : i32
    %add3A_3 = arith.constant 8192 : i32
    %add3A_4 = arith.addi %add3A_3, %mul3A_2 : i32
    "tpu.region"() ({
      %run_scoped3A = tpu.sem_alloc : memref<!tpu.dma_semaphore, #tpu.memory_space<semaphore_mem>>
      tpu.enqueue_dma source(%arg4 : memref<1000xf32, #tpu.memory_space<hbm>>) target(%arg8 : memref<1000xf32, #tpu.memory_space<vmem>>) target_semaphore(%run_scoped3A : memref<!tpu.dma_semaphore, #tpu.memory_space<semaphore_mem>>)
      tpu.wait_dma2 semaphore(%run_scoped3A : memref<!tpu.dma_semaphore, #tpu.memory_space<semaphore_mem>>) src(%arg4 : memref<1000xf32, #tpu.memory_space<hbm>>) dst(%arg8 : memref<1000xf32, #tpu.memory_space<vmem>>)
      tpu.yield
    }) : () -> ()
    "tpu.region"() ({
      %run_scoped3A = tpu.sem_alloc : memref<!tpu.dma_semaphore, #tpu.memory_space<semaphore_mem>>
      %dma_start3A_478 = tpu.memref_slice %arg3[%add3A_4] : memref<16384xf32, #tpu.memory_space<hbm>> -> memref<256xf32, #tpu.memory_space<hbm>>
      %dma_start3A_479 = tpu.memref_slice %arg3[%add3A_4] : memref<16384xf32, #tpu.memory_space<hbm>> -> memref<256xf32, #tpu.memory_space<hbm>>
      tpu.enqueue_dma source(%dma_start3A_479 : memref<256xf32, #tpu.memory_space<hbm>>) target(%arg9 : memref<256xf32, #tpu.memory_space<vmem>>) target_semaphore(%run_scoped3A : memref<!tpu.dma_semaphore, #tpu.memory_space<semaphore_mem>>)
      %dma_wait3A_480 = tpu.memref_slice %arg3[%add3A_4] : memref<16384xf32, #tpu.memory_space<hbm>> -> memref<256xf32, #tpu.memory_space<hbm>>
      %dma_wait3A_481 = tpu.memref_slice %arg3[%add3A_4] : memref<16384xf32, #tpu.memory_space<hbm>> -> memref<256xf32, #tpu.memory_space<hbm>>
      tpu.wait_dma2 semaphore(%run_scoped3A : memref<!tpu.dma_semaphore, #tpu.memory_space<semaphore_mem>>) src(%dma_wait3A_481 : memref<256xf32, #tpu.memory_space<hbm>>) dst(%arg9 : memref<256xf32, #tpu.memory_space<vmem>>)
      tpu.yield
    }) : () -> ()
    %iota3A = tpu.iota {dimensions = array<i32: 0>} : vector<16xi32>
    %add3A_5 = arith.constant 0 : i32
    %add3A_6 = arith.addi %add3A_4, %add3A_5 : i32
    %dma_start3A = arith.constant 0 : i32
    %dma_start3A_7 = tpu.memref_slice %arg2[%add3A_6, %dma_start3A] : memref<16384x1000xf32, #tpu.memory_space<hbm>> -> memref<32x1000xf32, #tpu.memory_space<hbm>>
    %dma_start3A_8 = arith.constant 0 : i32
    %dma_start3A_9 = tpu.memref_slice %arg2[%add3A_6, %dma_start3A_8] : memref<16384x1000xf32, #tpu.memory_space<hbm>> -> memref<32x1000xf32, #tpu.memory_space<hbm>>
    tpu.enqueue_dma source(%dma_start3A_9 : memref<32x1000xf32, #tpu.memory_space<hbm>>) target(%arg6 : memref<32x1000xf32, #tpu.memory_space<vmem>>) target_semaphore(%arg11 : memref<!tpu.dma_semaphore, #tpu.memory_space<semaphore_mem>>)
    %broadcast_in_dim3A = arith.constant 0 : i32
    %broadcast_in_dim3A_10 = vector.broadcast %broadcast_in_dim3A : i32 to vector<16xi32>
    %broadcast_in_dim3A_11 = arith.constant 1 : i32
    %broadcast_in_dim3A_12 = vector.broadcast %broadcast_in_dim3A_11 : i32 to vector<16xi32>
    %broadcast_in_dim3A_13 = arith.constant 2 : i32
    %broadcast_in_dim3A_14 = vector.broadcast %broadcast_in_dim3A_13 : i32 to vector<16xi32>
    %broadcast_in_dim3A_15 = arith.constant 3 : i32
    %broadcast_in_dim3A_16 = vector.broadcast %broadcast_in_dim3A_15 : i32 to vector<16xi32>
    %broadcast_in_dim3A_17 = arith.constant 4 : i32
    %broadcast_in_dim3A_18 = vector.broadcast %broadcast_in_dim3A_17 : i32 to vector<16xi32>
    %broadcast_in_dim3A_19 = arith.constant 5 : i32
    %broadcast_in_dim3A_20 = vector.broadcast %broadcast_in_dim3A_19 : i32 to vector<16xi32>
    %broadcast_in_dim3A_21 = arith.constant 6 : i32
    %broadcast_in_dim3A_22 = vector.broadcast %broadcast_in_dim3A_21 : i32 to vector<16xi32>
    %broadcast_in_dim3A_23 = arith.constant 7 : i32
    %broadcast_in_dim3A_24 = vector.broadcast %broadcast_in_dim3A_23 : i32 to vector<16xi32>
    %add3A_25 = arith.constant 0 : i32
    %add3A_26 = arith.addi %add3A_4, %add3A_25 : i32
    %dma_wait3A = arith.constant 0 : i32
    %dma_wait3A_27 = tpu.memref_slice %arg2[%add3A_26, %dma_wait3A] : memref<16384x1000xf32, #tpu.memory_space<hbm>> -> memref<32x1000xf32, #tpu.memory_space<hbm>>
    %dma_wait3A_28 = arith.constant 0 : i32
    %dma_wait3A_29 = tpu.memref_slice %arg2[%add3A_26, %dma_wait3A_28] : memref<16384x1000xf32, #tpu.memory_space<hbm>> -> memref<32x1000xf32, #tpu.memory_space<hbm>>
    tpu.wait_dma2 semaphore(%arg11 : memref<!tpu.dma_semaphore, #tpu.memory_space<semaphore_mem>>) src(%dma_wait3A_29 : memref<32x1000xf32, #tpu.memory_space<hbm>>) dst(%arg6 : memref<32x1000xf32, #tpu.memory_space<vmem>>)
    %add3A_30 = arith.constant 32 : i32
    %add3A_31 = arith.addi %add3A_4, %add3A_30 : i32
    %dma_start3A_32 = arith.constant 0 : i32
    %dma_start3A_33 = tpu.memref_slice %arg2[%add3A_31, %dma_start3A_32] : memref<16384x1000xf32, #tpu.memory_space<hbm>> -> memref<32x1000xf32, #tpu.memory_space<hbm>>
    %dma_start3A_34 = arith.constant 0 : i32
    %dma_start3A_35 = tpu.memref_slice %arg2[%add3A_31, %dma_start3A_34] : memref<16384x1000xf32, #tpu.memory_space<hbm>> -> memref<32x1000xf32, #tpu.memory_space<hbm>>
    tpu.enqueue_dma source(%dma_start3A_35 : memref<32x1000xf32, #tpu.memory_space<hbm>>) target(%arg7 : memref<32x1000xf32, #tpu.memory_space<vmem>>) target_semaphore(%arg12 : memref<!tpu.dma_semaphore, #tpu.memory_space<semaphore_mem>>)
    %add3A_36 = arith.constant 0 : i32
    %add3A_37 = vector.broadcast %add3A_36 : i32 to vector<16xi32>
    %add3A_38 = arith.addi %iota3A, %add3A_37 : vector<16xi32>
    %broadcast_in_dim3A_39 = arith.constant 0xFF800000 : f32
    %broadcast_in_dim3A_40 = vector.broadcast %broadcast_in_dim3A_39 : f32 to vector<16xf32>
    %broadcast_in_dim3A_41 = arith.constant 0 : i32
    %broadcast_in_dim3A_42 = vector.broadcast %broadcast_in_dim3A_41 : i32 to vector<16xi32>
    %scan3A = arith.constant 0 : i32
    %scan3A_43 = arith.constant 125 : i32
    %scan3A_44 = arith.addi %scan3A, %scan3A_43 : i32
    %scan3A_45 = arith.constant 1 : i32
    %scan3A_46:2 = scf.for %scan3A_478 = %scan3A to %scan3A_44 step %scan3A_45 iter_args(%scan3A_479 = %broadcast_in_dim3A_40, %scan3A_480 = %broadcast_in_dim3A_42) -> (vector<16xf32>, vector<16xi32>)  : i32 {
      %mul3A_481 = arith.constant 8 : i32
      %mul3A_482 = arith.muli %scan3A_478, %mul3A_481 : i32
      %broadcast_in_dim3A_483 = vector.broadcast %mul3A_482 : i32 to vector<16xi32>
      %add3A_484 = arith.addi %broadcast_in_dim3A_483, %broadcast_in_dim3A_10 : vector<16xi32>
      %gather3A_485 = tpu.vector_load_idx %arg6[%add3A_38, %add3A_484] : memref<32x1000xf32, #tpu.memory_space<vmem>>[vector<16xi32>, vector<16xi32>], vector<16xf32>,
      %add3A_486 = arith.addi %broadcast_in_dim3A_483, %broadcast_in_dim3A_12 : vector<16xi32>
      %gather3A_487 = tpu.vector_load_idx %arg6[%add3A_38, %add3A_486] : memref<32x1000xf32, #tpu.memory_space<vmem>>[vector<16xi32>, vector<16xi32>], vector<16xf32>,
      %add3A_488 = arith.addi %broadcast_in_dim3A_483, %broadcast_in_dim3A_14 : vector<16xi32>
      %gather3A_489 = tpu.vector_load_idx %arg6[%add3A_38, %add3A_488] : memref<32x1000xf32, #tpu.memory_space<vmem>>[vector<16xi32>, vector<16xi32>], vector<16xf32>,
      %add3A_490 = arith.addi %broadcast_in_dim3A_483, %broadcast_in_dim3A_16 : vector<16xi32>
      %gather3A_491 = tpu.vector_load_idx %arg6[%add3A_38, %add3A_490] : memref<32x1000xf32, #tpu.memory_space<vmem>>[vector<16xi32>, vector<16xi32>], vector<16xf32>,
      %add3A_492 = arith.addi %broadcast_in_dim3A_483, %broadcast_in_dim3A_18 : vector<16xi32>
      %gather3A_493 = tpu.vector_load_idx %arg6[%add3A_38, %add3A_492] : memref<32x1000xf32, #tpu.memory_space<vmem>>[vector<16xi32>, vector<16xi32>], vector<16xf32>,
      %add3A_494 = arith.addi %broadcast_in_dim3A_483, %broadcast_in_dim3A_20 : vector<16xi32>
      %gather3A_495 = tpu.vector_load_idx %arg6[%add3A_38, %add3A_494] : memref<32x1000xf32, #tpu.memory_space<vmem>>[vector<16xi32>, vector<16xi32>], vector<16xf32>,
      %add3A_496 = arith.addi %broadcast_in_dim3A_483, %broadcast_in_dim3A_22 : vector<16xi32>
      %gather3A_497 = tpu.vector_load_idx %arg6[%add3A_38, %add3A_496] : memref<32x1000xf32, #tpu.memory_space<vmem>>[vector<16xi32>, vector<16xi32>], vector<16xf32>,
      %add3A_498 = arith.addi %broadcast_in_dim3A_483, %broadcast_in_dim3A_24 : vector<16xi32>
      %gather3A_499 = tpu.vector_load_idx %arg6[%add3A_38, %add3A_498] : memref<32x1000xf32, #tpu.memory_space<vmem>>[vector<16xi32>, vector<16xi32>], vector<16xf32>,
      %gt3A = arith.cmpf ogt, %gather3A_487, %gather3A_485 : vector<16xf32>
      %select_n3A = arith.select %gt3A, %gather3A_487, %gather3A_485 : vector<16xi1>, vector<16xf32>
      %select_n3A_500 = arith.select %gt3A, %broadcast_in_dim3A_12, %broadcast_in_dim3A_10 : vector<16xi1>, vector<16xi32>
      %gt3A_501 = arith.cmpf ogt, %gather3A_491, %gather3A_489 : vector<16xf32>
      %select_n3A_502 = arith.select %gt3A_501, %gather3A_491, %gather3A_489 : vector<16xi1>, vector<16xf32>
      %select_n3A_503 = arith.select %gt3A_501, %broadcast_in_dim3A_16, %broadcast_in_dim3A_14 : vector<16xi1>, vector<16xi32>
      %gt3A_504 = arith.cmpf ogt, %gather3A_495, %gather3A_493 : vector<16xf32>
      %select_n3A_505 = arith.select %gt3A_504, %gather3A_495, %gather3A_493 : vector<16xi1>, vector<16xf32>
      %select_n3A_506 = arith.select %gt3A_504, %broadcast_in_dim3A_20, %broadcast_in_dim3A_18 : vector<16xi1>, vector<16xi32>
      %gt3A_507 = arith.cmpf ogt, %gather3A_499, %gather3A_497 : vector<16xf32>
      %select_n3A_508 = arith.select %gt3A_507, %gather3A_499, %gather3A_497 : vector<16xi1>, vector<16xf32>
      %select_n3A_509 = arith.select %gt3A_507, %broadcast_in_dim3A_24, %broadcast_in_dim3A_22 : vector<16xi1>, vector<16xi32>
      %gt3A_510 = arith.cmpf ogt, %select_n3A_502, %select_n3A : vector<16xf32>
      %select_n3A_511 = arith.select %gt3A_510, %select_n3A_502, %select_n3A : vector<16xi1>, vector<16xf32>
      %select_n3A_512 = arith.select %gt3A_510, %select_n3A_503, %select_n3A_500 : vector<16xi1>, vector<16xi32>
      %gt3A_513 = arith.cmpf ogt, %select_n3A_508, %select_n3A_505 : vector<16xf32>
      %select_n3A_514 = arith.select %gt3A_513, %select_n3A_508, %select_n3A_505 : vector<16xi1>, vector<16xf32>
      %select_n3A_515 = arith.select %gt3A_513, %select_n3A_509, %select_n3A_506 : vector<16xi1>, vector<16xi32>
      %gt3A_516 = arith.cmpf ogt, %select_n3A_514, %select_n3A_511 : vector<16xf32>
      %select_n3A_517 = arith.select %gt3A_516, %select_n3A_514, %select_n3A_511 : vector<16xi1>, vector<16xf32>
      %select_n3A_518 = arith.select %gt3A_516, %select_n3A_515, %select_n3A_512 : vector<16xi1>, vector<16xi32>
      %add3A_519 = arith.addi %broadcast_in_dim3A_483, %select_n3A_518 : vector<16xi32>
      %gt3A_520 = arith.cmpf ogt, %select_n3A_517, %scan3A_479 : vector<16xf32>
      %select_n3A_521 = arith.select %gt3A_520, %select_n3A_517, %scan3A_479 : vector<16xi1>, vector<16xf32>
      %select_n3A_522 = arith.select %gt3A_520, %add3A_519, %scan3A_480 : vector<16xi1>, vector<16xi32>
      scf.yield %select_n3A_521, %select_n3A_522 : vector<16xf32>, vector<16xi32>
    }
    %scan3A_47 = arith.constant 125 : i32
    %gather3A = tpu.vector_load_idx %arg8[%scan3A_46#1] : memref<1000xf32, #tpu.memory_space<vmem>>[vector<16xi32>], vector<16xf32>,
    %get3A = arith.constant 0 : index
    %get3A_48 = tpu.vector_load %arg9[%get3A] {strides = array<i32>} : memref<256xf32, #tpu.memory_space<vmem>>, vector<16xf32>,
    %sub3A = arith.subf %gather3A, %get3A_48 : vector<16xf32>
    %max3A = arith.constant 0.000000e+00 : f32
    %max3A_49 = vector.broadcast %max3A : f32 to vector<16xf32>
    %max3A_50 = arith.maximumf %sub3A, %max3A_49 : vector<16xf32>
    %mul3A_51 = arith.mulf %max3A_50, %max3A_50 : vector<16xf32>
    %swap3A = arith.constant 0 : index
    %swap3A_52 = tpu.vector_load %arg10[%swap3A] {strides = array<i32>} : memref<256xf32, #tpu.memory_space<vmem>>, vector<16xf32>,
    tpu.vector_store %arg10[%swap3A], %mul3A_51 {strides = array<i32>} : memref<256xf32, #tpu.memory_space<vmem>>, vector<16xf32>,
    %add3A_53 = arith.constant 16 : i32
    %add3A_54 = vector.broadcast %add3A_53 : i32 to vector<16xi32>
    %add3A_55 = arith.addi %iota3A, %add3A_54 : vector<16xi32>
    %broadcast_in_dim3A_56 = arith.constant 0xFF800000 : f32
    %broadcast_in_dim3A_57 = vector.broadcast %broadcast_in_dim3A_56 : f32 to vector<16xf32>
    %broadcast_in_dim3A_58 = arith.constant 0 : i32
    %broadcast_in_dim3A_59 = vector.broadcast %broadcast_in_dim3A_58 : i32 to vector<16xi32>
    %scan3A_60 = arith.constant 0 : i32
    %scan3A_61 = arith.constant 125 : i32
    %scan3A_62 = arith.addi %scan3A_60, %scan3A_61 : i32
    %scan3A_63 = arith.constant 1 : i32
    %scan3A_64:2 = scf.for %scan3A_478 = %scan3A_60 to %scan3A_62 step %scan3A_63 iter_args(%scan3A_479 = %broadcast_in_dim3A_57, %scan3A_480 = %broadcast_in_dim3A_59) -> (vector<16xf32>, vector<16xi32>)  : i32 {
      %mul3A_481 = arith.constant 8 : i32
      %mul3A_482 = arith.muli %scan3A_478, %mul3A_481 : i32
      %broadcast_in_dim3A_483 = vector.broadcast %mul3A_482 : i32 to vector<16xi32>
      %add3A_484 = arith.addi %broadcast_in_dim3A_483, %broadcast_in_dim3A_10 : vector<16xi32>
      %gather3A_485 = tpu.vector_load_idx %arg6[%add3A_55, %add3A_484] : memref<32x1000xf32, #tpu.memory_space<vmem>>[vector<16xi32>, vector<16xi32>], vector<16xf32>,
      %add3A_486 = arith.addi %broadcast_in_dim3A_483, %broadcast_in_dim3A_12 : vector<16xi32>
      %gather3A_487 = tpu.vector_load_idx %arg6[%add3A_55, %add3A_486] : memref<32x1000xf32, #tpu.memory_space<vmem>>[vector<16xi32>, vector<16xi32>], vector<16xf32>,
      %add3A_488 = arith.addi %broadcast_in_dim3A_483, %broadcast_in_dim3A_14 : vector<16xi32>
      %gather3A_489 = tpu.vector_load_idx %arg6[%add3A_55, %add3A_488] : memref<32x1000xf32, #tpu.memory_space<vmem>>[vector<16xi32>, vector<16xi32>], vector<16xf32>,
      %add3A_490 = arith.addi %broadcast_in_dim3A_483, %broadcast_in_dim3A_16 : vector<16xi32>
      %gather3A_491 = tpu.vector_load_idx %arg6[%add3A_55, %add3A_490] : memref<32x1000xf32, #tpu.memory_space<vmem>>[vector<16xi32>, vector<16xi32>], vector<16xf32>,
      %add3A_492 = arith.addi %broadcast_in_dim3A_483, %broadcast_in_dim3A_18 : vector<16xi32>
      %gather3A_493 = tpu.vector_load_idx %arg6[%add3A_55, %add3A_492] : memref<32x1000xf32, #tpu.memory_space<vmem>>[vector<16xi32>, vector<16xi32>], vector<16xf32>,
      %add3A_494 = arith.addi %broadcast_in_dim3A_483, %broadcast_in_dim3A_20 : vector<16xi32>
      %gather3A_495 = tpu.vector_load_idx %arg6[%add3A_55, %add3A_494] : memref<32x1000xf32, #tpu.memory_space<vmem>>[vector<16xi32>, vector<16xi32>], vector<16xf32>,
      %add3A_496 = arith.addi %broadcast_in_dim3A_483, %broadcast_in_dim3A_22 : vector<16xi32>
      %gather3A_497 = tpu.vector_load_idx %arg6[%add3A_55, %add3A_496] : memref<32x1000xf32, #tpu.memory_space<vmem>>[vector<16xi32>, vector<16xi32>], vector<16xf32>,
      %add3A_498 = arith.addi %broadcast_in_dim3A_483, %broadcast_in_dim3A_24 : vector<16xi32>
      %gather3A_499 = tpu.vector_load_idx %arg6[%add3A_55, %add3A_498] : memref<32x1000xf32, #tpu.memory_space<vmem>>[vector<16xi32>, vector<16xi32>], vector<16xf32>,
      %gt3A = arith.cmpf ogt, %gather3A_487, %gather3A_485 : vector<16xf32>
      %select_n3A = arith.select %gt3A, %gather3A_487, %gather3A_485 : vector<16xi1>, vector<16xf32>
      %select_n3A_500 = arith.select %gt3A, %broadcast_in_dim3A_12, %broadcast_in_dim3A_10 : vector<16xi1>, vector<16xi32>
      %gt3A_501 = arith.cmpf ogt, %gather3A_491, %gather3A_489 : vector<16xf32>
      %select_n3A_502 = arith.select %gt3A_501, %gather3A_491, %gather3A_489 : vector<16xi1>, vector<16xf32>
      %select_n3A_503 = arith.select %gt3A_501, %broadcast_in_dim3A_16, %broadcast_in_dim3A_14 : vector<16xi1>, vector<16xi32>
      %gt3A_504 = arith.cmpf ogt, %gather3A_495, %gather3A_493 : vector<16xf32>
      %select_n3A_505 = arith.select %gt3A_504, %gather3A_495, %gather3A_493 : vector<16xi1>, vector<16xf32>
      %select_n3A_506 = arith.select %gt3A_504, %broadcast_in_dim3A_20, %broadcast_in_dim3A_18 : vector<16xi1>, vector<16xi32>
      %gt3A_507 = arith.cmpf ogt, %gather3A_499, %gather3A_497 : vector<16xf32>
      %select_n3A_508 = arith.select %gt3A_507, %gather3A_499, %gather3A_497 : vector<16xi1>, vector<16xf32>
      %select_n3A_509 = arith.select %gt3A_507, %broadcast_in_dim3A_24, %broadcast_in_dim3A_22 : vector<16xi1>, vector<16xi32>
      %gt3A_510 = arith.cmpf ogt, %select_n3A_502, %select_n3A : vector<16xf32>
      %select_n3A_511 = arith.select %gt3A_510, %select_n3A_502, %select_n3A : vector<16xi1>, vector<16xf32>
      %select_n3A_512 = arith.select %gt3A_510, %select_n3A_503, %select_n3A_500 : vector<16xi1>, vector<16xi32>
      %gt3A_513 = arith.cmpf ogt, %select_n3A_508, %select_n3A_505 : vector<16xf32>
      %select_n3A_514 = arith.select %gt3A_513, %select_n3A_508, %select_n3A_505 : vector<16xi1>, vector<16xf32>
      %select_n3A_515 = arith.select %gt3A_513, %select_n3A_509, %select_n3A_506 : vector<16xi1>, vector<16xi32>
      %gt3A_516 = arith.cmpf ogt, %select_n3A_514, %select_n3A_511 : vector<16xf32>
      %select_n3A_517 = arith.select %gt3A_516, %select_n3A_514, %select_n3A_511 : vector<16xi1>, vector<16xf32>
      %select_n3A_518 = arith.select %gt3A_516, %select_n3A_515, %select_n3A_512 : vector<16xi1>, vector<16xi32>
      %add3A_519 = arith.addi %broadcast_in_dim3A_483, %select_n3A_518 : vector<16xi32>
      %gt3A_520 = arith.cmpf ogt, %select_n3A_517, %scan3A_479 : vector<16xf32>
      %select_n3A_521 = arith.select %gt3A_520, %select_n3A_517, %scan3A_479 : vector<16xi1>, vector<16xf32>
      %select_n3A_522 = arith.select %gt3A_520, %add3A_519, %scan3A_480 : vector<16xi1>, vector<16xi32>
      scf.yield %select_n3A_521, %select_n3A_522 : vector<16xf32>, vector<16xi32>
    }
    %scan3A_65 = arith.constant 125 : i32
    %gather3A_66 = tpu.vector_load_idx %arg8[%scan3A_64#1] : memref<1000xf32, #tpu.memory_space<vmem>>[vector<16xi32>], vector<16xf32>,
    %get3A_67 = arith.constant 16 : index
    %get3A_68 = tpu.vector_load %arg9[%get3A_67] {strides = array<i32>} : memref<256xf32, #tpu.memory_space<vmem>>, vector<16xf32>,
    %sub3A_69 = arith.subf %gather3A_66, %get3A_68 : vector<16xf32>
    %max3A_70 = arith.constant 0.000000e+00 : f32
    %max3A_71 = vector.broadcast %max3A_70 : f32 to vector<16xf32>
    %max3A_72 = arith.maximumf %sub3A_69, %max3A_71 : vector<16xf32>
    %mul3A_73 = arith.mulf %max3A_72, %max3A_72 : vector<16xf32>
    %swap3A_74 = arith.constant 16 : index
    %swap3A_75 = tpu.vector_load %arg10[%swap3A_74] {strides = array<i32>} : memref<256xf32, #tpu.memory_space<vmem>>, vector<16xf32>,
    tpu.vector_store %arg10[%swap3A_74], %mul3A_73 {strides = array<i32>} : memref<256xf32, #tpu.memory_space<vmem>>, vector<16xf32>,
    %add3A_76 = arith.constant 32 : i32
    %add3A_77 = arith.addi %add3A_4, %add3A_76 : i32
    %dma_wait3A_78 = arith.constant 0 : i32
    %dma_wait3A_79 = tpu.memref_slice %arg2[%add3A_77, %dma_wait3A_78] : memref<16384x1000xf32, #tpu.memory_space<hbm>> -> memref<32x1000xf32, #tpu.memory_space<hbm>>
    %dma_wait3A_80 = arith.constant 0 : i32
    %dma_wait3A_81 = tpu.memref_slice %arg2[%add3A_77, %dma_wait3A_80] : memref<16384x1000xf32, #tpu.memory_space<hbm>> -> memref<32x1000xf32, #tpu.memory_space<hbm>>
    tpu.wait_dma2 semaphore(%arg12 : memref<!tpu.dma_semaphore, #tpu.memory_space<semaphore_mem>>) src(%dma_wait3A_81 : memref<32x1000xf32, #tpu.memory_space<hbm>>) dst(%arg7 : memref<32x1000xf32, #tpu.memory_space<vmem>>)
    %add3A_82 = arith.constant 64 : i32
    %add3A_83 = arith.addi %add3A_4, %add3A_82 : i32
    %dma_start3A_84 = arith.constant 0 : i32
    %dma_start3A_85 = tpu.memref_slice %arg2[%add3A_83, %dma_start3A_84] : memref<16384x1000xf32, #tpu.memory_space<hbm>> -> memref<32x1000xf32, #tpu.memory_space<hbm>>
    %dma_start3A_86 = arith.constant 0 : i32
    %dma_start3A_87 = tpu.memref_slice %arg2[%add3A_83, %dma_start3A_86] : memref<16384x1000xf32, #tpu.memory_space<hbm>> -> memref<32x1000xf32, #tpu.memory_space<hbm>>
    tpu.enqueue_dma source(%dma_start3A_87 : memref<32x1000xf32, #tpu.memory_space<hbm>>) target(%arg6 : memref<32x1000xf32, #tpu.memory_space<vmem>>) target_semaphore(%arg11 : memref<!tpu.dma_semaphore, #tpu.memory_space<semaphore_mem>>)
    %add3A_88 = arith.constant 0 : i32
    %add3A_89 = vector.broadcast %add3A_88 : i32 to vector<16xi32>
    %add3A_90 = arith.addi %iota3A, %add3A_89 : vector<16xi32>
    %broadcast_in_dim3A_91 = arith.constant 0xFF800000 : f32
    %broadcast_in_dim3A_92 = vector.broadcast %broadcast_in_dim3A_91 : f32 to vector<16xf32>
    %broadcast_in_dim3A_93 = arith.constant 0 : i32
    %broadcast_in_dim3A_94 = vector.broadcast %broadcast_in_dim3A_93 : i32 to vector<16xi32>
    %scan3A_95 = arith.constant 0 : i32
    %scan3A_96 = arith.constant 125 : i32
    %scan3A_97 = arith.addi %scan3A_95, %scan3A_96 : i32
    %scan3A_98 = arith.constant 1 : i32
    %scan3A_99:2 = scf.for %scan3A_478 = %scan3A_95 to %scan3A_97 step %scan3A_98 iter_args(%scan3A_479 = %broadcast_in_dim3A_92, %scan3A_480 = %broadcast_in_dim3A_94) -> (vector<16xf32>, vector<16xi32>)  : i32 {
      %mul3A_481 = arith.constant 8 : i32
      %mul3A_482 = arith.muli %scan3A_478, %mul3A_481 : i32
      %broadcast_in_dim3A_483 = vector.broadcast %mul3A_482 : i32 to vector<16xi32>
      %add3A_484 = arith.addi %broadcast_in_dim3A_483, %broadcast_in_dim3A_10 : vector<16xi32>
      %gather3A_485 = tpu.vector_load_idx %arg7[%add3A_90, %add3A_484] : memref<32x1000xf32, #tpu.memory_space<vmem>>[vector<16xi32>, vector<16xi32>], vector<16xf32>,
      %add3A_486 = arith.addi %broadcast_in_dim3A_483, %broadcast_in_dim3A_12 : vector<16xi32>
      %gather3A_487 = tpu.vector_load_idx %arg7[%add3A_90, %add3A_486] : memref<32x1000xf32, #tpu.memory_space<vmem>>[vector<16xi32>, vector<16xi32>], vector<16xf32>,
      %add3A_488 = arith.addi %broadcast_in_dim3A_483, %broadcast_in_dim3A_14 : vector<16xi32>
      %gather3A_489 = tpu.vector_load_idx %arg7[%add3A_90, %add3A_488] : memref<32x1000xf32, #tpu.memory_space<vmem>>[vector<16xi32>, vector<16xi32>], vector<16xf32>,
      %add3A_490 = arith.addi %broadcast_in_dim3A_483, %broadcast_in_dim3A_16 : vector<16xi32>
      %gather3A_491 = tpu.vector_load_idx %arg7[%add3A_90, %add3A_490] : memref<32x1000xf32, #tpu.memory_space<vmem>>[vector<16xi32>, vector<16xi32>], vector<16xf32>,
      %add3A_492 = arith.addi %broadcast_in_dim3A_483, %broadcast_in_dim3A_18 : vector<16xi32>
      %gather3A_493 = tpu.vector_load_idx %arg7[%add3A_90, %add3A_492] : memref<32x1000xf32, #tpu.memory_space<vmem>>[vector<16xi32>, vector<16xi32>], vector<16xf32>,
      %add3A_494 = arith.addi %broadcast_in_dim3A_483, %broadcast_in_dim3A_20 : vector<16xi32>
      %gather3A_495 = tpu.vector_load_idx %arg7[%add3A_90, %add3A_494] : memref<32x1000xf32, #tpu.memory_space<vmem>>[vector<16xi32>, vector<16xi32>], vector<16xf32>,
      %add3A_496 = arith.addi %broadcast_in_dim3A_483, %broadcast_in_dim3A_22 : vector<16xi32>
      %gather3A_497 = tpu.vector_load_idx %arg7[%add3A_90, %add3A_496] : memref<32x1000xf32, #tpu.memory_space<vmem>>[vector<16xi32>, vector<16xi32>], vector<16xf32>,
      %add3A_498 = arith.addi %broadcast_in_dim3A_483, %broadcast_in_dim3A_24 : vector<16xi32>
      %gather3A_499 = tpu.vector_load_idx %arg7[%add3A_90, %add3A_498] : memref<32x1000xf32, #tpu.memory_space<vmem>>[vector<16xi32>, vector<16xi32>], vector<16xf32>,
      %gt3A = arith.cmpf ogt, %gather3A_487, %gather3A_485 : vector<16xf32>
      %select_n3A = arith.select %gt3A, %gather3A_487, %gather3A_485 : vector<16xi1>, vector<16xf32>
      %select_n3A_500 = arith.select %gt3A, %broadcast_in_dim3A_12, %broadcast_in_dim3A_10 : vector<16xi1>, vector<16xi32>
      %gt3A_501 = arith.cmpf ogt, %gather3A_491, %gather3A_489 : vector<16xf32>
      %select_n3A_502 = arith.select %gt3A_501, %gather3A_491, %gather3A_489 : vector<16xi1>, vector<16xf32>
      %select_n3A_503 = arith.select %gt3A_501, %broadcast_in_dim3A_16, %broadcast_in_dim3A_14 : vector<16xi1>, vector<16xi32>
      %gt3A_504 = arith.cmpf ogt, %gather3A_495, %gather3A_493 : vector<16xf32>
      %select_n3A_505 = arith.select %gt3A_504, %gather3A_495, %gather3A_493 : vector<16xi1>, vector<16xf32>
      %select_n3A_506 = arith.select %gt3A_504, %broadcast_in_dim3A_20, %broadcast_in_dim3A_18 : vector<16xi1>, vector<16xi32>
      %gt3A_507 = arith.cmpf ogt, %gather3A_499, %gather3A_497 : vector<16xf32>
      %select_n3A_508 = arith.select %gt3A_507, %gather3A_499, %gather3A_497 : vector<16xi1>, vector<16xf32>
      %select_n3A_509 = arith.select %gt3A_507, %broadcast_in_dim3A_24, %broadcast_in_dim3A_22 : vector<16xi1>, vector<16xi32>
      %gt3A_510 = arith.cmpf ogt, %select_n3A_502, %select_n3A : vector<16xf32>
      %select_n3A_511 = arith.select %gt3A_510, %select_n3A_502, %select_n3A : vector<16xi1>, vector<16xf32>
      %select_n3A_512 = arith.select %gt3A_510, %select_n3A_503, %select_n3A_500 : vector<16xi1>, vector<16xi32>
      %gt3A_513 = arith.cmpf ogt, %select_n3A_508, %select_n3A_505 : vector<16xf32>
      %select_n3A_514 = arith.select %gt3A_513, %select_n3A_508, %select_n3A_505 : vector<16xi1>, vector<16xf32>
      %select_n3A_515 = arith.select %gt3A_513, %select_n3A_509, %select_n3A_506 : vector<16xi1>, vector<16xi32>
      %gt3A_516 = arith.cmpf ogt, %select_n3A_514, %select_n3A_511 : vector<16xf32>
      %select_n3A_517 = arith.select %gt3A_516, %select_n3A_514, %select_n3A_511 : vector<16xi1>, vector<16xf32>
      %select_n3A_518 = arith.select %gt3A_516, %select_n3A_515, %select_n3A_512 : vector<16xi1>, vector<16xi32>
      %add3A_519 = arith.addi %broadcast_in_dim3A_483, %select_n3A_518 : vector<16xi32>
      %gt3A_520 = arith.cmpf ogt, %select_n3A_517, %scan3A_479 : vector<16xf32>
      %select_n3A_521 = arith.select %gt3A_520, %select_n3A_517, %scan3A_479 : vector<16xi1>, vector<16xf32>
      %select_n3A_522 = arith.select %gt3A_520, %add3A_519, %scan3A_480 : vector<16xi1>, vector<16xi32>
      scf.yield %select_n3A_521, %select_n3A_522 : vector<16xf32>, vector<16xi32>
    }
    %scan3A_100 = arith.constant 125 : i32
    %gather3A_101 = tpu.vector_load_idx %arg8[%scan3A_99#1] : memref<1000xf32, #tpu.memory_space<vmem>>[vector<16xi32>], vector<16xf32>,
    %get3A_102 = arith.constant 32 : index
    %get3A_103 = tpu.vector_load %arg9[%get3A_102] {strides = array<i32>} : memref<256xf32, #tpu.memory_space<vmem>>, vector<16xf32>,
    %sub3A_104 = arith.subf %gather3A_101, %get3A_103 : vector<16xf32>
    %max3A_105 = arith.constant 0.000000e+00 : f32
    %max3A_106 = vector.broadcast %max3A_105 : f32 to vector<16xf32>
    %max3A_107 = arith.maximumf %sub3A_104, %max3A_106 : vector<16xf32>
    %mul3A_108 = arith.mulf %max3A_107, %max3A_107 : vector<16xf32>
    %swap3A_109 = arith.constant 32 : index
    %swap3A_110 = tpu.vector_load %arg10[%swap3A_109] {strides = array<i32>} : memref<256xf32, #tpu.memory_space<vmem>>, vector<16xf32>,
    tpu.vector_store %arg10[%swap3A_109], %mul3A_108 {strides = array<i32>} : memref<256xf32, #tpu.memory_space<vmem>>, vector<16xf32>,
    %add3A_111 = arith.constant 16 : i32
    %add3A_112 = vector.broadcast %add3A_111 : i32 to vector<16xi32>
    %add3A_113 = arith.addi %iota3A, %add3A_112 : vector<16xi32>
    %broadcast_in_dim3A_114 = arith.constant 0xFF800000 : f32
    %broadcast_in_dim3A_115 = vector.broadcast %broadcast_in_dim3A_114 : f32 to vector<16xf32>
    %broadcast_in_dim3A_116 = arith.constant 0 : i32
    %broadcast_in_dim3A_117 = vector.broadcast %broadcast_in_dim3A_116 : i32 to vector<16xi32>
    %scan3A_118 = arith.constant 0 : i32
    %scan3A_119 = arith.constant 125 : i32
    %scan3A_120 = arith.addi %scan3A_118, %scan3A_119 : i32
    %scan3A_121 = arith.constant 1 : i32
    %scan3A_122:2 = scf.for %scan3A_478 = %scan3A_118 to %scan3A_120 step %scan3A_121 iter_args(%scan3A_479 = %broadcast_in_dim3A_115, %scan3A_480 = %broadcast_in_dim3A_117) -> (vector<16xf32>, vector<16xi32>)  : i32 {
      %mul3A_481 = arith.constant 8 : i32
      %mul3A_482 = arith.muli %scan3A_478, %mul3A_481 : i32
      %broadcast_in_dim3A_483 = vector.broadcast %mul3A_482 : i32 to vector<16xi32>
      %add3A_484 = arith.addi %broadcast_in_dim3A_483, %broadcast_in_dim3A_10 : vector<16xi32>
      %gather3A_485 = tpu.vector_load_idx %arg7[%add3A_113, %add3A_484] : memref<32x1000xf32, #tpu.memory_space<vmem>>[vector<16xi32>, vector<16xi32>], vector<16xf32>,
      %add3A_486 = arith.addi %broadcast_in_dim3A_483, %broadcast_in_dim3A_12 : vector<16xi32>
      %gather3A_487 = tpu.vector_load_idx %arg7[%add3A_113, %add3A_486] : memref<32x1000xf32, #tpu.memory_space<vmem>>[vector<16xi32>, vector<16xi32>], vector<16xf32>,
      %add3A_488 = arith.addi %broadcast_in_dim3A_483, %broadcast_in_dim3A_14 : vector<16xi32>
      %gather3A_489 = tpu.vector_load_idx %arg7[%add3A_113, %add3A_488] : memref<32x1000xf32, #tpu.memory_space<vmem>>[vector<16xi32>, vector<16xi32>], vector<16xf32>,
      %add3A_490 = arith.addi %broadcast_in_dim3A_483, %broadcast_in_dim3A_16 : vector<16xi32>
      %gather3A_491 = tpu.vector_load_idx %arg7[%add3A_113, %add3A_490] : memref<32x1000xf32, #tpu.memory_space<vmem>>[vector<16xi32>, vector<16xi32>], vector<16xf32>,
      %add3A_492 = arith.addi %broadcast_in_dim3A_483, %broadcast_in_dim3A_18 : vector<16xi32>
      %gather3A_493 = tpu.vector_load_idx %arg7[%add3A_113, %add3A_492] : memref<32x1000xf32, #tpu.memory_space<vmem>>[vector<16xi32>, vector<16xi32>], vector<16xf32>,
      %add3A_494 = arith.addi %broadcast_in_dim3A_483, %broadcast_in_dim3A_20 : vector<16xi32>
      %gather3A_495 = tpu.vector_load_idx %arg7[%add3A_113, %add3A_494] : memref<32x1000xf32, #tpu.memory_space<vmem>>[vector<16xi32>, vector<16xi32>], vector<16xf32>,
      %add3A_496 = arith.addi %broadcast_in_dim3A_483, %broadcast_in_dim3A_22 : vector<16xi32>
      %gather3A_497 = tpu.vector_load_idx %arg7[%add3A_113, %add3A_496] : memref<32x1000xf32, #tpu.memory_space<vmem>>[vector<16xi32>, vector<16xi32>], vector<16xf32>,
      %add3A_498 = arith.addi %broadcast_in_dim3A_483, %broadcast_in_dim3A_24 : vector<16xi32>
      %gather3A_499 = tpu.vector_load_idx %arg7[%add3A_113, %add3A_498] : memref<32x1000xf32, #tpu.memory_space<vmem>>[vector<16xi32>, vector<16xi32>], vector<16xf32>,
      %gt3A = arith.cmpf ogt, %gather3A_487, %gather3A_485 : vector<16xf32>
      %select_n3A = arith.select %gt3A, %gather3A_487, %gather3A_485 : vector<16xi1>, vector<16xf32>
      %select_n3A_500 = arith.select %gt3A, %broadcast_in_dim3A_12, %broadcast_in_dim3A_10 : vector<16xi1>, vector<16xi32>
      %gt3A_501 = arith.cmpf ogt, %gather3A_491, %gather3A_489 : vector<16xf32>
      %select_n3A_502 = arith.select %gt3A_501, %gather3A_491, %gather3A_489 : vector<16xi1>, vector<16xf32>
      %select_n3A_503 = arith.select %gt3A_501, %broadcast_in_dim3A_16, %broadcast_in_dim3A_14 : vector<16xi1>, vector<16xi32>
      %gt3A_504 = arith.cmpf ogt, %gather3A_495, %gather3A_493 : vector<16xf32>
      %select_n3A_505 = arith.select %gt3A_504, %gather3A_495, %gather3A_493 : vector<16xi1>, vector<16xf32>
      %select_n3A_506 = arith.select %gt3A_504, %broadcast_in_dim3A_20, %broadcast_in_dim3A_18 : vector<16xi1>, vector<16xi32>
      %gt3A_507 = arith.cmpf ogt, %gather3A_499, %gather3A_497 : vector<16xf32>
      %select_n3A_508 = arith.select %gt3A_507, %gather3A_499, %gather3A_497 : vector<16xi1>, vector<16xf32>
      %select_n3A_509 = arith.select %gt3A_507, %broadcast_in_dim3A_24, %broadcast_in_dim3A_22 : vector<16xi1>, vector<16xi32>
      %gt3A_510 = arith.cmpf ogt, %select_n3A_502, %select_n3A : vector<16xf32>
      %select_n3A_511 = arith.select %gt3A_510, %select_n3A_502, %select_n3A : vector<16xi1>, vector<16xf32>
      %select_n3A_512 = arith.select %gt3A_510, %select_n3A_503, %select_n3A_500 : vector<16xi1>, vector<16xi32>
      %gt3A_513 = arith.cmpf ogt, %select_n3A_508, %select_n3A_505 : vector<16xf32>
      %select_n3A_514 = arith.select %gt3A_513, %select_n3A_508, %select_n3A_505 : vector<16xi1>, vector<16xf32>
      %select_n3A_515 = arith.select %gt3A_513, %select_n3A_509, %select_n3A_506 : vector<16xi1>, vector<16xi32>
      %gt3A_516 = arith.cmpf ogt, %select_n3A_514, %select_n3A_511 : vector<16xf32>
      %select_n3A_517 = arith.select %gt3A_516, %select_n3A_514, %select_n3A_511 : vector<16xi1>, vector<16xf32>
      %select_n3A_518 = arith.select %gt3A_516, %select_n3A_515, %select_n3A_512 : vector<16xi1>, vector<16xi32>
      %add3A_519 = arith.addi %broadcast_in_dim3A_483, %select_n3A_518 : vector<16xi32>
      %gt3A_520 = arith.cmpf ogt, %select_n3A_517, %scan3A_479 : vector<16xf32>
      %select_n3A_521 = arith.select %gt3A_520, %select_n3A_517, %scan3A_479 : vector<16xi1>, vector<16xf32>
      %select_n3A_522 = arith.select %gt3A_520, %add3A_519, %scan3A_480 : vector<16xi1>, vector<16xi32>
      scf.yield %select_n3A_521, %select_n3A_522 : vector<16xf32>, vector<16xi32>
    }
    %scan3A_123 = arith.constant 125 : i32
    %gather3A_124 = tpu.vector_load_idx %arg8[%scan3A_122#1] : memref<1000xf32, #tpu.memory_space<vmem>>[vector<16xi32>], vector<16xf32>,
    %get3A_125 = arith.constant 48 : index
    %get3A_126 = tpu.vector_load %arg9[%get3A_125] {strides = array<i32>} : memref<256xf32, #tpu.memory_space<vmem>>, vector<16xf32>,
    %sub3A_127 = arith.subf %gather3A_124, %get3A_126 : vector<16xf32>
    %max3A_128 = arith.constant 0.000000e+00 : f32
    %max3A_129 = vector.broadcast %max3A_128 : f32 to vector<16xf32>
    %max3A_130 = arith.maximumf %sub3A_127, %max3A_129 : vector<16xf32>
    %mul3A_131 = arith.mulf %max3A_130, %max3A_130 : vector<16xf32>
    %swap3A_132 = arith.constant 48 : index
    %swap3A_133 = tpu.vector_load %arg10[%swap3A_132] {strides = array<i32>} : memref<256xf32, #tpu.memory_space<vmem>>, vector<16xf32>,
    tpu.vector_store %arg10[%swap3A_132], %mul3A_131 {strides = array<i32>} : memref<256xf32, #tpu.memory_space<vmem>>, vector<16xf32>,
    %add3A_134 = arith.constant 64 : i32
    %add3A_135 = arith.addi %add3A_4, %add3A_134 : i32
    %dma_wait3A_136 = arith.constant 0 : i32
    %dma_wait3A_137 = tpu.memref_slice %arg2[%add3A_135, %dma_wait3A_136] : memref<16384x1000xf32, #tpu.memory_space<hbm>> -> memref<32x1000xf32, #tpu.memory_space<hbm>>
    %dma_wait3A_138 = arith.constant 0 : i32
    %dma_wait3A_139 = tpu.memref_slice %arg2[%add3A_135, %dma_wait3A_138] : memref<16384x1000xf32, #tpu.memory_space<hbm>> -> memref<32x1000xf32, #tpu.memory_space<hbm>>
    tpu.wait_dma2 semaphore(%arg11 : memref<!tpu.dma_semaphore, #tpu.memory_space<semaphore_mem>>) src(%dma_wait3A_139 : memref<32x1000xf32, #tpu.memory_space<hbm>>) dst(%arg6 : memref<32x1000xf32, #tpu.memory_space<vmem>>)
    %add3A_140 = arith.constant 96 : i32
    %add3A_141 = arith.addi %add3A_4, %add3A_140 : i32
    %dma_start3A_142 = arith.constant 0 : i32
    %dma_start3A_143 = tpu.memref_slice %arg2[%add3A_141, %dma_start3A_142] : memref<16384x1000xf32, #tpu.memory_space<hbm>> -> memref<32x1000xf32, #tpu.memory_space<hbm>>
    %dma_start3A_144 = arith.constant 0 : i32
    %dma_start3A_145 = tpu.memref_slice %arg2[%add3A_141, %dma_start3A_144] : memref<16384x1000xf32, #tpu.memory_space<hbm>> -> memref<32x1000xf32, #tpu.memory_space<hbm>>
    tpu.enqueue_dma source(%dma_start3A_145 : memref<32x1000xf32, #tpu.memory_space<hbm>>) target(%arg7 : memref<32x1000xf32, #tpu.memory_space<vmem>>) target_semaphore(%arg12 : memref<!tpu.dma_semaphore, #tpu.memory_space<semaphore_mem>>)
    %add3A_146 = arith.constant 0 : i32
    %add3A_147 = vector.broadcast %add3A_146 : i32 to vector<16xi32>
    %add3A_148 = arith.addi %iota3A, %add3A_147 : vector<16xi32>
    %broadcast_in_dim3A_149 = arith.constant 0xFF800000 : f32
    %broadcast_in_dim3A_150 = vector.broadcast %broadcast_in_dim3A_149 : f32 to vector<16xf32>
    %broadcast_in_dim3A_151 = arith.constant 0 : i32
    %broadcast_in_dim3A_152 = vector.broadcast %broadcast_in_dim3A_151 : i32 to vector<16xi32>
    %scan3A_153 = arith.constant 0 : i32
    %scan3A_154 = arith.constant 125 : i32
    %scan3A_155 = arith.addi %scan3A_153, %scan3A_154 : i32
    %scan3A_156 = arith.constant 1 : i32
    %scan3A_157:2 = scf.for %scan3A_478 = %scan3A_153 to %scan3A_155 step %scan3A_156 iter_args(%scan3A_479 = %broadcast_in_dim3A_150, %scan3A_480 = %broadcast_in_dim3A_152) -> (vector<16xf32>, vector<16xi32>)  : i32 {
      %mul3A_481 = arith.constant 8 : i32
      %mul3A_482 = arith.muli %scan3A_478, %mul3A_481 : i32
      %broadcast_in_dim3A_483 = vector.broadcast %mul3A_482 : i32 to vector<16xi32>
      %add3A_484 = arith.addi %broadcast_in_dim3A_483, %broadcast_in_dim3A_10 : vector<16xi32>
      %gather3A_485 = tpu.vector_load_idx %arg6[%add3A_148, %add3A_484] : memref<32x1000xf32, #tpu.memory_space<vmem>>[vector<16xi32>, vector<16xi32>], vector<16xf32>,
      %add3A_486 = arith.addi %broadcast_in_dim3A_483, %broadcast_in_dim3A_12 : vector<16xi32>
      %gather3A_487 = tpu.vector_load_idx %arg6[%add3A_148, %add3A_486] : memref<32x1000xf32, #tpu.memory_space<vmem>>[vector<16xi32>, vector<16xi32>], vector<16xf32>,
      %add3A_488 = arith.addi %broadcast_in_dim3A_483, %broadcast_in_dim3A_14 : vector<16xi32>
      %gather3A_489 = tpu.vector_load_idx %arg6[%add3A_148, %add3A_488] : memref<32x1000xf32, #tpu.memory_space<vmem>>[vector<16xi32>, vector<16xi32>], vector<16xf32>,
      %add3A_490 = arith.addi %broadcast_in_dim3A_483, %broadcast_in_dim3A_16 : vector<16xi32>
      %gather3A_491 = tpu.vector_load_idx %arg6[%add3A_148, %add3A_490] : memref<32x1000xf32, #tpu.memory_space<vmem>>[vector<16xi32>, vector<16xi32>], vector<16xf32>,
      %add3A_492 = arith.addi %broadcast_in_dim3A_483, %broadcast_in_dim3A_18 : vector<16xi32>
      %gather3A_493 = tpu.vector_load_idx %arg6[%add3A_148, %add3A_492] : memref<32x1000xf32, #tpu.memory_space<vmem>>[vector<16xi32>, vector<16xi32>], vector<16xf32>,
      %add3A_494 = arith.addi %broadcast_in_dim3A_483, %broadcast_in_dim3A_20 : vector<16xi32>
      %gather3A_495 = tpu.vector_load_idx %arg6[%add3A_148, %add3A_494] : memref<32x1000xf32, #tpu.memory_space<vmem>>[vector<16xi32>, vector<16xi32>], vector<16xf32>,
      %add3A_496 = arith.addi %broadcast_in_dim3A_483, %broadcast_in_dim3A_22 : vector<16xi32>
      %gather3A_497 = tpu.vector_load_idx %arg6[%add3A_148, %add3A_496] : memref<32x1000xf32, #tpu.memory_space<vmem>>[vector<16xi32>, vector<16xi32>], vector<16xf32>,
      %add3A_498 = arith.addi %broadcast_in_dim3A_483, %broadcast_in_dim3A_24 : vector<16xi32>
      %gather3A_499 = tpu.vector_load_idx %arg6[%add3A_148, %add3A_498] : memref<32x1000xf32, #tpu.memory_space<vmem>>[vector<16xi32>, vector<16xi32>], vector<16xf32>,
      %gt3A = arith.cmpf ogt, %gather3A_487, %gather3A_485 : vector<16xf32>
      %select_n3A = arith.select %gt3A, %gather3A_487, %gather3A_485 : vector<16xi1>, vector<16xf32>
      %select_n3A_500 = arith.select %gt3A, %broadcast_in_dim3A_12, %broadcast_in_dim3A_10 : vector<16xi1>, vector<16xi32>
      %gt3A_501 = arith.cmpf ogt, %gather3A_491, %gather3A_489 : vector<16xf32>
      %select_n3A_502 = arith.select %gt3A_501, %gather3A_491, %gather3A_489 : vector<16xi1>, vector<16xf32>
      %select_n3A_503 = arith.select %gt3A_501, %broadcast_in_dim3A_16, %broadcast_in_dim3A_14 : vector<16xi1>, vector<16xi32>
      %gt3A_504 = arith.cmpf ogt, %gather3A_495, %gather3A_493 : vector<16xf32>
      %select_n3A_505 = arith.select %gt3A_504, %gather3A_495, %gather3A_493 : vector<16xi1>, vector<16xf32>
      %select_n3A_506 = arith.select %gt3A_504, %broadcast_in_dim3A_20, %broadcast_in_dim3A_18 : vector<16xi1>, vector<16xi32>
      %gt3A_507 = arith.cmpf ogt, %gather3A_499, %gather3A_497 : vector<16xf32>
      %select_n3A_508 = arith.select %gt3A_507, %gather3A_499, %gather3A_497 : vector<16xi1>, vector<16xf32>
      %select_n3A_509 = arith.select %gt3A_507, %broadcast_in_dim3A_24, %broadcast_in_dim3A_22 : vector<16xi1>, vector<16xi32>
      %gt3A_510 = arith.cmpf ogt, %select_n3A_502, %select_n3A : vector<16xf32>
      %select_n3A_511 = arith.select %gt3A_510, %select_n3A_502, %select_n3A : vector<16xi1>, vector<16xf32>
      %select_n3A_512 = arith.select %gt3A_510, %select_n3A_503, %select_n3A_500 : vector<16xi1>, vector<16xi32>
      %gt3A_513 = arith.cmpf ogt, %select_n3A_508, %select_n3A_505 : vector<16xf32>
      %select_n3A_514 = arith.select %gt3A_513, %select_n3A_508, %select_n3A_505 : vector<16xi1>, vector<16xf32>
      %select_n3A_515 = arith.select %gt3A_513, %select_n3A_509, %select_n3A_506 : vector<16xi1>, vector<16xi32>
      %gt3A_516 = arith.cmpf ogt, %select_n3A_514, %select_n3A_511 : vector<16xf32>
      %select_n3A_517 = arith.select %gt3A_516, %select_n3A_514, %select_n3A_511 : vector<16xi1>, vector<16xf32>
      %select_n3A_518 = arith.select %gt3A_516, %select_n3A_515, %select_n3A_512 : vector<16xi1>, vector<16xi32>
      %add3A_519 = arith.addi %broadcast_in_dim3A_483, %select_n3A_518 : vector<16xi32>
      %gt3A_520 = arith.cmpf ogt, %select_n3A_517, %scan3A_479 : vector<16xf32>
      %select_n3A_521 = arith.select %gt3A_520, %select_n3A_517, %scan3A_479 : vector<16xi1>, vector<16xf32>
      %select_n3A_522 = arith.select %gt3A_520, %add3A_519, %scan3A_480 : vector<16xi1>, vector<16xi32>
      scf.yield %select_n3A_521, %select_n3A_522 : vector<16xf32>, vector<16xi32>
    }
    %scan3A_158 = arith.constant 125 : i32
    %gather3A_159 = tpu.vector_load_idx %arg8[%scan3A_157#1] : memref<1000xf32, #tpu.memory_space<vmem>>[vector<16xi32>], vector<16xf32>,
    %get3A_160 = arith.constant 64 : index
    %get3A_161 = tpu.vector_load %arg9[%get3A_160] {strides = array<i32>} : memref<256xf32, #tpu.memory_space<vmem>>, vector<16xf32>,
    %sub3A_162 = arith.subf %gather3A_159, %get3A_161 : vector<16xf32>
    %max3A_163 = arith.constant 0.000000e+00 : f32
    %max3A_164 = vector.broadcast %max3A_163 : f32 to vector<16xf32>
    %max3A_165 = arith.maximumf %sub3A_162, %max3A_164 : vector<16xf32>
    %mul3A_166 = arith.mulf %max3A_165, %max3A_165 : vector<16xf32>
    %swap3A_167 = arith.constant 64 : index
    %swap3A_168 = tpu.vector_load %arg10[%swap3A_167] {strides = array<i32>} : memref<256xf32, #tpu.memory_space<vmem>>, vector<16xf32>,
    tpu.vector_store %arg10[%swap3A_167], %mul3A_166 {strides = array<i32>} : memref<256xf32, #tpu.memory_space<vmem>>, vector<16xf32>,
    %add3A_169 = arith.constant 16 : i32
    %add3A_170 = vector.broadcast %add3A_169 : i32 to vector<16xi32>
    %add3A_171 = arith.addi %iota3A, %add3A_170 : vector<16xi32>
    %broadcast_in_dim3A_172 = arith.constant 0xFF800000 : f32
    %broadcast_in_dim3A_173 = vector.broadcast %broadcast_in_dim3A_172 : f32 to vector<16xf32>
    %broadcast_in_dim3A_174 = arith.constant 0 : i32
    %broadcast_in_dim3A_175 = vector.broadcast %broadcast_in_dim3A_174 : i32 to vector<16xi32>
    %scan3A_176 = arith.constant 0 : i32
    %scan3A_177 = arith.constant 125 : i32
    %scan3A_178 = arith.addi %scan3A_176, %scan3A_177 : i32
    %scan3A_179 = arith.constant 1 : i32
    %scan3A_180:2 = scf.for %scan3A_478 = %scan3A_176 to %scan3A_178 step %scan3A_179 iter_args(%scan3A_479 = %broadcast_in_dim3A_173, %scan3A_480 = %broadcast_in_dim3A_175) -> (vector<16xf32>, vector<16xi32>)  : i32 {
      %mul3A_481 = arith.constant 8 : i32
      %mul3A_482 = arith.muli %scan3A_478, %mul3A_481 : i32
      %broadcast_in_dim3A_483 = vector.broadcast %mul3A_482 : i32 to vector<16xi32>
      %add3A_484 = arith.addi %broadcast_in_dim3A_483, %broadcast_in_dim3A_10 : vector<16xi32>
      %gather3A_485 = tpu.vector_load_idx %arg6[%add3A_171, %add3A_484] : memref<32x1000xf32, #tpu.memory_space<vmem>>[vector<16xi32>, vector<16xi32>], vector<16xf32>,
      %add3A_486 = arith.addi %broadcast_in_dim3A_483, %broadcast_in_dim3A_12 : vector<16xi32>
      %gather3A_487 = tpu.vector_load_idx %arg6[%add3A_171, %add3A_486] : memref<32x1000xf32, #tpu.memory_space<vmem>>[vector<16xi32>, vector<16xi32>], vector<16xf32>,
      %add3A_488 = arith.addi %broadcast_in_dim3A_483, %broadcast_in_dim3A_14 : vector<16xi32>
      %gather3A_489 = tpu.vector_load_idx %arg6[%add3A_171, %add3A_488] : memref<32x1000xf32, #tpu.memory_space<vmem>>[vector<16xi32>, vector<16xi32>], vector<16xf32>,
      %add3A_490 = arith.addi %broadcast_in_dim3A_483, %broadcast_in_dim3A_16 : vector<16xi32>
      %gather3A_491 = tpu.vector_load_idx %arg6[%add3A_171, %add3A_490] : memref<32x1000xf32, #tpu.memory_space<vmem>>[vector<16xi32>, vector<16xi32>], vector<16xf32>,
      %add3A_492 = arith.addi %broadcast_in_dim3A_483, %broadcast_in_dim3A_18 : vector<16xi32>
      %gather3A_493 = tpu.vector_load_idx %arg6[%add3A_171, %add3A_492] : memref<32x1000xf32, #tpu.memory_space<vmem>>[vector<16xi32>, vector<16xi32>], vector<16xf32>,
      %add3A_494 = arith.addi %broadcast_in_dim3A_483, %broadcast_in_dim3A_20 : vector<16xi32>
      %gather3A_495 = tpu.vector_load_idx %arg6[%add3A_171, %add3A_494] : memref<32x1000xf32, #tpu.memory_space<vmem>>[vector<16xi32>, vector<16xi32>], vector<16xf32>,
      %add3A_496 = arith.addi %broadcast_in_dim3A_483, %broadcast_in_dim3A_22 : vector<16xi32>
      %gather3A_497 = tpu.vector_load_idx %arg6[%add3A_171, %add3A_496] : memref<32x1000xf32, #tpu.memory_space<vmem>>[vector<16xi32>, vector<16xi32>], vector<16xf32>,
      %add3A_498 = arith.addi %broadcast_in_dim3A_483, %broadcast_in_dim3A_24 : vector<16xi32>
      %gather3A_499 = tpu.vector_load_idx %arg6[%add3A_171, %add3A_498] : memref<32x1000xf32, #tpu.memory_space<vmem>>[vector<16xi32>, vector<16xi32>], vector<16xf32>,
      %gt3A = arith.cmpf ogt, %gather3A_487, %gather3A_485 : vector<16xf32>
      %select_n3A = arith.select %gt3A, %gather3A_487, %gather3A_485 : vector<16xi1>, vector<16xf32>
      %select_n3A_500 = arith.select %gt3A, %broadcast_in_dim3A_12, %broadcast_in_dim3A_10 : vector<16xi1>, vector<16xi32>
      %gt3A_501 = arith.cmpf ogt, %gather3A_491, %gather3A_489 : vector<16xf32>
      %select_n3A_502 = arith.select %gt3A_501, %gather3A_491, %gather3A_489 : vector<16xi1>, vector<16xf32>
      %select_n3A_503 = arith.select %gt3A_501, %broadcast_in_dim3A_16, %broadcast_in_dim3A_14 : vector<16xi1>, vector<16xi32>
      %gt3A_504 = arith.cmpf ogt, %gather3A_495, %gather3A_493 : vector<16xf32>
      %select_n3A_505 = arith.select %gt3A_504, %gather3A_495, %gather3A_493 : vector<16xi1>, vector<16xf32>
      %select_n3A_506 = arith.select %gt3A_504, %broadcast_in_dim3A_20, %broadcast_in_dim3A_18 : vector<16xi1>, vector<16xi32>
      %gt3A_507 = arith.cmpf ogt, %gather3A_499, %gather3A_497 : vector<16xf32>
      %select_n3A_508 = arith.select %gt3A_507, %gather3A_499, %gather3A_497 : vector<16xi1>, vector<16xf32>
      %select_n3A_509 = arith.select %gt3A_507, %broadcast_in_dim3A_24, %broadcast_in_dim3A_22 : vector<16xi1>, vector<16xi32>
      %gt3A_510 = arith.cmpf ogt, %select_n3A_502, %select_n3A : vector<16xf32>
      %select_n3A_511 = arith.select %gt3A_510, %select_n3A_502, %select_n3A : vector<16xi1>, vector<16xf32>
      %select_n3A_512 = arith.select %gt3A_510, %select_n3A_503, %select_n3A_500 : vector<16xi1>, vector<16xi32>
      %gt3A_513 = arith.cmpf ogt, %select_n3A_508, %select_n3A_505 : vector<16xf32>
      %select_n3A_514 = arith.select %gt3A_513, %select_n3A_508, %select_n3A_505 : vector<16xi1>, vector<16xf32>
      %select_n3A_515 = arith.select %gt3A_513, %select_n3A_509, %select_n3A_506 : vector<16xi1>, vector<16xi32>
      %gt3A_516 = arith.cmpf ogt, %select_n3A_514, %select_n3A_511 : vector<16xf32>
      %select_n3A_517 = arith.select %gt3A_516, %select_n3A_514, %select_n3A_511 : vector<16xi1>, vector<16xf32>
      %select_n3A_518 = arith.select %gt3A_516, %select_n3A_515, %select_n3A_512 : vector<16xi1>, vector<16xi32>
      %add3A_519 = arith.addi %broadcast_in_dim3A_483, %select_n3A_518 : vector<16xi32>
      %gt3A_520 = arith.cmpf ogt, %select_n3A_517, %scan3A_479 : vector<16xf32>
      %select_n3A_521 = arith.select %gt3A_520, %select_n3A_517, %scan3A_479 : vector<16xi1>, vector<16xf32>
      %select_n3A_522 = arith.select %gt3A_520, %add3A_519, %scan3A_480 : vector<16xi1>, vector<16xi32>
      scf.yield %select_n3A_521, %select_n3A_522 : vector<16xf32>, vector<16xi32>
    }
    %scan3A_181 = arith.constant 125 : i32
    %gather3A_182 = tpu.vector_load_idx %arg8[%scan3A_180#1] : memref<1000xf32, #tpu.memory_space<vmem>>[vector<16xi32>], vector<16xf32>,
    %get3A_183 = arith.constant 80 : index
    %get3A_184 = tpu.vector_load %arg9[%get3A_183] {strides = array<i32>} : memref<256xf32, #tpu.memory_space<vmem>>, vector<16xf32>,
    %sub3A_185 = arith.subf %gather3A_182, %get3A_184 : vector<16xf32>
    %max3A_186 = arith.constant 0.000000e+00 : f32
    %max3A_187 = vector.broadcast %max3A_186 : f32 to vector<16xf32>
    %max3A_188 = arith.maximumf %sub3A_185, %max3A_187 : vector<16xf32>
    %mul3A_189 = arith.mulf %max3A_188, %max3A_188 : vector<16xf32>
    %swap3A_190 = arith.constant 80 : index
    %swap3A_191 = tpu.vector_load %arg10[%swap3A_190] {strides = array<i32>} : memref<256xf32, #tpu.memory_space<vmem>>, vector<16xf32>,
    tpu.vector_store %arg10[%swap3A_190], %mul3A_189 {strides = array<i32>} : memref<256xf32, #tpu.memory_space<vmem>>, vector<16xf32>,
    %add3A_192 = arith.constant 96 : i32
    %add3A_193 = arith.addi %add3A_4, %add3A_192 : i32
    %dma_wait3A_194 = arith.constant 0 : i32
    %dma_wait3A_195 = tpu.memref_slice %arg2[%add3A_193, %dma_wait3A_194] : memref<16384x1000xf32, #tpu.memory_space<hbm>> -> memref<32x1000xf32, #tpu.memory_space<hbm>>
    %dma_wait3A_196 = arith.constant 0 : i32
    %dma_wait3A_197 = tpu.memref_slice %arg2[%add3A_193, %dma_wait3A_196] : memref<16384x1000xf32, #tpu.memory_space<hbm>> -> memref<32x1000xf32, #tpu.memory_space<hbm>>
    tpu.wait_dma2 semaphore(%arg12 : memref<!tpu.dma_semaphore, #tpu.memory_space<semaphore_mem>>) src(%dma_wait3A_197 : memref<32x1000xf32, #tpu.memory_space<hbm>>) dst(%arg7 : memref<32x1000xf32, #tpu.memory_space<vmem>>)
    %add3A_198 = arith.constant 128 : i32
    %add3A_199 = arith.addi %add3A_4, %add3A_198 : i32
    %dma_start3A_200 = arith.constant 0 : i32
    %dma_start3A_201 = tpu.memref_slice %arg2[%add3A_199, %dma_start3A_200] : memref<16384x1000xf32, #tpu.memory_space<hbm>> -> memref<32x1000xf32, #tpu.memory_space<hbm>>
    %dma_start3A_202 = arith.constant 0 : i32
    %dma_start3A_203 = tpu.memref_slice %arg2[%add3A_199, %dma_start3A_202] : memref<16384x1000xf32, #tpu.memory_space<hbm>> -> memref<32x1000xf32, #tpu.memory_space<hbm>>
    tpu.enqueue_dma source(%dma_start3A_203 : memref<32x1000xf32, #tpu.memory_space<hbm>>) target(%arg6 : memref<32x1000xf32, #tpu.memory_space<vmem>>) target_semaphore(%arg11 : memref<!tpu.dma_semaphore, #tpu.memory_space<semaphore_mem>>)
    %add3A_204 = arith.constant 0 : i32
    %add3A_205 = vector.broadcast %add3A_204 : i32 to vector<16xi32>
    %add3A_206 = arith.addi %iota3A, %add3A_205 : vector<16xi32>
    %broadcast_in_dim3A_207 = arith.constant 0xFF800000 : f32
    %broadcast_in_dim3A_208 = vector.broadcast %broadcast_in_dim3A_207 : f32 to vector<16xf32>
    %broadcast_in_dim3A_209 = arith.constant 0 : i32
    %broadcast_in_dim3A_210 = vector.broadcast %broadcast_in_dim3A_209 : i32 to vector<16xi32>
    %scan3A_211 = arith.constant 0 : i32
    %scan3A_212 = arith.constant 125 : i32
    %scan3A_213 = arith.addi %scan3A_211, %scan3A_212 : i32
    %scan3A_214 = arith.constant 1 : i32
    %scan3A_215:2 = scf.for %scan3A_478 = %scan3A_211 to %scan3A_213 step %scan3A_214 iter_args(%scan3A_479 = %broadcast_in_dim3A_208, %scan3A_480 = %broadcast_in_dim3A_210) -> (vector<16xf32>, vector<16xi32>)  : i32 {
      %mul3A_481 = arith.constant 8 : i32
      %mul3A_482 = arith.muli %scan3A_478, %mul3A_481 : i32
      %broadcast_in_dim3A_483 = vector.broadcast %mul3A_482 : i32 to vector<16xi32>
      %add3A_484 = arith.addi %broadcast_in_dim3A_483, %broadcast_in_dim3A_10 : vector<16xi32>
      %gather3A_485 = tpu.vector_load_idx %arg7[%add3A_206, %add3A_484] : memref<32x1000xf32, #tpu.memory_space<vmem>>[vector<16xi32>, vector<16xi32>], vector<16xf32>,
      %add3A_486 = arith.addi %broadcast_in_dim3A_483, %broadcast_in_dim3A_12 : vector<16xi32>
      %gather3A_487 = tpu.vector_load_idx %arg7[%add3A_206, %add3A_486] : memref<32x1000xf32, #tpu.memory_space<vmem>>[vector<16xi32>, vector<16xi32>], vector<16xf32>,
      %add3A_488 = arith.addi %broadcast_in_dim3A_483, %broadcast_in_dim3A_14 : vector<16xi32>
      %gather3A_489 = tpu.vector_load_idx %arg7[%add3A_206, %add3A_488] : memref<32x1000xf32, #tpu.memory_space<vmem>>[vector<16xi32>, vector<16xi32>], vector<16xf32>,
      %add3A_490 = arith.addi %broadcast_in_dim3A_483, %broadcast_in_dim3A_16 : vector<16xi32>
      %gather3A_491 = tpu.vector_load_idx %arg7[%add3A_206, %add3A_490] : memref<32x1000xf32, #tpu.memory_space<vmem>>[vector<16xi32>, vector<16xi32>], vector<16xf32>,
      %add3A_492 = arith.addi %broadcast_in_dim3A_483, %broadcast_in_dim3A_18 : vector<16xi32>
      %gather3A_493 = tpu.vector_load_idx %arg7[%add3A_206, %add3A_492] : memref<32x1000xf32, #tpu.memory_space<vmem>>[vector<16xi32>, vector<16xi32>], vector<16xf32>,
      %add3A_494 = arith.addi %broadcast_in_dim3A_483, %broadcast_in_dim3A_20 : vector<16xi32>
      %gather3A_495 = tpu.vector_load_idx %arg7[%add3A_206, %add3A_494] : memref<32x1000xf32, #tpu.memory_space<vmem>>[vector<16xi32>, vector<16xi32>], vector<16xf32>,
      %add3A_496 = arith.addi %broadcast_in_dim3A_483, %broadcast_in_dim3A_22 : vector<16xi32>
      %gather3A_497 = tpu.vector_load_idx %arg7[%add3A_206, %add3A_496] : memref<32x1000xf32, #tpu.memory_space<vmem>>[vector<16xi32>, vector<16xi32>], vector<16xf32>,
      %add3A_498 = arith.addi %broadcast_in_dim3A_483, %broadcast_in_dim3A_24 : vector<16xi32>
      %gather3A_499 = tpu.vector_load_idx %arg7[%add3A_206, %add3A_498] : memref<32x1000xf32, #tpu.memory_space<vmem>>[vector<16xi32>, vector<16xi32>], vector<16xf32>,
      %gt3A = arith.cmpf ogt, %gather3A_487, %gather3A_485 : vector<16xf32>
      %select_n3A = arith.select %gt3A, %gather3A_487, %gather3A_485 : vector<16xi1>, vector<16xf32>
      %select_n3A_500 = arith.select %gt3A, %broadcast_in_dim3A_12, %broadcast_in_dim3A_10 : vector<16xi1>, vector<16xi32>
      %gt3A_501 = arith.cmpf ogt, %gather3A_491, %gather3A_489 : vector<16xf32>
      %select_n3A_502 = arith.select %gt3A_501, %gather3A_491, %gather3A_489 : vector<16xi1>, vector<16xf32>
      %select_n3A_503 = arith.select %gt3A_501, %broadcast_in_dim3A_16, %broadcast_in_dim3A_14 : vector<16xi1>, vector<16xi32>
      %gt3A_504 = arith.cmpf ogt, %gather3A_495, %gather3A_493 : vector<16xf32>
      %select_n3A_505 = arith.select %gt3A_504, %gather3A_495, %gather3A_493 : vector<16xi1>, vector<16xf32>
      %select_n3A_506 = arith.select %gt3A_504, %broadcast_in_dim3A_20, %broadcast_in_dim3A_18 : vector<16xi1>, vector<16xi32>
      %gt3A_507 = arith.cmpf ogt, %gather3A_499, %gather3A_497 : vector<16xf32>
      %select_n3A_508 = arith.select %gt3A_507, %gather3A_499, %gather3A_497 : vector<16xi1>, vector<16xf32>
      %select_n3A_509 = arith.select %gt3A_507, %broadcast_in_dim3A_24, %broadcast_in_dim3A_22 : vector<16xi1>, vector<16xi32>
      %gt3A_510 = arith.cmpf ogt, %select_n3A_502, %select_n3A : vector<16xf32>
      %select_n3A_511 = arith.select %gt3A_510, %select_n3A_502, %select_n3A : vector<16xi1>, vector<16xf32>
      %select_n3A_512 = arith.select %gt3A_510, %select_n3A_503, %select_n3A_500 : vector<16xi1>, vector<16xi32>
      %gt3A_513 = arith.cmpf ogt, %select_n3A_508, %select_n3A_505 : vector<16xf32>
      %select_n3A_514 = arith.select %gt3A_513, %select_n3A_508, %select_n3A_505 : vector<16xi1>, vector<16xf32>
      %select_n3A_515 = arith.select %gt3A_513, %select_n3A_509, %select_n3A_506 : vector<16xi1>, vector<16xi32>
      %gt3A_516 = arith.cmpf ogt, %select_n3A_514, %select_n3A_511 : vector<16xf32>
      %select_n3A_517 = arith.select %gt3A_516, %select_n3A_514, %select_n3A_511 : vector<16xi1>, vector<16xf32>
      %select_n3A_518 = arith.select %gt3A_516, %select_n3A_515, %select_n3A_512 : vector<16xi1>, vector<16xi32>
      %add3A_519 = arith.addi %broadcast_in_dim3A_483, %select_n3A_518 : vector<16xi32>
      %gt3A_520 = arith.cmpf ogt, %select_n3A_517, %scan3A_479 : vector<16xf32>
      %select_n3A_521 = arith.select %gt3A_520, %select_n3A_517, %scan3A_479 : vector<16xi1>, vector<16xf32>
      %select_n3A_522 = arith.select %gt3A_520, %add3A_519, %scan3A_480 : vector<16xi1>, vector<16xi32>
      scf.yield %select_n3A_521, %select_n3A_522 : vector<16xf32>, vector<16xi32>
    }
    %scan3A_216 = arith.constant 125 : i32
    %gather3A_217 = tpu.vector_load_idx %arg8[%scan3A_215#1] : memref<1000xf32, #tpu.memory_space<vmem>>[vector<16xi32>], vector<16xf32>,
    %get3A_218 = arith.constant 96 : index
    %get3A_219 = tpu.vector_load %arg9[%get3A_218] {strides = array<i32>} : memref<256xf32, #tpu.memory_space<vmem>>, vector<16xf32>,
    %sub3A_220 = arith.subf %gather3A_217, %get3A_219 : vector<16xf32>
    %max3A_221 = arith.constant 0.000000e+00 : f32
    %max3A_222 = vector.broadcast %max3A_221 : f32 to vector<16xf32>
    %max3A_223 = arith.maximumf %sub3A_220, %max3A_222 : vector<16xf32>
    %mul3A_224 = arith.mulf %max3A_223, %max3A_223 : vector<16xf32>
    %swap3A_225 = arith.constant 96 : index
    %swap3A_226 = tpu.vector_load %arg10[%swap3A_225] {strides = array<i32>} : memref<256xf32, #tpu.memory_space<vmem>>, vector<16xf32>,
    tpu.vector_store %arg10[%swap3A_225], %mul3A_224 {strides = array<i32>} : memref<256xf32, #tpu.memory_space<vmem>>, vector<16xf32>,
    %add3A_227 = arith.constant 16 : i32
    %add3A_228 = vector.broadcast %add3A_227 : i32 to vector<16xi32>
    %add3A_229 = arith.addi %iota3A, %add3A_228 : vector<16xi32>
    %broadcast_in_dim3A_230 = arith.constant 0xFF800000 : f32
    %broadcast_in_dim3A_231 = vector.broadcast %broadcast_in_dim3A_230 : f32 to vector<16xf32>
    %broadcast_in_dim3A_232 = arith.constant 0 : i32
    %broadcast_in_dim3A_233 = vector.broadcast %broadcast_in_dim3A_232 : i32 to vector<16xi32>
    %scan3A_234 = arith.constant 0 : i32
    %scan3A_235 = arith.constant 125 : i32
    %scan3A_236 = arith.addi %scan3A_234, %scan3A_235 : i32
    %scan3A_237 = arith.constant 1 : i32
    %scan3A_238:2 = scf.for %scan3A_478 = %scan3A_234 to %scan3A_236 step %scan3A_237 iter_args(%scan3A_479 = %broadcast_in_dim3A_231, %scan3A_480 = %broadcast_in_dim3A_233) -> (vector<16xf32>, vector<16xi32>)  : i32 {
      %mul3A_481 = arith.constant 8 : i32
      %mul3A_482 = arith.muli %scan3A_478, %mul3A_481 : i32
      %broadcast_in_dim3A_483 = vector.broadcast %mul3A_482 : i32 to vector<16xi32>
      %add3A_484 = arith.addi %broadcast_in_dim3A_483, %broadcast_in_dim3A_10 : vector<16xi32>
      %gather3A_485 = tpu.vector_load_idx %arg7[%add3A_229, %add3A_484] : memref<32x1000xf32, #tpu.memory_space<vmem>>[vector<16xi32>, vector<16xi32>], vector<16xf32>,
      %add3A_486 = arith.addi %broadcast_in_dim3A_483, %broadcast_in_dim3A_12 : vector<16xi32>
      %gather3A_487 = tpu.vector_load_idx %arg7[%add3A_229, %add3A_486] : memref<32x1000xf32, #tpu.memory_space<vmem>>[vector<16xi32>, vector<16xi32>], vector<16xf32>,
      %add3A_488 = arith.addi %broadcast_in_dim3A_483, %broadcast_in_dim3A_14 : vector<16xi32>
      %gather3A_489 = tpu.vector_load_idx %arg7[%add3A_229, %add3A_488] : memref<32x1000xf32, #tpu.memory_space<vmem>>[vector<16xi32>, vector<16xi32>], vector<16xf32>,
      %add3A_490 = arith.addi %broadcast_in_dim3A_483, %broadcast_in_dim3A_16 : vector<16xi32>
      %gather3A_491 = tpu.vector_load_idx %arg7[%add3A_229, %add3A_490] : memref<32x1000xf32, #tpu.memory_space<vmem>>[vector<16xi32>, vector<16xi32>], vector<16xf32>,
      %add3A_492 = arith.addi %broadcast_in_dim3A_483, %broadcast_in_dim3A_18 : vector<16xi32>
      %gather3A_493 = tpu.vector_load_idx %arg7[%add3A_229, %add3A_492] : memref<32x1000xf32, #tpu.memory_space<vmem>>[vector<16xi32>, vector<16xi32>], vector<16xf32>,
      %add3A_494 = arith.addi %broadcast_in_dim3A_483, %broadcast_in_dim3A_20 : vector<16xi32>
      %gather3A_495 = tpu.vector_load_idx %arg7[%add3A_229, %add3A_494] : memref<32x1000xf32, #tpu.memory_space<vmem>>[vector<16xi32>, vector<16xi32>], vector<16xf32>,
      %add3A_496 = arith.addi %broadcast_in_dim3A_483, %broadcast_in_dim3A_22 : vector<16xi32>
      %gather3A_497 = tpu.vector_load_idx %arg7[%add3A_229, %add3A_496] : memref<32x1000xf32, #tpu.memory_space<vmem>>[vector<16xi32>, vector<16xi32>], vector<16xf32>,
      %add3A_498 = arith.addi %broadcast_in_dim3A_483, %broadcast_in_dim3A_24 : vector<16xi32>
      %gather3A_499 = tpu.vector_load_idx %arg7[%add3A_229, %add3A_498] : memref<32x1000xf32, #tpu.memory_space<vmem>>[vector<16xi32>, vector<16xi32>], vector<16xf32>,
      %gt3A = arith.cmpf ogt, %gather3A_487, %gather3A_485 : vector<16xf32>
      %select_n3A = arith.select %gt3A, %gather3A_487, %gather3A_485 : vector<16xi1>, vector<16xf32>
      %select_n3A_500 = arith.select %gt3A, %broadcast_in_dim3A_12, %broadcast_in_dim3A_10 : vector<16xi1>, vector<16xi32>
      %gt3A_501 = arith.cmpf ogt, %gather3A_491, %gather3A_489 : vector<16xf32>
      %select_n3A_502 = arith.select %gt3A_501, %gather3A_491, %gather3A_489 : vector<16xi1>, vector<16xf32>
      %select_n3A_503 = arith.select %gt3A_501, %broadcast_in_dim3A_16, %broadcast_in_dim3A_14 : vector<16xi1>, vector<16xi32>
      %gt3A_504 = arith.cmpf ogt, %gather3A_495, %gather3A_493 : vector<16xf32>
      %select_n3A_505 = arith.select %gt3A_504, %gather3A_495, %gather3A_493 : vector<16xi1>, vector<16xf32>
      %select_n3A_506 = arith.select %gt3A_504, %broadcast_in_dim3A_20, %broadcast_in_dim3A_18 : vector<16xi1>, vector<16xi32>
      %gt3A_507 = arith.cmpf ogt, %gather3A_499, %gather3A_497 : vector<16xf32>
      %select_n3A_508 = arith.select %gt3A_507, %gather3A_499, %gather3A_497 : vector<16xi1>, vector<16xf32>
      %select_n3A_509 = arith.select %gt3A_507, %broadcast_in_dim3A_24, %broadcast_in_dim3A_22 : vector<16xi1>, vector<16xi32>
      %gt3A_510 = arith.cmpf ogt, %select_n3A_502, %select_n3A : vector<16xf32>
      %select_n3A_511 = arith.select %gt3A_510, %select_n3A_502, %select_n3A : vector<16xi1>, vector<16xf32>
      %select_n3A_512 = arith.select %gt3A_510, %select_n3A_503, %select_n3A_500 : vector<16xi1>, vector<16xi32>
      %gt3A_513 = arith.cmpf ogt, %select_n3A_508, %select_n3A_505 : vector<16xf32>
      %select_n3A_514 = arith.select %gt3A_513, %select_n3A_508, %select_n3A_505 : vector<16xi1>, vector<16xf32>
      %select_n3A_515 = arith.select %gt3A_513, %select_n3A_509, %select_n3A_506 : vector<16xi1>, vector<16xi32>
      %gt3A_516 = arith.cmpf ogt, %select_n3A_514, %select_n3A_511 : vector<16xf32>
      %select_n3A_517 = arith.select %gt3A_516, %select_n3A_514, %select_n3A_511 : vector<16xi1>, vector<16xf32>
      %select_n3A_518 = arith.select %gt3A_516, %select_n3A_515, %select_n3A_512 : vector<16xi1>, vector<16xi32>
      %add3A_519 = arith.addi %broadcast_in_dim3A_483, %select_n3A_518 : vector<16xi32>
      %gt3A_520 = arith.cmpf ogt, %select_n3A_517, %scan3A_479 : vector<16xf32>
      %select_n3A_521 = arith.select %gt3A_520, %select_n3A_517, %scan3A_479 : vector<16xi1>, vector<16xf32>
      %select_n3A_522 = arith.select %gt3A_520, %add3A_519, %scan3A_480 : vector<16xi1>, vector<16xi32>
      scf.yield %select_n3A_521, %select_n3A_522 : vector<16xf32>, vector<16xi32>
    }
    %scan3A_239 = arith.constant 125 : i32
    %gather3A_240 = tpu.vector_load_idx %arg8[%scan3A_238#1] : memref<1000xf32, #tpu.memory_space<vmem>>[vector<16xi32>], vector<16xf32>,
    %get3A_241 = arith.constant 112 : index
    %get3A_242 = tpu.vector_load %arg9[%get3A_241] {strides = array<i32>} : memref<256xf32, #tpu.memory_space<vmem>>, vector<16xf32>,
    %sub3A_243 = arith.subf %gather3A_240, %get3A_242 : vector<16xf32>
    %max3A_244 = arith.constant 0.000000e+00 : f32
    %max3A_245 = vector.broadcast %max3A_244 : f32 to vector<16xf32>
    %max3A_246 = arith.maximumf %sub3A_243, %max3A_245 : vector<16xf32>
    %mul3A_247 = arith.mulf %max3A_246, %max3A_246 : vector<16xf32>
    %swap3A_248 = arith.constant 112 : index
    %swap3A_249 = tpu.vector_load %arg10[%swap3A_248] {strides = array<i32>} : memref<256xf32, #tpu.memory_space<vmem>>, vector<16xf32>,
    tpu.vector_store %arg10[%swap3A_248], %mul3A_247 {strides = array<i32>} : memref<256xf32, #tpu.memory_space<vmem>>, vector<16xf32>,
    %add3A_250 = arith.constant 128 : i32
    %add3A_251 = arith.addi %add3A_4, %add3A_250 : i32
    %dma_wait3A_252 = arith.constant 0 : i32
    %dma_wait3A_253 = tpu.memref_slice %arg2[%add3A_251, %dma_wait3A_252] : memref<16384x1000xf32, #tpu.memory_space<hbm>> -> memref<32x1000xf32, #tpu.memory_space<hbm>>
    %dma_wait3A_254 = arith.constant 0 : i32
    %dma_wait3A_255 = tpu.memref_slice %arg2[%add3A_251, %dma_wait3A_254] : memref<16384x1000xf32, #tpu.memory_space<hbm>> -> memref<32x1000xf32, #tpu.memory_space<hbm>>
    tpu.wait_dma2 semaphore(%arg11 : memref<!tpu.dma_semaphore, #tpu.memory_space<semaphore_mem>>) src(%dma_wait3A_255 : memref<32x1000xf32, #tpu.memory_space<hbm>>) dst(%arg6 : memref<32x1000xf32, #tpu.memory_space<vmem>>)
    %add3A_256 = arith.constant 160 : i32
    %add3A_257 = arith.addi %add3A_4, %add3A_256 : i32
    %dma_start3A_258 = arith.constant 0 : i32
    %dma_start3A_259 = tpu.memref_slice %arg2[%add3A_257, %dma_start3A_258] : memref<16384x1000xf32, #tpu.memory_space<hbm>> -> memref<32x1000xf32, #tpu.memory_space<hbm>>
    %dma_start3A_260 = arith.constant 0 : i32
    %dma_start3A_261 = tpu.memref_slice %arg2[%add3A_257, %dma_start3A_260] : memref<16384x1000xf32, #tpu.memory_space<hbm>> -> memref<32x1000xf32, #tpu.memory_space<hbm>>
    tpu.enqueue_dma source(%dma_start3A_261 : memref<32x1000xf32, #tpu.memory_space<hbm>>) target(%arg7 : memref<32x1000xf32, #tpu.memory_space<vmem>>) target_semaphore(%arg12 : memref<!tpu.dma_semaphore, #tpu.memory_space<semaphore_mem>>)
    %add3A_262 = arith.constant 0 : i32
    %add3A_263 = vector.broadcast %add3A_262 : i32 to vector<16xi32>
    %add3A_264 = arith.addi %iota3A, %add3A_263 : vector<16xi32>
    %broadcast_in_dim3A_265 = arith.constant 0xFF800000 : f32
    %broadcast_in_dim3A_266 = vector.broadcast %broadcast_in_dim3A_265 : f32 to vector<16xf32>
    %broadcast_in_dim3A_267 = arith.constant 0 : i32
    %broadcast_in_dim3A_268 = vector.broadcast %broadcast_in_dim3A_267 : i32 to vector<16xi32>
    %scan3A_269 = arith.constant 0 : i32
    %scan3A_270 = arith.constant 125 : i32
    %scan3A_271 = arith.addi %scan3A_269, %scan3A_270 : i32
    %scan3A_272 = arith.constant 1 : i32
    %scan3A_273:2 = scf.for %scan3A_478 = %scan3A_269 to %scan3A_271 step %scan3A_272 iter_args(%scan3A_479 = %broadcast_in_dim3A_266, %scan3A_480 = %broadcast_in_dim3A_268) -> (vector<16xf32>, vector<16xi32>)  : i32 {
      %mul3A_481 = arith.constant 8 : i32
      %mul3A_482 = arith.muli %scan3A_478, %mul3A_481 : i32
      %broadcast_in_dim3A_483 = vector.broadcast %mul3A_482 : i32 to vector<16xi32>
      %add3A_484 = arith.addi %broadcast_in_dim3A_483, %broadcast_in_dim3A_10 : vector<16xi32>
      %gather3A_485 = tpu.vector_load_idx %arg6[%add3A_264, %add3A_484] : memref<32x1000xf32, #tpu.memory_space<vmem>>[vector<16xi32>, vector<16xi32>], vector<16xf32>,
      %add3A_486 = arith.addi %broadcast_in_dim3A_483, %broadcast_in_dim3A_12 : vector<16xi32>
      %gather3A_487 = tpu.vector_load_idx %arg6[%add3A_264, %add3A_486] : memref<32x1000xf32, #tpu.memory_space<vmem>>[vector<16xi32>, vector<16xi32>], vector<16xf32>,
      %add3A_488 = arith.addi %broadcast_in_dim3A_483, %broadcast_in_dim3A_14 : vector<16xi32>
      %gather3A_489 = tpu.vector_load_idx %arg6[%add3A_264, %add3A_488] : memref<32x1000xf32, #tpu.memory_space<vmem>>[vector<16xi32>, vector<16xi32>], vector<16xf32>,
      %add3A_490 = arith.addi %broadcast_in_dim3A_483, %broadcast_in_dim3A_16 : vector<16xi32>
      %gather3A_491 = tpu.vector_load_idx %arg6[%add3A_264, %add3A_490] : memref<32x1000xf32, #tpu.memory_space<vmem>>[vector<16xi32>, vector<16xi32>], vector<16xf32>,
      %add3A_492 = arith.addi %broadcast_in_dim3A_483, %broadcast_in_dim3A_18 : vector<16xi32>
      %gather3A_493 = tpu.vector_load_idx %arg6[%add3A_264, %add3A_492] : memref<32x1000xf32, #tpu.memory_space<vmem>>[vector<16xi32>, vector<16xi32>], vector<16xf32>,
      %add3A_494 = arith.addi %broadcast_in_dim3A_483, %broadcast_in_dim3A_20 : vector<16xi32>
      %gather3A_495 = tpu.vector_load_idx %arg6[%add3A_264, %add3A_494] : memref<32x1000xf32, #tpu.memory_space<vmem>>[vector<16xi32>, vector<16xi32>], vector<16xf32>,
      %add3A_496 = arith.addi %broadcast_in_dim3A_483, %broadcast_in_dim3A_22 : vector<16xi32>
      %gather3A_497 = tpu.vector_load_idx %arg6[%add3A_264, %add3A_496] : memref<32x1000xf32, #tpu.memory_space<vmem>>[vector<16xi32>, vector<16xi32>], vector<16xf32>,
      %add3A_498 = arith.addi %broadcast_in_dim3A_483, %broadcast_in_dim3A_24 : vector<16xi32>
      %gather3A_499 = tpu.vector_load_idx %arg6[%add3A_264, %add3A_498] : memref<32x1000xf32, #tpu.memory_space<vmem>>[vector<16xi32>, vector<16xi32>], vector<16xf32>,
      %gt3A = arith.cmpf ogt, %gather3A_487, %gather3A_485 : vector<16xf32>
      %select_n3A = arith.select %gt3A, %gather3A_487, %gather3A_485 : vector<16xi1>, vector<16xf32>
      %select_n3A_500 = arith.select %gt3A, %broadcast_in_dim3A_12, %broadcast_in_dim3A_10 : vector<16xi1>, vector<16xi32>
      %gt3A_501 = arith.cmpf ogt, %gather3A_491, %gather3A_489 : vector<16xf32>
      %select_n3A_502 = arith.select %gt3A_501, %gather3A_491, %gather3A_489 : vector<16xi1>, vector<16xf32>
      %select_n3A_503 = arith.select %gt3A_501, %broadcast_in_dim3A_16, %broadcast_in_dim3A_14 : vector<16xi1>, vector<16xi32>
      %gt3A_504 = arith.cmpf ogt, %gather3A_495, %gather3A_493 : vector<16xf32>
      %select_n3A_505 = arith.select %gt3A_504, %gather3A_495, %gather3A_493 : vector<16xi1>, vector<16xf32>
      %select_n3A_506 = arith.select %gt3A_504, %broadcast_in_dim3A_20, %broadcast_in_dim3A_18 : vector<16xi1>, vector<16xi32>
      %gt3A_507 = arith.cmpf ogt, %gather3A_499, %gather3A_497 : vector<16xf32>
      %select_n3A_508 = arith.select %gt3A_507, %gather3A_499, %gather3A_497 : vector<16xi1>, vector<16xf32>
      %select_n3A_509 = arith.select %gt3A_507, %broadcast_in_dim3A_24, %broadcast_in_dim3A_22 : vector<16xi1>, vector<16xi32>
      %gt3A_510 = arith.cmpf ogt, %select_n3A_502, %select_n3A : vector<16xf32>
      %select_n3A_511 = arith.select %gt3A_510, %select_n3A_502, %select_n3A : vector<16xi1>, vector<16xf32>
      %select_n3A_512 = arith.select %gt3A_510, %select_n3A_503, %select_n3A_500 : vector<16xi1>, vector<16xi32>
      %gt3A_513 = arith.cmpf ogt, %select_n3A_508, %select_n3A_505 : vector<16xf32>
      %select_n3A_514 = arith.select %gt3A_513, %select_n3A_508, %select_n3A_505 : vector<16xi1>, vector<16xf32>
      %select_n3A_515 = arith.select %gt3A_513, %select_n3A_509, %select_n3A_506 : vector<16xi1>, vector<16xi32>
      %gt3A_516 = arith.cmpf ogt, %select_n3A_514, %select_n3A_511 : vector<16xf32>
      %select_n3A_517 = arith.select %gt3A_516, %select_n3A_514, %select_n3A_511 : vector<16xi1>, vector<16xf32>
      %select_n3A_518 = arith.select %gt3A_516, %select_n3A_515, %select_n3A_512 : vector<16xi1>, vector<16xi32>
      %add3A_519 = arith.addi %broadcast_in_dim3A_483, %select_n3A_518 : vector<16xi32>
      %gt3A_520 = arith.cmpf ogt, %select_n3A_517, %scan3A_479 : vector<16xf32>
      %select_n3A_521 = arith.select %gt3A_520, %select_n3A_517, %scan3A_479 : vector<16xi1>, vector<16xf32>
      %select_n3A_522 = arith.select %gt3A_520, %add3A_519, %scan3A_480 : vector<16xi1>, vector<16xi32>
      scf.yield %select_n3A_521, %select_n3A_522 : vector<16xf32>, vector<16xi32>
    }
    %scan3A_274 = arith.constant 125 : i32
    %gather3A_275 = tpu.vector_load_idx %arg8[%scan3A_273#1] : memref<1000xf32, #tpu.memory_space<vmem>>[vector<16xi32>], vector<16xf32>,
    %get3A_276 = arith.constant 128 : index
    %get3A_277 = tpu.vector_load %arg9[%get3A_276] {strides = array<i32>} : memref<256xf32, #tpu.memory_space<vmem>>, vector<16xf32>,
    %sub3A_278 = arith.subf %gather3A_275, %get3A_277 : vector<16xf32>
    %max3A_279 = arith.constant 0.000000e+00 : f32
    %max3A_280 = vector.broadcast %max3A_279 : f32 to vector<16xf32>
    %max3A_281 = arith.maximumf %sub3A_278, %max3A_280 : vector<16xf32>
    %mul3A_282 = arith.mulf %max3A_281, %max3A_281 : vector<16xf32>
    %swap3A_283 = arith.constant 128 : index
    %swap3A_284 = tpu.vector_load %arg10[%swap3A_283] {strides = array<i32>} : memref<256xf32, #tpu.memory_space<vmem>>, vector<16xf32>,
    tpu.vector_store %arg10[%swap3A_283], %mul3A_282 {strides = array<i32>} : memref<256xf32, #tpu.memory_space<vmem>>, vector<16xf32>,
    %add3A_285 = arith.constant 16 : i32
    %add3A_286 = vector.broadcast %add3A_285 : i32 to vector<16xi32>
    %add3A_287 = arith.addi %iota3A, %add3A_286 : vector<16xi32>
    %broadcast_in_dim3A_288 = arith.constant 0xFF800000 : f32
    %broadcast_in_dim3A_289 = vector.broadcast %broadcast_in_dim3A_288 : f32 to vector<16xf32>
    %broadcast_in_dim3A_290 = arith.constant 0 : i32
    %broadcast_in_dim3A_291 = vector.broadcast %broadcast_in_dim3A_290 : i32 to vector<16xi32>
    %scan3A_292 = arith.constant 0 : i32
    %scan3A_293 = arith.constant 125 : i32
    %scan3A_294 = arith.addi %scan3A_292, %scan3A_293 : i32
    %scan3A_295 = arith.constant 1 : i32
    %scan3A_296:2 = scf.for %scan3A_478 = %scan3A_292 to %scan3A_294 step %scan3A_295 iter_args(%scan3A_479 = %broadcast_in_dim3A_289, %scan3A_480 = %broadcast_in_dim3A_291) -> (vector<16xf32>, vector<16xi32>)  : i32 {
      %mul3A_481 = arith.constant 8 : i32
      %mul3A_482 = arith.muli %scan3A_478, %mul3A_481 : i32
      %broadcast_in_dim3A_483 = vector.broadcast %mul3A_482 : i32 to vector<16xi32>
      %add3A_484 = arith.addi %broadcast_in_dim3A_483, %broadcast_in_dim3A_10 : vector<16xi32>
      %gather3A_485 = tpu.vector_load_idx %arg6[%add3A_287, %add3A_484] : memref<32x1000xf32, #tpu.memory_space<vmem>>[vector<16xi32>, vector<16xi32>], vector<16xf32>,
      %add3A_486 = arith.addi %broadcast_in_dim3A_483, %broadcast_in_dim3A_12 : vector<16xi32>
      %gather3A_487 = tpu.vector_load_idx %arg6[%add3A_287, %add3A_486] : memref<32x1000xf32, #tpu.memory_space<vmem>>[vector<16xi32>, vector<16xi32>], vector<16xf32>,
      %add3A_488 = arith.addi %broadcast_in_dim3A_483, %broadcast_in_dim3A_14 : vector<16xi32>
      %gather3A_489 = tpu.vector_load_idx %arg6[%add3A_287, %add3A_488] : memref<32x1000xf32, #tpu.memory_space<vmem>>[vector<16xi32>, vector<16xi32>], vector<16xf32>,
      %add3A_490 = arith.addi %broadcast_in_dim3A_483, %broadcast_in_dim3A_16 : vector<16xi32>
      %gather3A_491 = tpu.vector_load_idx %arg6[%add3A_287, %add3A_490] : memref<32x1000xf32, #tpu.memory_space<vmem>>[vector<16xi32>, vector<16xi32>], vector<16xf32>,
      %add3A_492 = arith.addi %broadcast_in_dim3A_483, %broadcast_in_dim3A_18 : vector<16xi32>
      %gather3A_493 = tpu.vector_load_idx %arg6[%add3A_287, %add3A_492] : memref<32x1000xf32, #tpu.memory_space<vmem>>[vector<16xi32>, vector<16xi32>], vector<16xf32>,
      %add3A_494 = arith.addi %broadcast_in_dim3A_483, %broadcast_in_dim3A_20 : vector<16xi32>
      %gather3A_495 = tpu.vector_load_idx %arg6[%add3A_287, %add3A_494] : memref<32x1000xf32, #tpu.memory_space<vmem>>[vector<16xi32>, vector<16xi32>], vector<16xf32>,
      %add3A_496 = arith.addi %broadcast_in_dim3A_483, %broadcast_in_dim3A_22 : vector<16xi32>
      %gather3A_497 = tpu.vector_load_idx %arg6[%add3A_287, %add3A_496] : memref<32x1000xf32, #tpu.memory_space<vmem>>[vector<16xi32>, vector<16xi32>], vector<16xf32>,
      %add3A_498 = arith.addi %broadcast_in_dim3A_483, %broadcast_in_dim3A_24 : vector<16xi32>
      %gather3A_499 = tpu.vector_load_idx %arg6[%add3A_287, %add3A_498] : memref<32x1000xf32, #tpu.memory_space<vmem>>[vector<16xi32>, vector<16xi32>], vector<16xf32>,
      %gt3A = arith.cmpf ogt, %gather3A_487, %gather3A_485 : vector<16xf32>
      %select_n3A = arith.select %gt3A, %gather3A_487, %gather3A_485 : vector<16xi1>, vector<16xf32>
      %select_n3A_500 = arith.select %gt3A, %broadcast_in_dim3A_12, %broadcast_in_dim3A_10 : vector<16xi1>, vector<16xi32>
      %gt3A_501 = arith.cmpf ogt, %gather3A_491, %gather3A_489 : vector<16xf32>
      %select_n3A_502 = arith.select %gt3A_501, %gather3A_491, %gather3A_489 : vector<16xi1>, vector<16xf32>
      %select_n3A_503 = arith.select %gt3A_501, %broadcast_in_dim3A_16, %broadcast_in_dim3A_14 : vector<16xi1>, vector<16xi32>
      %gt3A_504 = arith.cmpf ogt, %gather3A_495, %gather3A_493 : vector<16xf32>
      %select_n3A_505 = arith.select %gt3A_504, %gather3A_495, %gather3A_493 : vector<16xi1>, vector<16xf32>
      %select_n3A_506 = arith.select %gt3A_504, %broadcast_in_dim3A_20, %broadcast_in_dim3A_18 : vector<16xi1>, vector<16xi32>
      %gt3A_507 = arith.cmpf ogt, %gather3A_499, %gather3A_497 : vector<16xf32>
      %select_n3A_508 = arith.select %gt3A_507, %gather3A_499, %gather3A_497 : vector<16xi1>, vector<16xf32>
      %select_n3A_509 = arith.select %gt3A_507, %broadcast_in_dim3A_24, %broadcast_in_dim3A_22 : vector<16xi1>, vector<16xi32>
      %gt3A_510 = arith.cmpf ogt, %select_n3A_502, %select_n3A : vector<16xf32>
      %select_n3A_511 = arith.select %gt3A_510, %select_n3A_502, %select_n3A : vector<16xi1>, vector<16xf32>
      %select_n3A_512 = arith.select %gt3A_510, %select_n3A_503, %select_n3A_500 : vector<16xi1>, vector<16xi32>
      %gt3A_513 = arith.cmpf ogt, %select_n3A_508, %select_n3A_505 : vector<16xf32>
      %select_n3A_514 = arith.select %gt3A_513, %select_n3A_508, %select_n3A_505 : vector<16xi1>, vector<16xf32>
      %select_n3A_515 = arith.select %gt3A_513, %select_n3A_509, %select_n3A_506 : vector<16xi1>, vector<16xi32>
      %gt3A_516 = arith.cmpf ogt, %select_n3A_514, %select_n3A_511 : vector<16xf32>
      %select_n3A_517 = arith.select %gt3A_516, %select_n3A_514, %select_n3A_511 : vector<16xi1>, vector<16xf32>
      %select_n3A_518 = arith.select %gt3A_516, %select_n3A_515, %select_n3A_512 : vector<16xi1>, vector<16xi32>
      %add3A_519 = arith.addi %broadcast_in_dim3A_483, %select_n3A_518 : vector<16xi32>
      %gt3A_520 = arith.cmpf ogt, %select_n3A_517, %scan3A_479 : vector<16xf32>
      %select_n3A_521 = arith.select %gt3A_520, %select_n3A_517, %scan3A_479 : vector<16xi1>, vector<16xf32>
      %select_n3A_522 = arith.select %gt3A_520, %add3A_519, %scan3A_480 : vector<16xi1>, vector<16xi32>
      scf.yield %select_n3A_521, %select_n3A_522 : vector<16xf32>, vector<16xi32>
    }
    %scan3A_297 = arith.constant 125 : i32
    %gather3A_298 = tpu.vector_load_idx %arg8[%scan3A_296#1] : memref<1000xf32, #tpu.memory_space<vmem>>[vector<16xi32>], vector<16xf32>,
    %get3A_299 = arith.constant 144 : index
    %get3A_300 = tpu.vector_load %arg9[%get3A_299] {strides = array<i32>} : memref<256xf32, #tpu.memory_space<vmem>>, vector<16xf32>,
    %sub3A_301 = arith.subf %gather3A_298, %get3A_300 : vector<16xf32>
    %max3A_302 = arith.constant 0.000000e+00 : f32
    %max3A_303 = vector.broadcast %max3A_302 : f32 to vector<16xf32>
    %max3A_304 = arith.maximumf %sub3A_301, %max3A_303 : vector<16xf32>
    %mul3A_305 = arith.mulf %max3A_304, %max3A_304 : vector<16xf32>
    %swap3A_306 = arith.constant 144 : index
    %swap3A_307 = tpu.vector_load %arg10[%swap3A_306] {strides = array<i32>} : memref<256xf32, #tpu.memory_space<vmem>>, vector<16xf32>,
    tpu.vector_store %arg10[%swap3A_306], %mul3A_305 {strides = array<i32>} : memref<256xf32, #tpu.memory_space<vmem>>, vector<16xf32>,
    %add3A_308 = arith.constant 160 : i32
    %add3A_309 = arith.addi %add3A_4, %add3A_308 : i32
    %dma_wait3A_310 = arith.constant 0 : i32
    %dma_wait3A_311 = tpu.memref_slice %arg2[%add3A_309, %dma_wait3A_310] : memref<16384x1000xf32, #tpu.memory_space<hbm>> -> memref<32x1000xf32, #tpu.memory_space<hbm>>
    %dma_wait3A_312 = arith.constant 0 : i32
    %dma_wait3A_313 = tpu.memref_slice %arg2[%add3A_309, %dma_wait3A_312] : memref<16384x1000xf32, #tpu.memory_space<hbm>> -> memref<32x1000xf32, #tpu.memory_space<hbm>>
    tpu.wait_dma2 semaphore(%arg12 : memref<!tpu.dma_semaphore, #tpu.memory_space<semaphore_mem>>) src(%dma_wait3A_313 : memref<32x1000xf32, #tpu.memory_space<hbm>>) dst(%arg7 : memref<32x1000xf32, #tpu.memory_space<vmem>>)
    %add3A_314 = arith.constant 192 : i32
    %add3A_315 = arith.addi %add3A_4, %add3A_314 : i32
    %dma_start3A_316 = arith.constant 0 : i32
    %dma_start3A_317 = tpu.memref_slice %arg2[%add3A_315, %dma_start3A_316] : memref<16384x1000xf32, #tpu.memory_space<hbm>> -> memref<32x1000xf32, #tpu.memory_space<hbm>>
    %dma_start3A_318 = arith.constant 0 : i32
    %dma_start3A_319 = tpu.memref_slice %arg2[%add3A_315, %dma_start3A_318] : memref<16384x1000xf32, #tpu.memory_space<hbm>> -> memref<32x1000xf32, #tpu.memory_space<hbm>>
    tpu.enqueue_dma source(%dma_start3A_319 : memref<32x1000xf32, #tpu.memory_space<hbm>>) target(%arg6 : memref<32x1000xf32, #tpu.memory_space<vmem>>) target_semaphore(%arg11 : memref<!tpu.dma_semaphore, #tpu.memory_space<semaphore_mem>>)
    %add3A_320 = arith.constant 0 : i32
    %add3A_321 = vector.broadcast %add3A_320 : i32 to vector<16xi32>
    %add3A_322 = arith.addi %iota3A, %add3A_321 : vector<16xi32>
    %broadcast_in_dim3A_323 = arith.constant 0xFF800000 : f32
    %broadcast_in_dim3A_324 = vector.broadcast %broadcast_in_dim3A_323 : f32 to vector<16xf32>
    %broadcast_in_dim3A_325 = arith.constant 0 : i32
    %broadcast_in_dim3A_326 = vector.broadcast %broadcast_in_dim3A_325 : i32 to vector<16xi32>
    %scan3A_327 = arith.constant 0 : i32
    %scan3A_328 = arith.constant 125 : i32
    %scan3A_329 = arith.addi %scan3A_327, %scan3A_328 : i32
    %scan3A_330 = arith.constant 1 : i32
    %scan3A_331:2 = scf.for %scan3A_478 = %scan3A_327 to %scan3A_329 step %scan3A_330 iter_args(%scan3A_479 = %broadcast_in_dim3A_324, %scan3A_480 = %broadcast_in_dim3A_326) -> (vector<16xf32>, vector<16xi32>)  : i32 {
      %mul3A_481 = arith.constant 8 : i32
      %mul3A_482 = arith.muli %scan3A_478, %mul3A_481 : i32
      %broadcast_in_dim3A_483 = vector.broadcast %mul3A_482 : i32 to vector<16xi32>
      %add3A_484 = arith.addi %broadcast_in_dim3A_483, %broadcast_in_dim3A_10 : vector<16xi32>
      %gather3A_485 = tpu.vector_load_idx %arg7[%add3A_322, %add3A_484] : memref<32x1000xf32, #tpu.memory_space<vmem>>[vector<16xi32>, vector<16xi32>], vector<16xf32>,
      %add3A_486 = arith.addi %broadcast_in_dim3A_483, %broadcast_in_dim3A_12 : vector<16xi32>
      %gather3A_487 = tpu.vector_load_idx %arg7[%add3A_322, %add3A_486] : memref<32x1000xf32, #tpu.memory_space<vmem>>[vector<16xi32>, vector<16xi32>], vector<16xf32>,
      %add3A_488 = arith.addi %broadcast_in_dim3A_483, %broadcast_in_dim3A_14 : vector<16xi32>
      %gather3A_489 = tpu.vector_load_idx %arg7[%add3A_322, %add3A_488] : memref<32x1000xf32, #tpu.memory_space<vmem>>[vector<16xi32>, vector<16xi32>], vector<16xf32>,
      %add3A_490 = arith.addi %broadcast_in_dim3A_483, %broadcast_in_dim3A_16 : vector<16xi32>
      %gather3A_491 = tpu.vector_load_idx %arg7[%add3A_322, %add3A_490] : memref<32x1000xf32, #tpu.memory_space<vmem>>[vector<16xi32>, vector<16xi32>], vector<16xf32>,
      %add3A_492 = arith.addi %broadcast_in_dim3A_483, %broadcast_in_dim3A_18 : vector<16xi32>
      %gather3A_493 = tpu.vector_load_idx %arg7[%add3A_322, %add3A_492] : memref<32x1000xf32, #tpu.memory_space<vmem>>[vector<16xi32>, vector<16xi32>], vector<16xf32>,
      %add3A_494 = arith.addi %broadcast_in_dim3A_483, %broadcast_in_dim3A_20 : vector<16xi32>
      %gather3A_495 = tpu.vector_load_idx %arg7[%add3A_322, %add3A_494] : memref<32x1000xf32, #tpu.memory_space<vmem>>[vector<16xi32>, vector<16xi32>], vector<16xf32>,
      %add3A_496 = arith.addi %broadcast_in_dim3A_483, %broadcast_in_dim3A_22 : vector<16xi32>
      %gather3A_497 = tpu.vector_load_idx %arg7[%add3A_322, %add3A_496] : memref<32x1000xf32, #tpu.memory_space<vmem>>[vector<16xi32>, vector<16xi32>], vector<16xf32>,
      %add3A_498 = arith.addi %broadcast_in_dim3A_483, %broadcast_in_dim3A_24 : vector<16xi32>
      %gather3A_499 = tpu.vector_load_idx %arg7[%add3A_322, %add3A_498] : memref<32x1000xf32, #tpu.memory_space<vmem>>[vector<16xi32>, vector<16xi32>], vector<16xf32>,
      %gt3A = arith.cmpf ogt, %gather3A_487, %gather3A_485 : vector<16xf32>
      %select_n3A = arith.select %gt3A, %gather3A_487, %gather3A_485 : vector<16xi1>, vector<16xf32>
      %select_n3A_500 = arith.select %gt3A, %broadcast_in_dim3A_12, %broadcast_in_dim3A_10 : vector<16xi1>, vector<16xi32>
      %gt3A_501 = arith.cmpf ogt, %gather3A_491, %gather3A_489 : vector<16xf32>
      %select_n3A_502 = arith.select %gt3A_501, %gather3A_491, %gather3A_489 : vector<16xi1>, vector<16xf32>
      %select_n3A_503 = arith.select %gt3A_501, %broadcast_in_dim3A_16, %broadcast_in_dim3A_14 : vector<16xi1>, vector<16xi32>
      %gt3A_504 = arith.cmpf ogt, %gather3A_495, %gather3A_493 : vector<16xf32>
      %select_n3A_505 = arith.select %gt3A_504, %gather3A_495, %gather3A_493 : vector<16xi1>, vector<16xf32>
      %select_n3A_506 = arith.select %gt3A_504, %broadcast_in_dim3A_20, %broadcast_in_dim3A_18 : vector<16xi1>, vector<16xi32>
      %gt3A_507 = arith.cmpf ogt, %gather3A_499, %gather3A_497 : vector<16xf32>
      %select_n3A_508 = arith.select %gt3A_507, %gather3A_499, %gather3A_497 : vector<16xi1>, vector<16xf32>
      %select_n3A_509 = arith.select %gt3A_507, %broadcast_in_dim3A_24, %broadcast_in_dim3A_22 : vector<16xi1>, vector<16xi32>
      %gt3A_510 = arith.cmpf ogt, %select_n3A_502, %select_n3A : vector<16xf32>
      %select_n3A_511 = arith.select %gt3A_510, %select_n3A_502, %select_n3A : vector<16xi1>, vector<16xf32>
      %select_n3A_512 = arith.select %gt3A_510, %select_n3A_503, %select_n3A_500 : vector<16xi1>, vector<16xi32>
      %gt3A_513 = arith.cmpf ogt, %select_n3A_508, %select_n3A_505 : vector<16xf32>
      %select_n3A_514 = arith.select %gt3A_513, %select_n3A_508, %select_n3A_505 : vector<16xi1>, vector<16xf32>
      %select_n3A_515 = arith.select %gt3A_513, %select_n3A_509, %select_n3A_506 : vector<16xi1>, vector<16xi32>
      %gt3A_516 = arith.cmpf ogt, %select_n3A_514, %select_n3A_511 : vector<16xf32>
      %select_n3A_517 = arith.select %gt3A_516, %select_n3A_514, %select_n3A_511 : vector<16xi1>, vector<16xf32>
      %select_n3A_518 = arith.select %gt3A_516, %select_n3A_515, %select_n3A_512 : vector<16xi1>, vector<16xi32>
      %add3A_519 = arith.addi %broadcast_in_dim3A_483, %select_n3A_518 : vector<16xi32>
      %gt3A_520 = arith.cmpf ogt, %select_n3A_517, %scan3A_479 : vector<16xf32>
      %select_n3A_521 = arith.select %gt3A_520, %select_n3A_517, %scan3A_479 : vector<16xi1>, vector<16xf32>
      %select_n3A_522 = arith.select %gt3A_520, %add3A_519, %scan3A_480 : vector<16xi1>, vector<16xi32>
      scf.yield %select_n3A_521, %select_n3A_522 : vector<16xf32>, vector<16xi32>
    }
    %scan3A_332 = arith.constant 125 : i32
    %gather3A_333 = tpu.vector_load_idx %arg8[%scan3A_331#1] : memref<1000xf32, #tpu.memory_space<vmem>>[vector<16xi32>], vector<16xf32>,
    %get3A_334 = arith.constant 160 : index
    %get3A_335 = tpu.vector_load %arg9[%get3A_334] {strides = array<i32>} : memref<256xf32, #tpu.memory_space<vmem>>, vector<16xf32>,
    %sub3A_336 = arith.subf %gather3A_333, %get3A_335 : vector<16xf32>
    %max3A_337 = arith.constant 0.000000e+00 : f32
    %max3A_338 = vector.broadcast %max3A_337 : f32 to vector<16xf32>
    %max3A_339 = arith.maximumf %sub3A_336, %max3A_338 : vector<16xf32>
    %mul3A_340 = arith.mulf %max3A_339, %max3A_339 : vector<16xf32>
    %swap3A_341 = arith.constant 160 : index
    %swap3A_342 = tpu.vector_load %arg10[%swap3A_341] {strides = array<i32>} : memref<256xf32, #tpu.memory_space<vmem>>, vector<16xf32>,
    tpu.vector_store %arg10[%swap3A_341], %mul3A_340 {strides = array<i32>} : memref<256xf32, #tpu.memory_space<vmem>>, vector<16xf32>,
    %add3A_343 = arith.constant 16 : i32
    %add3A_344 = vector.broadcast %add3A_343 : i32 to vector<16xi32>
    %add3A_345 = arith.addi %iota3A, %add3A_344 : vector<16xi32>
    %broadcast_in_dim3A_346 = arith.constant 0xFF800000 : f32
    %broadcast_in_dim3A_347 = vector.broadcast %broadcast_in_dim3A_346 : f32 to vector<16xf32>
    %broadcast_in_dim3A_348 = arith.constant 0 : i32
    %broadcast_in_dim3A_349 = vector.broadcast %broadcast_in_dim3A_348 : i32 to vector<16xi32>
    %scan3A_350 = arith.constant 0 : i32
    %scan3A_351 = arith.constant 125 : i32
    %scan3A_352 = arith.addi %scan3A_350, %scan3A_351 : i32
    %scan3A_353 = arith.constant 1 : i32
    %scan3A_354:2 = scf.for %scan3A_478 = %scan3A_350 to %scan3A_352 step %scan3A_353 iter_args(%scan3A_479 = %broadcast_in_dim3A_347, %scan3A_480 = %broadcast_in_dim3A_349) -> (vector<16xf32>, vector<16xi32>)  : i32 {
      %mul3A_481 = arith.constant 8 : i32
      %mul3A_482 = arith.muli %scan3A_478, %mul3A_481 : i32
      %broadcast_in_dim3A_483 = vector.broadcast %mul3A_482 : i32 to vector<16xi32>
      %add3A_484 = arith.addi %broadcast_in_dim3A_483, %broadcast_in_dim3A_10 : vector<16xi32>
      %gather3A_485 = tpu.vector_load_idx %arg7[%add3A_345, %add3A_484] : memref<32x1000xf32, #tpu.memory_space<vmem>>[vector<16xi32>, vector<16xi32>], vector<16xf32>,
      %add3A_486 = arith.addi %broadcast_in_dim3A_483, %broadcast_in_dim3A_12 : vector<16xi32>
      %gather3A_487 = tpu.vector_load_idx %arg7[%add3A_345, %add3A_486] : memref<32x1000xf32, #tpu.memory_space<vmem>>[vector<16xi32>, vector<16xi32>], vector<16xf32>,
      %add3A_488 = arith.addi %broadcast_in_dim3A_483, %broadcast_in_dim3A_14 : vector<16xi32>
      %gather3A_489 = tpu.vector_load_idx %arg7[%add3A_345, %add3A_488] : memref<32x1000xf32, #tpu.memory_space<vmem>>[vector<16xi32>, vector<16xi32>], vector<16xf32>,
      %add3A_490 = arith.addi %broadcast_in_dim3A_483, %broadcast_in_dim3A_16 : vector<16xi32>
      %gather3A_491 = tpu.vector_load_idx %arg7[%add3A_345, %add3A_490] : memref<32x1000xf32, #tpu.memory_space<vmem>>[vector<16xi32>, vector<16xi32>], vector<16xf32>,
      %add3A_492 = arith.addi %broadcast_in_dim3A_483, %broadcast_in_dim3A_18 : vector<16xi32>
      %gather3A_493 = tpu.vector_load_idx %arg7[%add3A_345, %add3A_492] : memref<32x1000xf32, #tpu.memory_space<vmem>>[vector<16xi32>, vector<16xi32>], vector<16xf32>,
      %add3A_494 = arith.addi %broadcast_in_dim3A_483, %broadcast_in_dim3A_20 : vector<16xi32>
      %gather3A_495 = tpu.vector_load_idx %arg7[%add3A_345, %add3A_494] : memref<32x1000xf32, #tpu.memory_space<vmem>>[vector<16xi32>, vector<16xi32>], vector<16xf32>,
      %add3A_496 = arith.addi %broadcast_in_dim3A_483, %broadcast_in_dim3A_22 : vector<16xi32>
      %gather3A_497 = tpu.vector_load_idx %arg7[%add3A_345, %add3A_496] : memref<32x1000xf32, #tpu.memory_space<vmem>>[vector<16xi32>, vector<16xi32>], vector<16xf32>,
      %add3A_498 = arith.addi %broadcast_in_dim3A_483, %broadcast_in_dim3A_24 : vector<16xi32>
      %gather3A_499 = tpu.vector_load_idx %arg7[%add3A_345, %add3A_498] : memref<32x1000xf32, #tpu.memory_space<vmem>>[vector<16xi32>, vector<16xi32>], vector<16xf32>,
      %gt3A = arith.cmpf ogt, %gather3A_487, %gather3A_485 : vector<16xf32>
      %select_n3A = arith.select %gt3A, %gather3A_487, %gather3A_485 : vector<16xi1>, vector<16xf32>
      %select_n3A_500 = arith.select %gt3A, %broadcast_in_dim3A_12, %broadcast_in_dim3A_10 : vector<16xi1>, vector<16xi32>
      %gt3A_501 = arith.cmpf ogt, %gather3A_491, %gather3A_489 : vector<16xf32>
      %select_n3A_502 = arith.select %gt3A_501, %gather3A_491, %gather3A_489 : vector<16xi1>, vector<16xf32>
      %select_n3A_503 = arith.select %gt3A_501, %broadcast_in_dim3A_16, %broadcast_in_dim3A_14 : vector<16xi1>, vector<16xi32>
      %gt3A_504 = arith.cmpf ogt, %gather3A_495, %gather3A_493 : vector<16xf32>
      %select_n3A_505 = arith.select %gt3A_504, %gather3A_495, %gather3A_493 : vector<16xi1>, vector<16xf32>
      %select_n3A_506 = arith.select %gt3A_504, %broadcast_in_dim3A_20, %broadcast_in_dim3A_18 : vector<16xi1>, vector<16xi32>
      %gt3A_507 = arith.cmpf ogt, %gather3A_499, %gather3A_497 : vector<16xf32>
      %select_n3A_508 = arith.select %gt3A_507, %gather3A_499, %gather3A_497 : vector<16xi1>, vector<16xf32>
      %select_n3A_509 = arith.select %gt3A_507, %broadcast_in_dim3A_24, %broadcast_in_dim3A_22 : vector<16xi1>, vector<16xi32>
      %gt3A_510 = arith.cmpf ogt, %select_n3A_502, %select_n3A : vector<16xf32>
      %select_n3A_511 = arith.select %gt3A_510, %select_n3A_502, %select_n3A : vector<16xi1>, vector<16xf32>
      %select_n3A_512 = arith.select %gt3A_510, %select_n3A_503, %select_n3A_500 : vector<16xi1>, vector<16xi32>
      %gt3A_513 = arith.cmpf ogt, %select_n3A_508, %select_n3A_505 : vector<16xf32>
      %select_n3A_514 = arith.select %gt3A_513, %select_n3A_508, %select_n3A_505 : vector<16xi1>, vector<16xf32>
      %select_n3A_515 = arith.select %gt3A_513, %select_n3A_509, %select_n3A_506 : vector<16xi1>, vector<16xi32>
      %gt3A_516 = arith.cmpf ogt, %select_n3A_514, %select_n3A_511 : vector<16xf32>
      %select_n3A_517 = arith.select %gt3A_516, %select_n3A_514, %select_n3A_511 : vector<16xi1>, vector<16xf32>
      %select_n3A_518 = arith.select %gt3A_516, %select_n3A_515, %select_n3A_512 : vector<16xi1>, vector<16xi32>
      %add3A_519 = arith.addi %broadcast_in_dim3A_483, %select_n3A_518 : vector<16xi32>
      %gt3A_520 = arith.cmpf ogt, %select_n3A_517, %scan3A_479 : vector<16xf32>
      %select_n3A_521 = arith.select %gt3A_520, %select_n3A_517, %scan3A_479 : vector<16xi1>, vector<16xf32>
      %select_n3A_522 = arith.select %gt3A_520, %add3A_519, %scan3A_480 : vector<16xi1>, vector<16xi32>
      scf.yield %select_n3A_521, %select_n3A_522 : vector<16xf32>, vector<16xi32>
    }
    %scan3A_355 = arith.constant 125 : i32
    %gather3A_356 = tpu.vector_load_idx %arg8[%scan3A_354#1] : memref<1000xf32, #tpu.memory_space<vmem>>[vector<16xi32>], vector<16xf32>,
    %get3A_357 = arith.constant 176 : index
    %get3A_358 = tpu.vector_load %arg9[%get3A_357] {strides = array<i32>} : memref<256xf32, #tpu.memory_space<vmem>>, vector<16xf32>,
    %sub3A_359 = arith.subf %gather3A_356, %get3A_358 : vector<16xf32>
    %max3A_360 = arith.constant 0.000000e+00 : f32
    %max3A_361 = vector.broadcast %max3A_360 : f32 to vector<16xf32>
    %max3A_362 = arith.maximumf %sub3A_359, %max3A_361 : vector<16xf32>
    %mul3A_363 = arith.mulf %max3A_362, %max3A_362 : vector<16xf32>
    %swap3A_364 = arith.constant 176 : index
    %swap3A_365 = tpu.vector_load %arg10[%swap3A_364] {strides = array<i32>} : memref<256xf32, #tpu.memory_space<vmem>>, vector<16xf32>,
    tpu.vector_store %arg10[%swap3A_364], %mul3A_363 {strides = array<i32>} : memref<256xf32, #tpu.memory_space<vmem>>, vector<16xf32>,
    %add3A_366 = arith.constant 192 : i32
    %add3A_367 = arith.addi %add3A_4, %add3A_366 : i32
    %dma_wait3A_368 = arith.constant 0 : i32
    %dma_wait3A_369 = tpu.memref_slice %arg2[%add3A_367, %dma_wait3A_368] : memref<16384x1000xf32, #tpu.memory_space<hbm>> -> memref<32x1000xf32, #tpu.memory_space<hbm>>
    %dma_wait3A_370 = arith.constant 0 : i32
    %dma_wait3A_371 = tpu.memref_slice %arg2[%add3A_367, %dma_wait3A_370] : memref<16384x1000xf32, #tpu.memory_space<hbm>> -> memref<32x1000xf32, #tpu.memory_space<hbm>>
    tpu.wait_dma2 semaphore(%arg11 : memref<!tpu.dma_semaphore, #tpu.memory_space<semaphore_mem>>) src(%dma_wait3A_371 : memref<32x1000xf32, #tpu.memory_space<hbm>>) dst(%arg6 : memref<32x1000xf32, #tpu.memory_space<vmem>>)
    %add3A_372 = arith.constant 224 : i32
    %add3A_373 = arith.addi %add3A_4, %add3A_372 : i32
    %dma_start3A_374 = arith.constant 0 : i32
    %dma_start3A_375 = tpu.memref_slice %arg2[%add3A_373, %dma_start3A_374] : memref<16384x1000xf32, #tpu.memory_space<hbm>> -> memref<32x1000xf32, #tpu.memory_space<hbm>>
    %dma_start3A_376 = arith.constant 0 : i32
    %dma_start3A_377 = tpu.memref_slice %arg2[%add3A_373, %dma_start3A_376] : memref<16384x1000xf32, #tpu.memory_space<hbm>> -> memref<32x1000xf32, #tpu.memory_space<hbm>>
    tpu.enqueue_dma source(%dma_start3A_377 : memref<32x1000xf32, #tpu.memory_space<hbm>>) target(%arg7 : memref<32x1000xf32, #tpu.memory_space<vmem>>) target_semaphore(%arg12 : memref<!tpu.dma_semaphore, #tpu.memory_space<semaphore_mem>>)
    %add3A_378 = arith.constant 0 : i32
    %add3A_379 = vector.broadcast %add3A_378 : i32 to vector<16xi32>
    %add3A_380 = arith.addi %iota3A, %add3A_379 : vector<16xi32>
    %broadcast_in_dim3A_381 = arith.constant 0xFF800000 : f32
    %broadcast_in_dim3A_382 = vector.broadcast %broadcast_in_dim3A_381 : f32 to vector<16xf32>
    %broadcast_in_dim3A_383 = arith.constant 0 : i32
    %broadcast_in_dim3A_384 = vector.broadcast %broadcast_in_dim3A_383 : i32 to vector<16xi32>
    %scan3A_385 = arith.constant 0 : i32
    %scan3A_386 = arith.constant 125 : i32
    %scan3A_387 = arith.addi %scan3A_385, %scan3A_386 : i32
    %scan3A_388 = arith.constant 1 : i32
    %scan3A_389:2 = scf.for %scan3A_478 = %scan3A_385 to %scan3A_387 step %scan3A_388 iter_args(%scan3A_479 = %broadcast_in_dim3A_382, %scan3A_480 = %broadcast_in_dim3A_384) -> (vector<16xf32>, vector<16xi32>)  : i32 {
      %mul3A_481 = arith.constant 8 : i32
      %mul3A_482 = arith.muli %scan3A_478, %mul3A_481 : i32
      %broadcast_in_dim3A_483 = vector.broadcast %mul3A_482 : i32 to vector<16xi32>
      %add3A_484 = arith.addi %broadcast_in_dim3A_483, %broadcast_in_dim3A_10 : vector<16xi32>
      %gather3A_485 = tpu.vector_load_idx %arg6[%add3A_380, %add3A_484] : memref<32x1000xf32, #tpu.memory_space<vmem>>[vector<16xi32>, vector<16xi32>], vector<16xf32>,
      %add3A_486 = arith.addi %broadcast_in_dim3A_483, %broadcast_in_dim3A_12 : vector<16xi32>
      %gather3A_487 = tpu.vector_load_idx %arg6[%add3A_380, %add3A_486] : memref<32x1000xf32, #tpu.memory_space<vmem>>[vector<16xi32>, vector<16xi32>], vector<16xf32>,
      %add3A_488 = arith.addi %broadcast_in_dim3A_483, %broadcast_in_dim3A_14 : vector<16xi32>
      %gather3A_489 = tpu.vector_load_idx %arg6[%add3A_380, %add3A_488] : memref<32x1000xf32, #tpu.memory_space<vmem>>[vector<16xi32>, vector<16xi32>], vector<16xf32>,
      %add3A_490 = arith.addi %broadcast_in_dim3A_483, %broadcast_in_dim3A_16 : vector<16xi32>
      %gather3A_491 = tpu.vector_load_idx %arg6[%add3A_380, %add3A_490] : memref<32x1000xf32, #tpu.memory_space<vmem>>[vector<16xi32>, vector<16xi32>], vector<16xf32>,
      %add3A_492 = arith.addi %broadcast_in_dim3A_483, %broadcast_in_dim3A_18 : vector<16xi32>
      %gather3A_493 = tpu.vector_load_idx %arg6[%add3A_380, %add3A_492] : memref<32x1000xf32, #tpu.memory_space<vmem>>[vector<16xi32>, vector<16xi32>], vector<16xf32>,
      %add3A_494 = arith.addi %broadcast_in_dim3A_483, %broadcast_in_dim3A_20 : vector<16xi32>
      %gather3A_495 = tpu.vector_load_idx %arg6[%add3A_380, %add3A_494] : memref<32x1000xf32, #tpu.memory_space<vmem>>[vector<16xi32>, vector<16xi32>], vector<16xf32>,
      %add3A_496 = arith.addi %broadcast_in_dim3A_483, %broadcast_in_dim3A_22 : vector<16xi32>
      %gather3A_497 = tpu.vector_load_idx %arg6[%add3A_380, %add3A_496] : memref<32x1000xf32, #tpu.memory_space<vmem>>[vector<16xi32>, vector<16xi32>], vector<16xf32>,
      %add3A_498 = arith.addi %broadcast_in_dim3A_483, %broadcast_in_dim3A_24 : vector<16xi32>
      %gather3A_499 = tpu.vector_load_idx %arg6[%add3A_380, %add3A_498] : memref<32x1000xf32, #tpu.memory_space<vmem>>[vector<16xi32>, vector<16xi32>], vector<16xf32>,
      %gt3A = arith.cmpf ogt, %gather3A_487, %gather3A_485 : vector<16xf32>
      %select_n3A = arith.select %gt3A, %gather3A_487, %gather3A_485 : vector<16xi1>, vector<16xf32>
      %select_n3A_500 = arith.select %gt3A, %broadcast_in_dim3A_12, %broadcast_in_dim3A_10 : vector<16xi1>, vector<16xi32>
      %gt3A_501 = arith.cmpf ogt, %gather3A_491, %gather3A_489 : vector<16xf32>
      %select_n3A_502 = arith.select %gt3A_501, %gather3A_491, %gather3A_489 : vector<16xi1>, vector<16xf32>
      %select_n3A_503 = arith.select %gt3A_501, %broadcast_in_dim3A_16, %broadcast_in_dim3A_14 : vector<16xi1>, vector<16xi32>
      %gt3A_504 = arith.cmpf ogt, %gather3A_495, %gather3A_493 : vector<16xf32>
      %select_n3A_505 = arith.select %gt3A_504, %gather3A_495, %gather3A_493 : vector<16xi1>, vector<16xf32>
      %select_n3A_506 = arith.select %gt3A_504, %broadcast_in_dim3A_20, %broadcast_in_dim3A_18 : vector<16xi1>, vector<16xi32>
      %gt3A_507 = arith.cmpf ogt, %gather3A_499, %gather3A_497 : vector<16xf32>
      %select_n3A_508 = arith.select %gt3A_507, %gather3A_499, %gather3A_497 : vector<16xi1>, vector<16xf32>
      %select_n3A_509 = arith.select %gt3A_507, %broadcast_in_dim3A_24, %broadcast_in_dim3A_22 : vector<16xi1>, vector<16xi32>
      %gt3A_510 = arith.cmpf ogt, %select_n3A_502, %select_n3A : vector<16xf32>
      %select_n3A_511 = arith.select %gt3A_510, %select_n3A_502, %select_n3A : vector<16xi1>, vector<16xf32>
      %select_n3A_512 = arith.select %gt3A_510, %select_n3A_503, %select_n3A_500 : vector<16xi1>, vector<16xi32>
      %gt3A_513 = arith.cmpf ogt, %select_n3A_508, %select_n3A_505 : vector<16xf32>
      %select_n3A_514 = arith.select %gt3A_513, %select_n3A_508, %select_n3A_505 : vector<16xi1>, vector<16xf32>
      %select_n3A_515 = arith.select %gt3A_513, %select_n3A_509, %select_n3A_506 : vector<16xi1>, vector<16xi32>
      %gt3A_516 = arith.cmpf ogt, %select_n3A_514, %select_n3A_511 : vector<16xf32>
      %select_n3A_517 = arith.select %gt3A_516, %select_n3A_514, %select_n3A_511 : vector<16xi1>, vector<16xf32>
      %select_n3A_518 = arith.select %gt3A_516, %select_n3A_515, %select_n3A_512 : vector<16xi1>, vector<16xi32>
      %add3A_519 = arith.addi %broadcast_in_dim3A_483, %select_n3A_518 : vector<16xi32>
      %gt3A_520 = arith.cmpf ogt, %select_n3A_517, %scan3A_479 : vector<16xf32>
      %select_n3A_521 = arith.select %gt3A_520, %select_n3A_517, %scan3A_479 : vector<16xi1>, vector<16xf32>
      %select_n3A_522 = arith.select %gt3A_520, %add3A_519, %scan3A_480 : vector<16xi1>, vector<16xi32>
      scf.yield %select_n3A_521, %select_n3A_522 : vector<16xf32>, vector<16xi32>
    }
    %scan3A_390 = arith.constant 125 : i32
    %gather3A_391 = tpu.vector_load_idx %arg8[%scan3A_389#1] : memref<1000xf32, #tpu.memory_space<vmem>>[vector<16xi32>], vector<16xf32>,
    %get3A_392 = arith.constant 192 : index
    %get3A_393 = tpu.vector_load %arg9[%get3A_392] {strides = array<i32>} : memref<256xf32, #tpu.memory_space<vmem>>, vector<16xf32>,
    %sub3A_394 = arith.subf %gather3A_391, %get3A_393 : vector<16xf32>
    %max3A_395 = arith.constant 0.000000e+00 : f32
    %max3A_396 = vector.broadcast %max3A_395 : f32 to vector<16xf32>
    %max3A_397 = arith.maximumf %sub3A_394, %max3A_396 : vector<16xf32>
    %mul3A_398 = arith.mulf %max3A_397, %max3A_397 : vector<16xf32>
    %swap3A_399 = arith.constant 192 : index
    %swap3A_400 = tpu.vector_load %arg10[%swap3A_399] {strides = array<i32>} : memref<256xf32, #tpu.memory_space<vmem>>, vector<16xf32>,
    tpu.vector_store %arg10[%swap3A_399], %mul3A_398 {strides = array<i32>} : memref<256xf32, #tpu.memory_space<vmem>>, vector<16xf32>,
    %add3A_401 = arith.constant 16 : i32
    %add3A_402 = vector.broadcast %add3A_401 : i32 to vector<16xi32>
    %add3A_403 = arith.addi %iota3A, %add3A_402 : vector<16xi32>
    %broadcast_in_dim3A_404 = arith.constant 0xFF800000 : f32
    %broadcast_in_dim3A_405 = vector.broadcast %broadcast_in_dim3A_404 : f32 to vector<16xf32>
    %broadcast_in_dim3A_406 = arith.constant 0 : i32
    %broadcast_in_dim3A_407 = vector.broadcast %broadcast_in_dim3A_406 : i32 to vector<16xi32>
    %scan3A_408 = arith.constant 0 : i32
    %scan3A_409 = arith.constant 125 : i32
    %scan3A_410 = arith.addi %scan3A_408, %scan3A_409 : i32
    %scan3A_411 = arith.constant 1 : i32
    %scan3A_412:2 = scf.for %scan3A_478 = %scan3A_408 to %scan3A_410 step %scan3A_411 iter_args(%scan3A_479 = %broadcast_in_dim3A_405, %scan3A_480 = %broadcast_in_dim3A_407) -> (vector<16xf32>, vector<16xi32>)  : i32 {
      %mul3A_481 = arith.constant 8 : i32
      %mul3A_482 = arith.muli %scan3A_478, %mul3A_481 : i32
      %broadcast_in_dim3A_483 = vector.broadcast %mul3A_482 : i32 to vector<16xi32>
      %add3A_484 = arith.addi %broadcast_in_dim3A_483, %broadcast_in_dim3A_10 : vector<16xi32>
      %gather3A_485 = tpu.vector_load_idx %arg6[%add3A_403, %add3A_484] : memref<32x1000xf32, #tpu.memory_space<vmem>>[vector<16xi32>, vector<16xi32>], vector<16xf32>,
      %add3A_486 = arith.addi %broadcast_in_dim3A_483, %broadcast_in_dim3A_12 : vector<16xi32>
      %gather3A_487 = tpu.vector_load_idx %arg6[%add3A_403, %add3A_486] : memref<32x1000xf32, #tpu.memory_space<vmem>>[vector<16xi32>, vector<16xi32>], vector<16xf32>,
      %add3A_488 = arith.addi %broadcast_in_dim3A_483, %broadcast_in_dim3A_14 : vector<16xi32>
      %gather3A_489 = tpu.vector_load_idx %arg6[%add3A_403, %add3A_488] : memref<32x1000xf32, #tpu.memory_space<vmem>>[vector<16xi32>, vector<16xi32>], vector<16xf32>,
      %add3A_490 = arith.addi %broadcast_in_dim3A_483, %broadcast_in_dim3A_16 : vector<16xi32>
      %gather3A_491 = tpu.vector_load_idx %arg6[%add3A_403, %add3A_490] : memref<32x1000xf32, #tpu.memory_space<vmem>>[vector<16xi32>, vector<16xi32>], vector<16xf32>,
      %add3A_492 = arith.addi %broadcast_in_dim3A_483, %broadcast_in_dim3A_18 : vector<16xi32>
      %gather3A_493 = tpu.vector_load_idx %arg6[%add3A_403, %add3A_492] : memref<32x1000xf32, #tpu.memory_space<vmem>>[vector<16xi32>, vector<16xi32>], vector<16xf32>,
      %add3A_494 = arith.addi %broadcast_in_dim3A_483, %broadcast_in_dim3A_20 : vector<16xi32>
      %gather3A_495 = tpu.vector_load_idx %arg6[%add3A_403, %add3A_494] : memref<32x1000xf32, #tpu.memory_space<vmem>>[vector<16xi32>, vector<16xi32>], vector<16xf32>,
      %add3A_496 = arith.addi %broadcast_in_dim3A_483, %broadcast_in_dim3A_22 : vector<16xi32>
      %gather3A_497 = tpu.vector_load_idx %arg6[%add3A_403, %add3A_496] : memref<32x1000xf32, #tpu.memory_space<vmem>>[vector<16xi32>, vector<16xi32>], vector<16xf32>,
      %add3A_498 = arith.addi %broadcast_in_dim3A_483, %broadcast_in_dim3A_24 : vector<16xi32>
      %gather3A_499 = tpu.vector_load_idx %arg6[%add3A_403, %add3A_498] : memref<32x1000xf32, #tpu.memory_space<vmem>>[vector<16xi32>, vector<16xi32>], vector<16xf32>,
      %gt3A = arith.cmpf ogt, %gather3A_487, %gather3A_485 : vector<16xf32>
      %select_n3A = arith.select %gt3A, %gather3A_487, %gather3A_485 : vector<16xi1>, vector<16xf32>
      %select_n3A_500 = arith.select %gt3A, %broadcast_in_dim3A_12, %broadcast_in_dim3A_10 : vector<16xi1>, vector<16xi32>
      %gt3A_501 = arith.cmpf ogt, %gather3A_491, %gather3A_489 : vector<16xf32>
      %select_n3A_502 = arith.select %gt3A_501, %gather3A_491, %gather3A_489 : vector<16xi1>, vector<16xf32>
      %select_n3A_503 = arith.select %gt3A_501, %broadcast_in_dim3A_16, %broadcast_in_dim3A_14 : vector<16xi1>, vector<16xi32>
      %gt3A_504 = arith.cmpf ogt, %gather3A_495, %gather3A_493 : vector<16xf32>
      %select_n3A_505 = arith.select %gt3A_504, %gather3A_495, %gather3A_493 : vector<16xi1>, vector<16xf32>
      %select_n3A_506 = arith.select %gt3A_504, %broadcast_in_dim3A_20, %broadcast_in_dim3A_18 : vector<16xi1>, vector<16xi32>
      %gt3A_507 = arith.cmpf ogt, %gather3A_499, %gather3A_497 : vector<16xf32>
      %select_n3A_508 = arith.select %gt3A_507, %gather3A_499, %gather3A_497 : vector<16xi1>, vector<16xf32>
      %select_n3A_509 = arith.select %gt3A_507, %broadcast_in_dim3A_24, %broadcast_in_dim3A_22 : vector<16xi1>, vector<16xi32>
      %gt3A_510 = arith.cmpf ogt, %select_n3A_502, %select_n3A : vector<16xf32>
      %select_n3A_511 = arith.select %gt3A_510, %select_n3A_502, %select_n3A : vector<16xi1>, vector<16xf32>
      %select_n3A_512 = arith.select %gt3A_510, %select_n3A_503, %select_n3A_500 : vector<16xi1>, vector<16xi32>
      %gt3A_513 = arith.cmpf ogt, %select_n3A_508, %select_n3A_505 : vector<16xf32>
      %select_n3A_514 = arith.select %gt3A_513, %select_n3A_508, %select_n3A_505 : vector<16xi1>, vector<16xf32>
      %select_n3A_515 = arith.select %gt3A_513, %select_n3A_509, %select_n3A_506 : vector<16xi1>, vector<16xi32>
      %gt3A_516 = arith.cmpf ogt, %select_n3A_514, %select_n3A_511 : vector<16xf32>
      %select_n3A_517 = arith.select %gt3A_516, %select_n3A_514, %select_n3A_511 : vector<16xi1>, vector<16xf32>
      %select_n3A_518 = arith.select %gt3A_516, %select_n3A_515, %select_n3A_512 : vector<16xi1>, vector<16xi32>
      %add3A_519 = arith.addi %broadcast_in_dim3A_483, %select_n3A_518 : vector<16xi32>
      %gt3A_520 = arith.cmpf ogt, %select_n3A_517, %scan3A_479 : vector<16xf32>
      %select_n3A_521 = arith.select %gt3A_520, %select_n3A_517, %scan3A_479 : vector<16xi1>, vector<16xf32>
      %select_n3A_522 = arith.select %gt3A_520, %add3A_519, %scan3A_480 : vector<16xi1>, vector<16xi32>
      scf.yield %select_n3A_521, %select_n3A_522 : vector<16xf32>, vector<16xi32>
    }
    %scan3A_413 = arith.constant 125 : i32
    %gather3A_414 = tpu.vector_load_idx %arg8[%scan3A_412#1] : memref<1000xf32, #tpu.memory_space<vmem>>[vector<16xi32>], vector<16xf32>,
    %get3A_415 = arith.constant 208 : index
    %get3A_416 = tpu.vector_load %arg9[%get3A_415] {strides = array<i32>} : memref<256xf32, #tpu.memory_space<vmem>>, vector<16xf32>,
    %sub3A_417 = arith.subf %gather3A_414, %get3A_416 : vector<16xf32>
    %max3A_418 = arith.constant 0.000000e+00 : f32
    %max3A_419 = vector.broadcast %max3A_418 : f32 to vector<16xf32>
    %max3A_420 = arith.maximumf %sub3A_417, %max3A_419 : vector<16xf32>
    %mul3A_421 = arith.mulf %max3A_420, %max3A_420 : vector<16xf32>
    %swap3A_422 = arith.constant 208 : index
    %swap3A_423 = tpu.vector_load %arg10[%swap3A_422] {strides = array<i32>} : memref<256xf32, #tpu.memory_space<vmem>>, vector<16xf32>,
    tpu.vector_store %arg10[%swap3A_422], %mul3A_421 {strides = array<i32>} : memref<256xf32, #tpu.memory_space<vmem>>, vector<16xf32>,
    %add3A_424 = arith.constant 224 : i32
    %add3A_425 = arith.addi %add3A_4, %add3A_424 : i32
    %dma_wait3A_426 = arith.constant 0 : i32
    %dma_wait3A_427 = tpu.memref_slice %arg2[%add3A_425, %dma_wait3A_426] : memref<16384x1000xf32, #tpu.memory_space<hbm>> -> memref<32x1000xf32, #tpu.memory_space<hbm>>
    %dma_wait3A_428 = arith.constant 0 : i32
    %dma_wait3A_429 = tpu.memref_slice %arg2[%add3A_425, %dma_wait3A_428] : memref<16384x1000xf32, #tpu.memory_space<hbm>> -> memref<32x1000xf32, #tpu.memory_space<hbm>>
    tpu.wait_dma2 semaphore(%arg12 : memref<!tpu.dma_semaphore, #tpu.memory_space<semaphore_mem>>) src(%dma_wait3A_429 : memref<32x1000xf32, #tpu.memory_space<hbm>>) dst(%arg7 : memref<32x1000xf32, #tpu.memory_space<vmem>>)
    %add3A_430 = arith.constant 0 : i32
    %add3A_431 = vector.broadcast %add3A_430 : i32 to vector<16xi32>
    %add3A_432 = arith.addi %iota3A, %add3A_431 : vector<16xi32>
    %broadcast_in_dim3A_433 = arith.constant 0xFF800000 : f32
    %broadcast_in_dim3A_434 = vector.broadcast %broadcast_in_dim3A_433 : f32 to vector<16xf32>
    %broadcast_in_dim3A_435 = arith.constant 0 : i32
    %broadcast_in_dim3A_436 = vector.broadcast %broadcast_in_dim3A_435 : i32 to vector<16xi32>
    %scan3A_437 = arith.constant 0 : i32
    %scan3A_438 = arith.constant 125 : i32
    %scan3A_439 = arith.addi %scan3A_437, %scan3A_438 : i32
    %scan3A_440 = arith.constant 1 : i32
    %scan3A_441:2 = scf.for %scan3A_478 = %scan3A_437 to %scan3A_439 step %scan3A_440 iter_args(%scan3A_479 = %broadcast_in_dim3A_434, %scan3A_480 = %broadcast_in_dim3A_436) -> (vector<16xf32>, vector<16xi32>)  : i32 {
      %mul3A_481 = arith.constant 8 : i32
      %mul3A_482 = arith.muli %scan3A_478, %mul3A_481 : i32
      %broadcast_in_dim3A_483 = vector.broadcast %mul3A_482 : i32 to vector<16xi32>
      %add3A_484 = arith.addi %broadcast_in_dim3A_483, %broadcast_in_dim3A_10 : vector<16xi32>
      %gather3A_485 = tpu.vector_load_idx %arg7[%add3A_432, %add3A_484] : memref<32x1000xf32, #tpu.memory_space<vmem>>[vector<16xi32>, vector<16xi32>], vector<16xf32>,
      %add3A_486 = arith.addi %broadcast_in_dim3A_483, %broadcast_in_dim3A_12 : vector<16xi32>
      %gather3A_487 = tpu.vector_load_idx %arg7[%add3A_432, %add3A_486] : memref<32x1000xf32, #tpu.memory_space<vmem>>[vector<16xi32>, vector<16xi32>], vector<16xf32>,
      %add3A_488 = arith.addi %broadcast_in_dim3A_483, %broadcast_in_dim3A_14 : vector<16xi32>
      %gather3A_489 = tpu.vector_load_idx %arg7[%add3A_432, %add3A_488] : memref<32x1000xf32, #tpu.memory_space<vmem>>[vector<16xi32>, vector<16xi32>], vector<16xf32>,
      %add3A_490 = arith.addi %broadcast_in_dim3A_483, %broadcast_in_dim3A_16 : vector<16xi32>
      %gather3A_491 = tpu.vector_load_idx %arg7[%add3A_432, %add3A_490] : memref<32x1000xf32, #tpu.memory_space<vmem>>[vector<16xi32>, vector<16xi32>], vector<16xf32>,
      %add3A_492 = arith.addi %broadcast_in_dim3A_483, %broadcast_in_dim3A_18 : vector<16xi32>
      %gather3A_493 = tpu.vector_load_idx %arg7[%add3A_432, %add3A_492] : memref<32x1000xf32, #tpu.memory_space<vmem>>[vector<16xi32>, vector<16xi32>], vector<16xf32>,
      %add3A_494 = arith.addi %broadcast_in_dim3A_483, %broadcast_in_dim3A_20 : vector<16xi32>
      %gather3A_495 = tpu.vector_load_idx %arg7[%add3A_432, %add3A_494] : memref<32x1000xf32, #tpu.memory_space<vmem>>[vector<16xi32>, vector<16xi32>], vector<16xf32>,
      %add3A_496 = arith.addi %broadcast_in_dim3A_483, %broadcast_in_dim3A_22 : vector<16xi32>
      %gather3A_497 = tpu.vector_load_idx %arg7[%add3A_432, %add3A_496] : memref<32x1000xf32, #tpu.memory_space<vmem>>[vector<16xi32>, vector<16xi32>], vector<16xf32>,
      %add3A_498 = arith.addi %broadcast_in_dim3A_483, %broadcast_in_dim3A_24 : vector<16xi32>
      %gather3A_499 = tpu.vector_load_idx %arg7[%add3A_432, %add3A_498] : memref<32x1000xf32, #tpu.memory_space<vmem>>[vector<16xi32>, vector<16xi32>], vector<16xf32>,
      %gt3A = arith.cmpf ogt, %gather3A_487, %gather3A_485 : vector<16xf32>
      %select_n3A = arith.select %gt3A, %gather3A_487, %gather3A_485 : vector<16xi1>, vector<16xf32>
      %select_n3A_500 = arith.select %gt3A, %broadcast_in_dim3A_12, %broadcast_in_dim3A_10 : vector<16xi1>, vector<16xi32>
      %gt3A_501 = arith.cmpf ogt, %gather3A_491, %gather3A_489 : vector<16xf32>
      %select_n3A_502 = arith.select %gt3A_501, %gather3A_491, %gather3A_489 : vector<16xi1>, vector<16xf32>
      %select_n3A_503 = arith.select %gt3A_501, %broadcast_in_dim3A_16, %broadcast_in_dim3A_14 : vector<16xi1>, vector<16xi32>
      %gt3A_504 = arith.cmpf ogt, %gather3A_495, %gather3A_493 : vector<16xf32>
      %select_n3A_505 = arith.select %gt3A_504, %gather3A_495, %gather3A_493 : vector<16xi1>, vector<16xf32>
      %select_n3A_506 = arith.select %gt3A_504, %broadcast_in_dim3A_20, %broadcast_in_dim3A_18 : vector<16xi1>, vector<16xi32>
      %gt3A_507 = arith.cmpf ogt, %gather3A_499, %gather3A_497 : vector<16xf32>
      %select_n3A_508 = arith.select %gt3A_507, %gather3A_499, %gather3A_497 : vector<16xi1>, vector<16xf32>
      %select_n3A_509 = arith.select %gt3A_507, %broadcast_in_dim3A_24, %broadcast_in_dim3A_22 : vector<16xi1>, vector<16xi32>
      %gt3A_510 = arith.cmpf ogt, %select_n3A_502, %select_n3A : vector<16xf32>
      %select_n3A_511 = arith.select %gt3A_510, %select_n3A_502, %select_n3A : vector<16xi1>, vector<16xf32>
      %select_n3A_512 = arith.select %gt3A_510, %select_n3A_503, %select_n3A_500 : vector<16xi1>, vector<16xi32>
      %gt3A_513 = arith.cmpf ogt, %select_n3A_508, %select_n3A_505 : vector<16xf32>
      %select_n3A_514 = arith.select %gt3A_513, %select_n3A_508, %select_n3A_505 : vector<16xi1>, vector<16xf32>
      %select_n3A_515 = arith.select %gt3A_513, %select_n3A_509, %select_n3A_506 : vector<16xi1>, vector<16xi32>
      %gt3A_516 = arith.cmpf ogt, %select_n3A_514, %select_n3A_511 : vector<16xf32>
      %select_n3A_517 = arith.select %gt3A_516, %select_n3A_514, %select_n3A_511 : vector<16xi1>, vector<16xf32>
      %select_n3A_518 = arith.select %gt3A_516, %select_n3A_515, %select_n3A_512 : vector<16xi1>, vector<16xi32>
      %add3A_519 = arith.addi %broadcast_in_dim3A_483, %select_n3A_518 : vector<16xi32>
      %gt3A_520 = arith.cmpf ogt, %select_n3A_517, %scan3A_479 : vector<16xf32>
      %select_n3A_521 = arith.select %gt3A_520, %select_n3A_517, %scan3A_479 : vector<16xi1>, vector<16xf32>
      %select_n3A_522 = arith.select %gt3A_520, %add3A_519, %scan3A_480 : vector<16xi1>, vector<16xi32>
      scf.yield %select_n3A_521, %select_n3A_522 : vector<16xf32>, vector<16xi32>
    }
    %scan3A_442 = arith.constant 125 : i32
    %gather3A_443 = tpu.vector_load_idx %arg8[%scan3A_441#1] : memref<1000xf32, #tpu.memory_space<vmem>>[vector<16xi32>], vector<16xf32>,
    %get3A_444 = arith.constant 224 : index
    %get3A_445 = tpu.vector_load %arg9[%get3A_444] {strides = array<i32>} : memref<256xf32, #tpu.memory_space<vmem>>, vector<16xf32>,
    %sub3A_446 = arith.subf %gather3A_443, %get3A_445 : vector<16xf32>
    %max3A_447 = arith.constant 0.000000e+00 : f32
    %max3A_448 = vector.broadcast %max3A_447 : f32 to vector<16xf32>
    %max3A_449 = arith.maximumf %sub3A_446, %max3A_448 : vector<16xf32>
    %mul3A_450 = arith.mulf %max3A_449, %max3A_449 : vector<16xf32>
    %swap3A_451 = arith.constant 224 : index
    %swap3A_452 = tpu.vector_load %arg10[%swap3A_451] {strides = array<i32>} : memref<256xf32, #tpu.memory_space<vmem>>, vector<16xf32>,
    tpu.vector_store %arg10[%swap3A_451], %mul3A_450 {strides = array<i32>} : memref<256xf32, #tpu.memory_space<vmem>>, vector<16xf32>,
    %add3A_453 = arith.constant 16 : i32
    %add3A_454 = vector.broadcast %add3A_453 : i32 to vector<16xi32>
    %add3A_455 = arith.addi %iota3A, %add3A_454 : vector<16xi32>
    %broadcast_in_dim3A_456 = arith.constant 0xFF800000 : f32
    %broadcast_in_dim3A_457 = vector.broadcast %broadcast_in_dim3A_456 : f32 to vector<16xf32>
    %broadcast_in_dim3A_458 = arith.constant 0 : i32
    %broadcast_in_dim3A_459 = vector.broadcast %broadcast_in_dim3A_458 : i32 to vector<16xi32>
    %scan3A_460 = arith.constant 0 : i32
    %scan3A_461 = arith.constant 125 : i32
    %scan3A_462 = arith.addi %scan3A_460, %scan3A_461 : i32
    %scan3A_463 = arith.constant 1 : i32
    %scan3A_464:2 = scf.for %scan3A_478 = %scan3A_460 to %scan3A_462 step %scan3A_463 iter_args(%scan3A_479 = %broadcast_in_dim3A_457, %scan3A_480 = %broadcast_in_dim3A_459) -> (vector<16xf32>, vector<16xi32>)  : i32 {
      %mul3A_481 = arith.constant 8 : i32
      %mul3A_482 = arith.muli %scan3A_478, %mul3A_481 : i32
      %broadcast_in_dim3A_483 = vector.broadcast %mul3A_482 : i32 to vector<16xi32>
      %add3A_484 = arith.addi %broadcast_in_dim3A_483, %broadcast_in_dim3A_10 : vector<16xi32>
      %gather3A_485 = tpu.vector_load_idx %arg7[%add3A_455, %add3A_484] : memref<32x1000xf32, #tpu.memory_space<vmem>>[vector<16xi32>, vector<16xi32>], vector<16xf32>,
      %add3A_486 = arith.addi %broadcast_in_dim3A_483, %broadcast_in_dim3A_12 : vector<16xi32>
      %gather3A_487 = tpu.vector_load_idx %arg7[%add3A_455, %add3A_486] : memref<32x1000xf32, #tpu.memory_space<vmem>>[vector<16xi32>, vector<16xi32>], vector<16xf32>,
      %add3A_488 = arith.addi %broadcast_in_dim3A_483, %broadcast_in_dim3A_14 : vector<16xi32>
      %gather3A_489 = tpu.vector_load_idx %arg7[%add3A_455, %add3A_488] : memref<32x1000xf32, #tpu.memory_space<vmem>>[vector<16xi32>, vector<16xi32>], vector<16xf32>,
      %add3A_490 = arith.addi %broadcast_in_dim3A_483, %broadcast_in_dim3A_16 : vector<16xi32>
      %gather3A_491 = tpu.vector_load_idx %arg7[%add3A_455, %add3A_490] : memref<32x1000xf32, #tpu.memory_space<vmem>>[vector<16xi32>, vector<16xi32>], vector<16xf32>,
      %add3A_492 = arith.addi %broadcast_in_dim3A_483, %broadcast_in_dim3A_18 : vector<16xi32>
      %gather3A_493 = tpu.vector_load_idx %arg7[%add3A_455, %add3A_492] : memref<32x1000xf32, #tpu.memory_space<vmem>>[vector<16xi32>, vector<16xi32>], vector<16xf32>,
      %add3A_494 = arith.addi %broadcast_in_dim3A_483, %broadcast_in_dim3A_20 : vector<16xi32>
      %gather3A_495 = tpu.vector_load_idx %arg7[%add3A_455, %add3A_494] : memref<32x1000xf32, #tpu.memory_space<vmem>>[vector<16xi32>, vector<16xi32>], vector<16xf32>,
      %add3A_496 = arith.addi %broadcast_in_dim3A_483, %broadcast_in_dim3A_22 : vector<16xi32>
      %gather3A_497 = tpu.vector_load_idx %arg7[%add3A_455, %add3A_496] : memref<32x1000xf32, #tpu.memory_space<vmem>>[vector<16xi32>, vector<16xi32>], vector<16xf32>,
      %add3A_498 = arith.addi %broadcast_in_dim3A_483, %broadcast_in_dim3A_24 : vector<16xi32>
      %gather3A_499 = tpu.vector_load_idx %arg7[%add3A_455, %add3A_498] : memref<32x1000xf32, #tpu.memory_space<vmem>>[vector<16xi32>, vector<16xi32>], vector<16xf32>,
      %gt3A = arith.cmpf ogt, %gather3A_487, %gather3A_485 : vector<16xf32>
      %select_n3A = arith.select %gt3A, %gather3A_487, %gather3A_485 : vector<16xi1>, vector<16xf32>
      %select_n3A_500 = arith.select %gt3A, %broadcast_in_dim3A_12, %broadcast_in_dim3A_10 : vector<16xi1>, vector<16xi32>
      %gt3A_501 = arith.cmpf ogt, %gather3A_491, %gather3A_489 : vector<16xf32>
      %select_n3A_502 = arith.select %gt3A_501, %gather3A_491, %gather3A_489 : vector<16xi1>, vector<16xf32>
      %select_n3A_503 = arith.select %gt3A_501, %broadcast_in_dim3A_16, %broadcast_in_dim3A_14 : vector<16xi1>, vector<16xi32>
      %gt3A_504 = arith.cmpf ogt, %gather3A_495, %gather3A_493 : vector<16xf32>
      %select_n3A_505 = arith.select %gt3A_504, %gather3A_495, %gather3A_493 : vector<16xi1>, vector<16xf32>
      %select_n3A_506 = arith.select %gt3A_504, %broadcast_in_dim3A_20, %broadcast_in_dim3A_18 : vector<16xi1>, vector<16xi32>
      %gt3A_507 = arith.cmpf ogt, %gather3A_499, %gather3A_497 : vector<16xf32>
      %select_n3A_508 = arith.select %gt3A_507, %gather3A_499, %gather3A_497 : vector<16xi1>, vector<16xf32>
      %select_n3A_509 = arith.select %gt3A_507, %broadcast_in_dim3A_24, %broadcast_in_dim3A_22 : vector<16xi1>, vector<16xi32>
      %gt3A_510 = arith.cmpf ogt, %select_n3A_502, %select_n3A : vector<16xf32>
      %select_n3A_511 = arith.select %gt3A_510, %select_n3A_502, %select_n3A : vector<16xi1>, vector<16xf32>
      %select_n3A_512 = arith.select %gt3A_510, %select_n3A_503, %select_n3A_500 : vector<16xi1>, vector<16xi32>
      %gt3A_513 = arith.cmpf ogt, %select_n3A_508, %select_n3A_505 : vector<16xf32>
      %select_n3A_514 = arith.select %gt3A_513, %select_n3A_508, %select_n3A_505 : vector<16xi1>, vector<16xf32>
      %select_n3A_515 = arith.select %gt3A_513, %select_n3A_509, %select_n3A_506 : vector<16xi1>, vector<16xi32>
      %gt3A_516 = arith.cmpf ogt, %select_n3A_514, %select_n3A_511 : vector<16xf32>
      %select_n3A_517 = arith.select %gt3A_516, %select_n3A_514, %select_n3A_511 : vector<16xi1>, vector<16xf32>
      %select_n3A_518 = arith.select %gt3A_516, %select_n3A_515, %select_n3A_512 : vector<16xi1>, vector<16xi32>
      %add3A_519 = arith.addi %broadcast_in_dim3A_483, %select_n3A_518 : vector<16xi32>
      %gt3A_520 = arith.cmpf ogt, %select_n3A_517, %scan3A_479 : vector<16xf32>
      %select_n3A_521 = arith.select %gt3A_520, %select_n3A_517, %scan3A_479 : vector<16xi1>, vector<16xf32>
      %select_n3A_522 = arith.select %gt3A_520, %add3A_519, %scan3A_480 : vector<16xi1>, vector<16xi32>
      scf.yield %select_n3A_521, %select_n3A_522 : vector<16xf32>, vector<16xi32>
    }
    %scan3A_465 = arith.constant 125 : i32
    %gather3A_466 = tpu.vector_load_idx %arg8[%scan3A_464#1] : memref<1000xf32, #tpu.memory_space<vmem>>[vector<16xi32>], vector<16xf32>,
    %get3A_467 = arith.constant 240 : index
    %get3A_468 = tpu.vector_load %arg9[%get3A_467] {strides = array<i32>} : memref<256xf32, #tpu.memory_space<vmem>>, vector<16xf32>,
    %sub3A_469 = arith.subf %gather3A_466, %get3A_468 : vector<16xf32>
    %max3A_470 = arith.constant 0.000000e+00 : f32
    %max3A_471 = vector.broadcast %max3A_470 : f32 to vector<16xf32>
    %max3A_472 = arith.maximumf %sub3A_469, %max3A_471 : vector<16xf32>
    %mul3A_473 = arith.mulf %max3A_472, %max3A_472 : vector<16xf32>
    %swap3A_474 = arith.constant 240 : index
    %swap3A_475 = tpu.vector_load %arg10[%swap3A_474] {strides = array<i32>} : memref<256xf32, #tpu.memory_space<vmem>>, vector<16xf32>,
    tpu.vector_store %arg10[%swap3A_474], %mul3A_473 {strides = array<i32>} : memref<256xf32, #tpu.memory_space<vmem>>, vector<16xf32>,
    %mul3A_476 = arith.constant 256 : i32
    %mul3A_477 = arith.muli %add3A, %mul3A_476 : i32
    "tpu.region"() ({
      %run_scoped3A = tpu.sem_alloc : memref<!tpu.dma_semaphore, #tpu.memory_space<semaphore_mem>>
      %dma_start3A_478 = tpu.memref_slice %arg5[%mul3A_477] : memref<8192xf32, #tpu.memory_space<hbm>> -> memref<256xf32, #tpu.memory_space<hbm>>
      %dma_start3A_479 = tpu.memref_slice %arg5[%mul3A_477] : memref<8192xf32, #tpu.memory_space<hbm>> -> memref<256xf32, #tpu.memory_space<hbm>>
      tpu.enqueue_dma source(%arg10 : memref<256xf32, #tpu.memory_space<vmem>>) target(%dma_start3A_479 : memref<256xf32, #tpu.memory_space<hbm>>) target_semaphore(%run_scoped3A : memref<!tpu.dma_semaphore, #tpu.memory_space<semaphore_mem>>)
      %dma_wait3A_480 = tpu.memref_slice %arg5[%mul3A_477] : memref<8192xf32, #tpu.memory_space<hbm>> -> memref<256xf32, #tpu.memory_space<hbm>>
      %dma_wait3A_481 = tpu.memref_slice %arg5[%mul3A_477] : memref<8192xf32, #tpu.memory_space<hbm>> -> memref<256xf32, #tpu.memory_space<hbm>>
      tpu.wait_dma2 semaphore(%run_scoped3A : memref<!tpu.dma_semaphore, #tpu.memory_space<semaphore_mem>>) src(%arg10 : memref<256xf32, #tpu.memory_space<vmem>>) dst(%dma_wait3A_481 : memref<256xf32, #tpu.memory_space<hbm>>)
      tpu.yield
    }) : () -> ()
    return
  }
}

module attributes {stable_mosaic.version = 14 : i64} {
  func.func @_tc_body(%arg0: i32, %arg1: memref<512x1000xf32, #tpu.memory_space<vmem>>, %arg2: memref<512x1xf32, #tpu.memory_space<vmem>>, %arg3: memref<1x1000xf32, #tpu.memory_space<vmem>>, %arg4: memref<512x1xf32, #tpu.memory_space<vmem>>) attributes {dimension_semantics = [#tpu.dimension_semantics<arbitrary>], iteration_bounds = array<i64: 16>, scalar_prefetch = 0 : i64, scratch_operands = 0 : i64, tpu.core_type = #tpu.core_type<tc>, window_params = [{transform_indices = @transform_0, window_bounds = array<i64: 512, 1000>}, {transform_indices = @transform_1, window_bounds = array<i64: 512, 1>}, {pipeline_mode = #tpu.pipeline_mode<synchronous>, transform_indices = @transform_2, window_bounds = array<i64: 1, 1000>}, {transform_indices = @transform_3, window_bounds = array<i64: 512, 1>}]} {
    %get3A = arith.constant 0 : index
    %get3A_0 = arith.constant 0 : index
    %get3A_1 = vector.load %arg1[%get3A, %get3A_0] : memref<512x1000xf32, #tpu.memory_space<vmem>>, vector<512x1000xf32>
    %reduce_max3A = arith.constant dense<0xFF800000> : vector<512xf32>
    %reduce_max3A_2 = vector.multi_reduction <maximumf>, %get3A_1, %reduce_max3A [1] : vector<512x1000xf32> to vector<512xf32>
    %broadcast_in_dim3A = vector.shape_cast %reduce_max3A_2 : vector<512xf32> to vector<512x1xf32>
    %iota3A = tpu.iota {dimensions = array<i32: 1>} : vector<512x1000xi32>
    %convert_element_type3A = arith.sitofp %iota3A : vector<512x1000xi32> to vector<512x1000xf32>
    %eq3A = vector.broadcast %broadcast_in_dim3A : vector<512x1xf32> to vector<512x1000xf32>
    %eq3A_3 = arith.cmpf oeq, %get3A_1, %eq3A : vector<512x1000xf32>
    %jit3A = arith.constant 1.024000e+03 : f32
    %broadcast_in_dim3A_4 = vector.broadcast %jit3A : f32 to vector<512x1000xf32>
    %select_n3A = arith.select %eq3A_3, %convert_element_type3A, %broadcast_in_dim3A_4 : vector<512x1000xi1>, vector<512x1000xf32>
    %reduce_min3A = arith.constant dense<0x7F800000> : vector<512xf32>
    %reduce_min3A_5 = vector.multi_reduction <minimumf>, %select_n3A, %reduce_min3A [1] : vector<512x1000xf32> to vector<512xf32>
    %broadcast_in_dim3A_6 = vector.shape_cast %reduce_min3A_5 : vector<512xf32> to vector<512x1xf32>
    %get3A_7 = arith.constant 0 : index
    %get3A_8 = arith.constant 0 : index
    %get3A_9 = vector.load %arg3[%get3A_7, %get3A_8] : memref<1x1000xf32, #tpu.memory_space<vmem>>, vector<1x1000xf32>
    %broadcast_in_dim3A_10 = vector.shape_cast %get3A_9 : vector<1x1000xf32> to vector<1x1000xf32>
    %broadcast_in_dim3A_11 = vector.broadcast %broadcast_in_dim3A_10 : vector<1x1000xf32> to vector<512x1000xf32>
    %eq3A_12 = vector.broadcast %broadcast_in_dim3A_6 : vector<512x1xf32> to vector<512x1000xf32>
    %eq3A_13 = arith.cmpf oeq, %convert_element_type3A, %eq3A_12 : vector<512x1000xf32>
    %jit3A_14 = arith.constant 0xFF800000 : f32
    %broadcast_in_dim3A_15 = vector.broadcast %jit3A_14 : f32 to vector<512x1000xf32>
    %select_n3A_16 = arith.select %eq3A_13, %broadcast_in_dim3A_11, %broadcast_in_dim3A_15 : vector<512x1000xi1>, vector<512x1000xf32>
    %reduce_max3A_17 = arith.constant dense<0xFF800000> : vector<512xf32>
    %reduce_max3A_18 = vector.multi_reduction <maximumf>, %select_n3A_16, %reduce_max3A_17 [1] : vector<512x1000xf32> to vector<512xf32>
    %broadcast_in_dim3A_19 = vector.shape_cast %reduce_max3A_18 : vector<512xf32> to vector<512x1xf32>
    %get3A_20 = arith.constant 0 : index
    %get3A_21 = arith.constant 0 : index
    %get3A_22 = vector.load %arg2[%get3A_20, %get3A_21] : memref<512x1xf32, #tpu.memory_space<vmem>>, vector<512x1xf32>
    %sub3A = arith.subf %broadcast_in_dim3A_19, %get3A_22 : vector<512x1xf32>
    %max3A = arith.constant 0.000000e+00 : f32
    %max3A_23 = vector.broadcast %max3A : f32 to vector<512x1xf32>
    %max3A_24 = arith.maximumf %sub3A, %max3A_23 : vector<512x1xf32>
    %mul3A = arith.mulf %max3A_24, %max3A_24 : vector<512x1xf32>
    %swap3A = arith.constant 0 : index
    %swap3A_25 = arith.constant 0 : index
    %swap3A_26 = vector.load %arg4[%swap3A, %swap3A_25] : memref<512x1xf32, #tpu.memory_space<vmem>>, vector<512x1xf32>
    tpu.vector_store %arg4[%swap3A, %swap3A_25], %mul3A {strides = array<i32>} : memref<512x1xf32, #tpu.memory_space<vmem>>, vector<512x1xf32>,
    return
  }
  func.func @transform_0(%arg0: i32) -> (i32, i32) {
    %c0_i32 = arith.constant 0 : i32
    %c0_i32_0 = arith.constant 0 : i32
    return %arg0, %c0_i32 : i32, i32
  }
  func.func @transform_1(%arg0: i32) -> (i32, i32) {
    %c0_i32 = arith.constant 0 : i32
    %c0_i32_0 = arith.constant 0 : i32
    return %arg0, %c0_i32 : i32, i32
  }
  func.func @transform_2(%arg0: i32) -> (i32, i32) {
    %c0_i32 = arith.constant 0 : i32
    %c0_i32_0 = arith.constant 0 : i32
    %c0_i32_1 = arith.constant 0 : i32
    return %c0_i32, %c0_i32_0 : i32, i32
  }
  func.func @transform_3(%arg0: i32) -> (i32, i32) {
    %c0_i32 = arith.constant 0 : i32
    %c0_i32_0 = arith.constant 0 : i32
    return %arg0, %c0_i32 : i32, i32
  }
}

</mosaic_0001>

<sc_bundles>
// kernel: kernel.4.cloned.1.call-start
scs
__scs_entry_jumppad:
0x0: {  	(pc) =	sbr.rel $0x88, $3  }
0x1: {  	(tag) =	ssettag $0x0;
	lr =	simm.s32 $0x1  }
0x2: {  	[smem:$0x3F9E] =	sst lr;
	_ =	strace $0xD0000000  }
0x3: {  	_ = 	snop  }
0x4: {  	_ = 	snop  }
0x5: {  	_ = 	snop  }
0x6: {  	_ = 	snop  }
0x7: {  	_ = 	snop  }
__scs_overlays_trampoline_lowered:
0x8: {  	[smem:$0x3FAD] =	sst s0  }
0x9: {  	[smem:$0x3FAE] =	sst s1  }
0xa: {  	[smem:$0x3FAF] =	sst s2  }
0xb: {  	[smem:$0x3FB0] =	sst s3  }
0xc: {  	[smem:$0x3FB1] =	sst s4  }
0xd: {  	[smem:$0x3FB2] =	sst s5  }
0xe: {  	[smem:$0x3FB3] =	sst s6  }
0xf: {  	[smem:$0x3FB4] =	sst s7  }
0x10: {  	[smem:$0x3FB5] =	sst s8  }
0x11: {  	[smem:$0x3FB6] =	sst s9;
	s0 =	simm.s32 @!p0 $0x0  }
0x12: {  	s1 =	sld [smem:$0x3F9C];
	s0 =	simm.s32 @p0 $0x1  }
0x13: {  	[smem:$0x3FB7] =	sst s0;
	s0 =	simm.s32 @!p1 $0x0  }
0x14: {  	s2 =	sld [smem:$0x3F9B];
	s0 =	simm.s32 @p1 $0x1  }
0x15: {  	[smem:$0x3FB8] =	sst s0;
	s0 =	simm.s32 @!p2 $0x0  }
0x16: {  	s3 =	sld [smem:$0x3FDB];
	s0 =	simm.s32 @p2 $0x1  }
0x17: {  	s4 =	simm.s32 $0x1BF5;
	[smem:$0x3FBA] =	sst s0  }
0x18: {  	s0 =	sld [smem:$0x3F9D];
	_ =	swait.ge [sflag:s4], $0x0  }
0x19: {  	s7 =	sld [smem:$0x3F9E]  }
0x1a: {  	s8 =	sadd.s32 $0xFFFFE003, lr  }
0x1b: {  	s9 =	sadd.s32 $0xFFFFFEF7, lr;
	s5 =	simm.s32 $0xFFFFFFFF;
	p2 =	slt.u32 s8, $0xFFFFF086  }
0x1c: {  	p1 =	slt.u32 s9, $0xF7A;
	s5 =	simm.s32 @!p2 $0x0  }
0x1d: {  	s5 =	simm.s32 @p1 $0x1;
	p0 =	seq.s32 s7, s2  }
0x1e: {  	s7 =	smul.u32 @!p0 $0xF7A, s2;
	p2 =	seq.s32 @!p0 s5, $0x0  }
0x1f: {  	s9 =	smul.u32 $0xF7A, s1;
	s8 =	simm.s32 @!p0 $0x1BF5;
	p2 =	por !p2, p0  }
0x20: {  	[sflag:s8] =	ssyncset.s32 @!p0 $0xFFFFF086;
	s6 =	sadd.s32 @!p0 s3, s7;
	s7 =	simm.s32 @!p0 $0x108  }
0x21: {  	s3 =	sadd.s32 s3, s9;
	s6 =	sadd.s32 @!p0 $0x88, s6;
	s7 =	simm.s32 @p2 $0x1082  }
0x22: {  	[simem:s7], [sflag:s8] =	dma.local @!p0 [hbm:s6], $0xF7A  }
0x23: {  	s9 =	sor.u32 $0xD0000000, s2;
	s6 =	simm.s32 $0x108;
	_ =	swait.ge @!p0 [sflag:s8], $0x0  }
0x24: {  	s3 =	sadd.s32 $0x88, s3;
	s6 =	simm.s32 @!p1 $0x1082;
	[sflag:s4] =	ssyncset.s32 $0xFFFFF086  }
0x25: {  	[simem:s6], [sflag:s4] =	dma.local [hbm:s3], $0xF7A  }
0x26: {  	[smem:$0x3F9E] =	sst s1;
	(tag) =	ssettag s2;
	_ =	strace s9  }
0x27: {  	s1 =	sld [smem:$0x3FAE]  }
0x28: {  	s2 =	sld [smem:$0x3FAF]  }
0x29: {  	s4 =	sld [smem:$0x3FB1]  }
0x2a: {  	p0 =	seq.s32 s5, $0x0;
	s5 =	sld [smem:$0x3FB2]  }
0x2b: {  	s6 =	sld [smem:$0x3FB3]  }
0x2c: {  	s7 =	sld [smem:$0x3FB4]  }
0x2d: {  	s3 =	simm.s32 $0x108;
	s8 =	sld [smem:$0x3FB5]  }
0x2e: {  	s3 =	simm.s32 @!p0 $0x1082;
	s9 =	sld [smem:$0x3FB6]  }
0x2f: {  	lr =	sadd.s32 s0, s3;
	s0 =	sld [smem:$0x3FAD]  }
0x30: {  	s3 =	sld [smem:$0x3FB0]  }
0x31: {  	[smem:$0x3FB9] =	sst s10  }
0x32: {  	s10 =	sld [smem:$0x3FB7];
	_ =	sdelay $0x3  }
0x33: {  	p0 =	seq.s32 s10, $0x1;
	s10 =	sld [smem:$0x3FB9];
	_ =	sdelay $0x3  }
0x34: {  	[smem:$0x3FB9] =	sst s10  }
0x35: {  	s10 =	sld [smem:$0x3FB8];
	_ =	sdelay $0x3  }
0x36: {  	p1 =	seq.s32 s10, $0x1;
	s10 =	sld [smem:$0x3FB9];
	_ =	sdelay $0x3  }
0x37: {  	[smem:$0x3FB9] =	sst s10  }
0x38: {  	s10 =	sld [smem:$0x3FBA]  }
0x39: {  	_ = 	snop;
	(pc) =	sbr.ind lr, $3  }
0x3a: {  	_ = 	snop  }
0x3b: {  	_ = 	snop  }
0x3c: {  	p2 =	seq.s32 s10, $0x1;
	s10 =	sld [smem:$0x3FB9]  }
0x3d: {  	_ =	shalt  }
0x3e: {  	_ =	shalt  }
0x3f: {  	_ =	shalt  }
0x40: {  	_ =	shalt  }
0x41: {  	_ =	shalt  }
0x42: {  	_ =	shalt  }
0x43: {  	_ =	shalt  }
0x44: {  	_ =	shalt  }
0x45: {  	_ =	shalt  }
0x46: {  	_ =	shalt  }
0x47: {  	_ =	shalt  }
0x48: {  	_ =	shalt  }
0x49: {  	_ =	shalt  }
0x4a: {  	_ =	shalt  }
0x4b: {  	_ =	shalt  }
0x4c: {  	_ =	shalt  }
0x4d: {  	_ =	shalt  }
0x4e: {  	_ =	shalt  }
0x4f: {  	_ =	shalt  }
0x50: {  	_ =	shalt  }
0x51: {  	_ =	shalt  }
0x52: {  	_ =	shalt  }
0x53: {  	_ =	shalt  }
0x54: {  	_ =	shalt  }
0x55: {  	_ =	shalt  }
0x56: {  	_ =	shalt  }
0x57: {  	_ =	shalt  }
0x58: {  	_ =	shalt  }
0x59: {  	_ =	shalt  }
0x5a: {  	_ =	shalt  }
0x5b: {  	_ =	shalt  }
0x5c: {  	_ =	shalt  }
0x5d: {  	_ =	shalt  }
0x5e: {  	_ =	shalt  }
0x5f: {  	_ =	shalt  }
0x60: {  	_ =	shalt  }
0x61: {  	_ =	shalt  }
0x62: {  	_ =	shalt  }
0x63: {  	_ =	shalt  }
0x64: {  	_ =	shalt  }
0x65: {  	_ =	shalt  }
0x66: {  	_ =	shalt  }
0x67: {  	_ =	shalt  }
0x68: {  	_ =	shalt  }
0x69: {  	_ =	shalt  }
0x6a: {  	_ =	shalt  }
0x6b: {  	_ =	shalt  }
0x6c: {  	_ =	shalt  }
0x6d: {  	_ =	shalt  }
0x6e: {  	_ =	shalt  }
0x6f: {  	_ =	shalt  }
0x70: {  	_ =	shalt  }
0x71: {  	_ =	shalt  }
0x72: {  	_ =	shalt  }
0x73: {  	_ =	shalt  }
0x74: {  	_ =	shalt  }
0x75: {  	_ =	shalt  }
0x76: {  	_ =	shalt  }
0x77: {  	_ =	shalt  }
0x78: {  	_ =	shalt  }
0x79: {  	_ =	shalt  }
0x7a: {  	_ =	shalt  }
0x7b: {  	_ =	shalt  }
0x7c: {  	_ =	shalt  }
0x7d: {  	_ =	shalt  }
0x7e: {  	_ =	shalt  }
0x7f: {  	_ =	shalt  }
0x80: {  	_ =	shalt  }
0x81: {  	_ =	shalt  }
0x82: {  	_ =	shalt  }
0x83: {  	_ =	shalt  }
0x84: {  	_ =	shalt  }
0x85: {  	_ =	shalt  }
0x86: {  	_ =	shalt  }
0x87: {  	_ =	shalt  }
.Lfunc_end0:
.L_simem_size_0:
called_computation_lowered:
.L_overlay_start_0:
0x88: {  	s2 =	sld [smem:$0x3FD9]  }
0x89: {  	s3 =	sld [smem:$0x3FFE];
	_ =	sdelay $0x1  }
0x8a: {  	s1 =	srdreg.scid  }
0x8b: {  	s0 =	sand.u32 $0x1, s1  }
0x8c: {  	s17 =	sshll.u32 s0, $0xA;
	s2 =	sadd.s32 s3, s2  }
0x8d: {  	s2 =	sadd.s32 s2, s17  }
0x8e: {  	[smem:$0x3FC5] =	sst s2  }
0x8f: {  	_ = 	snop  }
0x90: {  	s2 =	sld [smem:$0x3FC9]  }
0x91: {  	s18 =	sld [smem:$0x3FC7];
	(tm) =	ssettm $0x1  }
0x92: {  	s4 =	sld [smem:$0x3FFB];
	_ =	sdelay $0x3  }
0x93: {  	_ =	strace s4  }
0x94: {  	s4 =	sld [smem:$0x3FFC];
	_ =	sdelay $0x3  }
0x95: {  	_ =	strace s4  }
0x96: {  	s4 =	sld [smem:$0x3FFD];
	_ =	sdelay $0x3  }
0x97: {  	_ =	strace s4  }
0x98: {  	_ =	strace $0x8FFFFFFF  }
0x99: {  	s19 =	sld [smem:$0x3FDB];
	_ =	sdelay $0x1  }
0x9a: {  	s5 =	simm.s32 $_scs_section_size  }
0x9b: {  	s6 =	simm.s32 $_size__tile_overlayer_lowered;
	s7 =	simm.s32 $_tile_overlayer_lowered  }
0x9c: {  	s22 =	simm.s32 $0x1BFF;
	s21 =	sshll.u32 s7, $0x1;
	s4 =	sadd.s32 s5, s19  }
0x9d: {  	s8 =	simm.s32 $0x0;
	s20 =	sshll.u32 s6, $0x1;
	s6 =	sadd.s32 s21, s4  }
0x9e: {  	[timem:s8], [sflag:s22] =	dma.local [hbm:s6], s20  }
0x9f: {  	_ =	swait.ge [sflag:s22], s20  }
0xa0: {  	s5 =	ssub.s32 $0x0, s20;
	[sflag:s22] =	ssyncset.done $0x0  }
0xa1: {  	[sflag:s22] =	ssyncadd.s32 s5;
	_ =	sdelay $0x1  }
0xa2: {  	s23 =	simm.s32 $0x1B8B  }
0xa3: {  	_ =	swait.ge [sflag:s23], $0x1  }
0xa4: {  	[sflag:s23] =	ssyncset.done $0x0  }
0xa5: {  	s25 =	simm.s32 $0x1B8E;
	s24 =	sld [smem:$0x3FFE];
	[sflag:s23] =	ssyncadd.s32 $0xFFFFFFFF  }
0xa6: {  	s26 =	simm.s32 $execute0_lowered;
	[smem:$0x3FD2] =	sst s25  }
0xa7: {  	s6 =	sshll.u32 s26, $0x1;
	_ =	strace $0x80000046;
	[dreg:$0x1] =	wrdreg $0xFFFFFFFF  }
0xa8: {  	s28 =	simm.s32 $_size_execute0_lowered;
	s4 =	sadd.s32 s4, s6;
	[dreg:$0x0] =	wrdreg $0x0  }
0xa9: {  	s6 =	sshll.u32 s28, $0x1;
	[dreg:$0x2] =	wrdreg s4  }
0xaa: {  	[dreg:$0x3] =	wrdreg s6  }
0xab: {  	[dreg:$0x4] =	wrdreg $0xC0  }
0xac: {  	_ =	task [dreg:s8], $0x5FFFF  }
0xad: {  	[dreg:$0x1] =	wrdreg $0xFFFFFFFF  }
0xae: {  	[dreg:$0x0] =	wrdreg $0x60  }
0xaf: {  	[dreg:$0x2] =	wrdreg s24  }
0xb0: {  	[dreg:$0x3] =	wrdreg s2  }
0xb1: {  	[dreg:$0x4] =	wrdreg s18  }
0xb2: {  	[dreg:$0x5] =	wrdreg $0x9  }
0xb3: {  	_ =	task.clear_ibuf [dreg:s8], $0x6FFFF;
	_ =	strace $0x90000046  }
0xb4: {  	s29 =	simm.s32 $0x9;
	_ =	strace $0x80000048  }
0xb5: {  	_ =	swait.ge [sflag:s29], $0x1  }
0xb6: {  	[sflag:s29] =	ssyncadd.s32 $0xFFFFFFFF  }
0xb7: {  	_ =	strace $0x90000048  }
0xb8: {  	_ =	sfence  }
0xb9: {  	s30 =	sld [smem:$0x0];
	_ =	sdelay $0x2  }
0xba: {  	s31 =	sshll.u32 s1, $0xD;
	s1 =	sshrl.u32 s1, $0x2  }
0xbb: {  	s3 =	sand.u32 $0x4000, s31;
	s1 =	sadd.s32 s1, s30  }
0xbc: {  	s0 =	sor.u32 s3, s0;
	s1 =	sshll.u32 s1, $0x11  }
0xbd: {  	s0 =	sor.u32 s1, s0  }
0xbe: {  	s0 =	sadd.s32 $0x8F2B, s0  }
0xbf: {  	[sflag:s0] =	ssyncadd.remote.s32 $0x1  }
0xc0: {  	_ =	sfence.sel $0xFFFF  }
0xc1: {  	[dreg:$0x0] =	wrdreg $0xFFFFFFFF;
	(pc) =	sbr.abs _section_cstart, $3  }
0xc2: {  	[dreg:$0x1] =	wrdreg $0xFFFFFFFF  }
0xc3: {  	_ =	task.clear_ibuf [dreg:s8], $0x2FFFF;
	_ =	strace $0x9FFFFFFF  }
0xc4: {  	(tm) =	ssettm $0x7FFFFFFF  }
0xc5: {  	_ =	shalt  }
tec
execute0_lowered:
.L_overlay_start_1:
0x0: {  	(tag) =	ssettag $0x1  }
0x1: {  	s4 =	rddreg [dreg:$0x0]  }
0x2: {  	s5 =	rddreg [dreg:$0x1]  }
0x3: {  	s2 =	rddreg [dreg:$0x2]  }
0x4: {  	s0 =	rddreg [dreg:$0x3];
	s6 =	srdreg.scid  }
0x5: {  	s3 =	simm.s32 $0x0;
	s1 =	stileid.u32;
	s16 =	simm.s32 $0x3  }
0x6: {  	s17 =	simm.s32 $0xFDE8;
	s18 =	simm.s32 $0x1;
	s19 =	simm.s32 $0x7D00  }
0x7: {  	s20 =	simm.s32 $0x2;
	s21 =	simm.s32 $0xFEE8;
	s22 =	simm.s32 $0x0  }
0x8: {  	s6 =	sand.u32 $0x1, s6;
	[smem:$0x7FF] =	sst s3;
	s7 =	sshll.u32 s1, $0x9  }
0x9: {  	s11 =	sadd.s32 $0x200800, s4;
	s8 =	sshll.u32 s6, $0x8;
	s6 =	ssub.s32 $0x2, s6  }
0xa: {  	v0 =	vlaneseq.u32;
	_ =	strace $0x80000047;
	s7 =	sor.u32 s8, s7;
	s29 =	sshrl.u32 s6, $0x1  }
0xb: {  	v8 =	vimm.s32 $0x0;
	v0 =	vmul.u32 $0x3E8, v0;
	s8 =	sshrl.u32 s7, $0x3;
	s9 =	smul.u32 $0x3E8, s7;
	s7 =	sor.u32 $0x2000, s7  }
0xc: {  	v9 =	vimm.s32 $0x2;
	v10 =	vimm.s32 $0x4;
	v11 =	vimm.s32 $0x6;
	s14 =	ssub.s32 s6, s29;
	s13 =	sadd.s32 s8, s4;
	s30 =	sshrl.u32 s7, $0x3  }
0xd: {  	v1 =	vor.u32 $0x1, v0;
	v2 =	vor.u32 $0x2, v0;
	v3 =	vor.u32 $0x3, v0;
	s12 =	smul.u32 $0x7D, s7;
	s14 =	smax.u32 s14, $0x1;
	s31 =	sshrl.u32 s9, $0x3  }
0xe: {  	v4 =	vor.u32 $0x4, v0;
	v5 =	vor.u32 $0x5, v0;
	v6 =	vor.u32 $0x6, v0;
	s4 =	sadd.s32 s5, s30;
	s13 =	sadd.s32 $0x3F4800, s13;
	s15 =	sadd.s32 s11, s31  }
0xf: {  	v12 =	vadd.s32 $0x3E80, v0;
	v13 =	vadd.s32 $0x3E81, v0;
	v14 =	vadd.s32 $0x3E82, v0;
	s11 =	sadd.s32 s11, s12;
	s5 =	sadd.s32 $0xFAFA0, s15;
	s6 =	sadd.s32 $0xFBF40, s15  }
0x10: {  	v15 =	vadd.s32 $0x3E83, v0;
	v16 =	vadd.s32 $0x3E84, v0;
	v17 =	vadd.s32 $0x3E85, v0;
	s7 =	sadd.s32 $0xFCEE0, s15;
	s8 =	sadd.s32 $0xFDE80, s15;
	s9 =	sadd.s32 $0xFEE20, s15  }
0x11: {  	v7 =	vor.u32 $0x7, v0;
	v18 =	vadd.s32 $0x3E86, v0;
	v19 =	vadd.s32 $0x3E87, v0;
	s10 =	sadd.s32 $0xFFDC0, s15;
	s12 =	sadd.s32 $0x100D60, s15;
	s15 =	simm.s32 $0xFA00  }
.LBB2_1:
0x12: {  	[tilespmem:s15], [sflag:$0x3] =	stream.linear.gather [hbm4b:s2+s3], $0x3E8, $0x38;
	[tilespmem:$0xFFE8] =	vst v63  }
0x13: {  	_ =	swait.ge [sflag:s16], $0x3E8  }
0x14: {  	[sflag:s16] =	ssyncset.done $0x0  }
0x15: {  	[sflag:s16] =	ssyncadd.s32 $0xFFFFFC18  }
0x16: {  	[tilespmem:s17], [sflag:$0x3] =	stream.linear.gather [hbm4b:s4+s3], $0x100, $0x38;
	[tilespmem:$0xFFE8] =	vst v63  }
0x17: {  	_ =	swait.ge [sflag:s16], $0x100  }
0x18: {  	[sflag:s16] =	ssyncset.done $0x0  }
0x19: {  	[sflag:s16] =	ssyncadd.s32 $0xFFFFFF00  }
0x1a: {  	v20 =	vadd.s32 s3, v0;
	[tilespmem:s3], [sflag:$0x1] =	stream.linear.gather [hbm4b:s11+s3], $0x7D00, $0x38;
	[tilespmem:$0xFFE8] =	vst v63  }
0x1b: {  	v21 =	vadd.s32 s3, v1;
	_ =	swait.ge [sflag:s18], $0x7D00  }
0x1c: {  	v22 =	vadd.s32 s3, v2;
	[sflag:s18] =	ssyncset.done $0x0  }
0x1d: {  	v23 =	vadd.s32 s3, v3;
	[sflag:s18] =	ssyncadd.s32 $0xFFFF8300  }
0x1e: {  	v24 =	vadd.s32 s3, v4;
	[tilespmem:s19], [sflag:$0x2] =	stream.linear.gather [hbm4b:s5+s3], $0x7D00, $0x38;
	[tilespmem:$0xFFE8] =	vst v63  }
0x1f: {  	v25 =	vadd.s32 s3, v5;
	v20 =	vld.idx.msk [tilespmem:v20+s3+$0x0], $0xffff  }
0x20: {  	v26 =	vadd.s32 s3, v6;
	v21 =	vld.idx.msk [tilespmem:v21+s3+$0x0], $0xffff  }
0x21: {  	v27 =	vadd.s32 s3, v7;
	v22 =	vld.idx.msk [tilespmem:v22+s3+$0x0], $0xffff  }
0x22: {  	v23 =	vld.idx.msk [tilespmem:v23+s3+$0x0], $0xffff  }
0x23: {  	s23 =	simm.s32 $0x8;
	v24 =	vld.idx.msk [tilespmem:v24+s3+$0x0], $0xffff  }
0x24: {  	v28 =	vadd.s32 s23, v0;
	v25 =	vld.idx.msk [tilespmem:v25+s3+$0x0], $0xffff  }
0x25: {  	v29 =	vadd.s32 s23, v1;
	v26 =	vld.idx.msk [tilespmem:v26+s3+$0x0], $0xffff  }
0x26: {  	v30 =	vadd.s32 s23, v2;
	v27 =	vld.idx.msk [tilespmem:v27+s3+$0x0], $0xffff  }
0x27: {  	v32 =	vimm.f32 $-Inf;
	v31 =	vadd.s32 s23, v3  }
0x28: {  	s24 =	simm.s32 $0x10;
	v33 =	vadd.s32 s23, v4;
	v34 =	vadd.s32 s23, v5;
	v35 =	vadd.s32 s23, v6  }
0x29: {  	v39 =	vadd.s32 s24, v1;
	v40 =	vadd.s32 s24, v2;
	v36 =	vadd.s32 s24, v3;
	v37 =	vld.idx.msk [tilespmem:v28+s3+$0x0], $0xffff  }
0x2a: {  	v28 =	vadd.s32 s23, v7;
	v38 =	vld.idx.msk [tilespmem:v29+s3+$0x0], $0xffff;
	vm0 =	vgt.f32 v21, v20;
	vm1 =	vgt.f32 v23, v22  }
0x2b: {  	v29 =	vld.idx.msk [tilespmem:v30+s3+$0x0], $0xffff;
	vm2 =	vgt.f32 v25, v24;
	vm3 =	vgt.f32 v27, v26;
	v21 =	vsel vm0, v21, v20  }
0x2c: {  	v23 =	vsel vm1, v23, v22;
	v24 =	vsel vm2, v25, v24;
	v25 =	vsel vm3, v27, v26;
	v20 =	vld.idx.msk [tilespmem:v31+s3+$0x0], $0xffff  }
0x2d: {  	v26 =	vsel vm0, $0x1, v8;
	v22 =	vld.idx.msk [tilespmem:v33+s3+$0x0], $0xffff;
	v30 =	vsel vm1, $0x3, v9;
	v62 =	vsel vm2, $0x5, v10  }
0x2e: {  	v27 =	vld.idx.msk [tilespmem:v35+s3+$0x0], $0xffff;
	v63 =	vsel vm3, $0x7, v11;
	vm0 =	vgt.f32 v23, v21;
	vm4 =	vgt.f32 v25, v24  }
0x2f: {  	v31 =	vld.idx.msk [tilespmem:v28+s3+$0x0], $0xffff;
	v35 =	vadd.s32 s24, v4;
	v21 =	vsel vm0, v23, v21;
	v23 =	vsel vm4, v25, v24  }
0x30: {  	v33 =	vadd.s32 s24, v7;
	v25 =	vld.idx.msk [tilespmem:v34+s3+$0x0], $0xffff;
	v24 =	vadd.s32 s24, v0;
	vm1 =	vgt.f32 v23, v21  }
0x31: {  	v34 =	vadd.s32 s24, v5;
	v21 =	vsel vm1, v23, v21;
	v23 =	vsel vm0, v30, v26  }
0x32: {  	v26 =	vsel vm4, v63, v62;
	vm4 =	vgt.f32 v38, v37;
	vm0 =	vgt.f32 v21, v32  }
0x33: {  	v28 =	vld.idx.msk [tilespmem:v39+s3+$0x0], $0xffff;
	v23 =	vsel vm1, v26, v23;
	vm2 =	vgt.f32 v20, v29;
	v37 =	vsel vm4, v38, v37  }
0x34: {  	v30 =	vld.idx.msk [tilespmem:v40+s3+$0x0], $0xffff;
	vm1 =	vgt.f32 v31, v27;
	v21 =	vsel vm0, v21, v32;
	v32 =	vadd.s32 s24, v6  }
0x35: {  	s25 =	simm.s32 $0x18;
	v23 =	vor.u32 s3, v23;
	v26 =	vld.idx.msk [tilespmem:v24+s3+$0x0], $0xffff;
	vm3 =	vgt.f32 v25, v22;
	v24 =	vimm.s32 $0x0  }
.LBB2_2:
0x36: {  	v29 =	vsel vm2, v20, v29  }
0x37: {  	p0 =	sne.s32 s25, $0x3E0;
	v20 =	vld.idx.msk [tilespmem:v36+s3+$0x0], $0xffff;
	v36 =	vsel vm3, v25, v22;
	v27 =	vsel vm1, v31, v27;
	vm5 =	vmmov vm0  }
0x38: {  	v22 =	vld.idx.msk [tilespmem:v35+s3+$0x0], $0xffff;
	v35 =	vsel vm4, $0x1, v8;
	vm0 =	vgt.f32 v29, v37;
	vm4 =	vgt.f32 v27, v36  }
0x39: {  	v25 =	vld.idx.msk [tilespmem:v34+s3+$0x0], $0xffff;
	v34 =	vsel vm2, $0x3, v9;
	v29 =	vsel vm0, v29, v37;
	v36 =	vsel vm4, v27, v36  }
0x3a: {  	v37 =	vadd.s32 s25, v0;
	v38 =	vmovc v26;
	v27 =	vld.idx.msk [tilespmem:v32+s3+$0x0], $0xffff;
	v32 =	vsel vm3, $0x5, v10;
	vm2 =	vgt.f32 v36, v29  }
0x3b: {  	v39 =	vadd.s32 s25, v1;
	v26 =	vsel vm1, $0x7, v11;
	v40 =	vmovc v28;
	v31 =	vld.idx.msk [tilespmem:v33+s3+$0x0], $0xffff;
	v33 =	vsel vm2, v36, v29  }
0x3c: {  	v41 =	vadd.s32 s25, v2;
	v28 =	vsel vm0, v34, v35;
	vm0 =	vgt.f32 v33, v21;
	v29 =	vmovc v30  }
.Ltmp0:
0x3d: {  	v36 =	vadd.s32 s25, v3;
	v26 =	vsel vm4, v26, v32;
	v21 =	vsel vm0, v33, v21;
	(pc) =	sbr.rel @p0 .LBB2_2-.Ltmp0, $4  }
0x3e: {  	v24 =	vsel vm5, v23, v24;
	v35 =	vadd.s32 s25, v4;
	v28 =	vsel vm2, v26, v28  }
0x3f: {  	v34 =	vadd.s32 s25, v5;
	v32 =	vadd.s32 s25, v6;
	v23 =	vor.u32 s23, v28;
	s23 =	smov.u32 s24;
	s24 =	smov.u32 s25;
	v26 =	vld.idx.msk [tilespmem:v37+s3+$0x0], $0xffff  }
0x40: {  	vm4 =	vgt.f32 v40, v38;
	v33 =	vadd.s32 s25, v7;
	vm2 =	vgt.f32 v20, v29;
	v28 =	vld.idx.msk [tilespmem:v39+s3+$0x0], $0xffff  }
0x41: {  	s25 =	sadd.s32 $0x8, s25;
	vm3 =	vgt.f32 v25, v22;
	v37 =	vsel vm4, v40, v38;
	vm1 =	vgt.f32 v31, v27;
	v30 =	vld.idx.msk [tilespmem:v41+s3+$0x0], $0xffff  }
0x42: {  	_ =	sdelay $0x3  }
0x43: {  	v36 =	vld.idx.msk [tilespmem:v36+s3+$0x0], $0xffff  }
0x44: {  	v20 =	vsel vm2, v20, v29;
	v22 =	vsel vm3, v25, v22;
	v25 =	vsel vm1, v31, v27;
	v27 =	vld.idx.msk [tilespmem:v35+s3+$0x0], $0xffff  }
0x45: {  	v29 =	vld.idx.msk [tilespmem:v34+s3+$0x0], $0xffff;
	vm5 =	vgt.f32 v20, v37;
	vm6 =	vgt.f32 v25, v22  }
0x46: {  	v31 =	vsel vm4, $0x1, v8;
	v33 =	vld.idx.msk [tilespmem:v33+s3+$0x0], $0xffff;
	v20 =	vsel vm5, v20, v37;
	v22 =	vsel vm6, v25, v22  }
0x47: {  	vm0 =	vmmov vm0;
	v52 =	vsel vm2, $0x3, v9;
	v25 =	vld.idx.msk [tilespmem:v32+s3+$0x0], $0xffff;
	vm2 =	vgt.f32 v22, v20  }
0x48: {  	v53 =	vsel vm3, $0x5, v10;
	v54 =	vsel vm1, $0x7, v11;
	v20 =	vsel vm2, v22, v20  }
0x49: {  	v22 =	vsel vm5, v52, v31;
	v31 =	vsel vm6, v54, v53;
	vm1 =	vgt.f32 v20, v21  }
0x4a: {  	vm3 =	vgt.f32 v29, v27;
	v20 =	vsel vm1, v20, v21;
	v21 =	vsel vm2, v31, v22  }
0x4b: {  	v22 =	vsel vm0, v23, v24;
	vm0 =	vgt.f32 v28, v26;
	vm2 =	vgt.f32 v36, v30  }
0x4c: {  	v21 =	vor.u32 s23, v21;
	v23 =	vsel vm0, v28, v26;
	vm4 =	vgt.f32 v33, v25  }
0x4d: {  	v24 =	vsel vm2, v36, v30;
	v26 =	vsel vm3, v29, v27;
	v25 =	vsel vm4, v33, v25  }
0x4e: {  	v27 =	vsel vm0, $0x1, v8;
	vm0 =	vgt.f32 v24, v23;
	vm5 =	vgt.f32 v25, v26  }
0x4f: {  	v28 =	vsel vm2, $0x3, v9;
	v23 =	vsel vm0, v24, v23;
	v24 =	vsel vm5, v25, v26  }
0x50: {  	v25 =	vsel vm3, $0x5, v10;
	v26 =	vsel vm4, $0x7, v11;
	vm2 =	vgt.f32 v24, v23  }
0x51: {  	v25 =	vsel vm5, v26, v25;
	v23 =	vsel vm2, v24, v23;
	v24 =	vsel vm0, v28, v27  }
0x52: {  	vm0 =	vmmov vm1;
	vm1 =	vgt.f32 v23, v20;
	v20 =	vsel vm2, v25, v24  }
0x53: {  	v21 =	vsel vm0, v21, v22;
	v20 =	vor.u32 s24, v20;
	vm0 =	vmmov vm1  }
0x54: {  	v20 =	vsel vm0, v20, v21;
	_ =	sdelay $0x3  }
0x55: {  	v21 =	vld [tilespmem:$0xFDE8]  }
0x56: {  	v20 =	vld.idx.msk [tilespmem:v20+s15+$0x0], $0xffff;
	_ =	sdelay $0x4  }
0x57: {  	s25 =	simm.s32 $0x0;
	v20 =	vsub.f32 v20, v21  }
0x58: {  	v21 =	vadd.s32 s25, v12  }
0x59: {  	v22 =	vadd.s32 s25, v13;
	v20 =	vmax.f32 v20, $0.0e+00  }
0x5a: {  	v23 =	vadd.s32 s25, v14;
	v20 =	vmul.f32 v20, v20  }
0x5b: {  	v24 =	vadd.s32 s25, v15  }
0x5c: {  	v25 =	vadd.s32 s25, v17;
	[tilespmem:$0xFEE8] =	vst v20  }
0x5d: {  	v26 =	vadd.s32 s25, v18;
	v21 =	vld.idx.msk [tilespmem:v21+s3+$0x0], $0xffff  }
0x5e: {  	v27 =	vadd.s32 s25, v19;
	v22 =	vld.idx.msk [tilespmem:v22+s3+$0x0], $0xffff  }
0x5f: {  	s23 =	simm.s32 $0x8;
	v20 =	vadd.s32 s25, v16;
	v23 =	vld.idx.msk [tilespmem:v23+s3+$0x0], $0xffff  }
0x60: {  	v29 =	vadd.s32 s23, v12;
	v24 =	vld.idx.msk [tilespmem:v24+s3+$0x0], $0xffff  }
0x61: {  	v30 =	vadd.s32 s23, v13;
	v25 =	vld.idx.msk [tilespmem:v25+s3+$0x0], $0xffff  }
0x62: {  	v31 =	vadd.s32 s23, v14;
	v26 =	vld.idx.msk [tilespmem:v26+s3+$0x0], $0xffff  }
0x63: {  	v55 =	vimm.f32 $-Inf;
	v56 =	vadd.s32 s23, v15;
	v27 =	vld.idx.msk [tilespmem:v27+s3+$0x0], $0xffff  }
0x64: {  	v57 =	vadd.s32 s23, v16;
	v58 =	vadd.s32 s23, v17;
	v38 =	vadd.s32 s23, v19;
	s24 =	simm.s32 $0x10;
	v28 =	vld.idx.msk [tilespmem:v20+s3+$0x0], $0xffff  }
0x65: {  	v60 =	vadd.s32 s23, v18;
	v40 =	vadd.s32 s24, v13;
	v63 =	vadd.s32 s24, v14;
	v59 =	vld.idx.msk [tilespmem:v29+s3+$0x0], $0xffff  }
0x66: {  	v36 =	vadd.s32 s24, v15;
	v34 =	vadd.s32 s24, v16;
	v35 =	vadd.s32 s24, v17;
	v39 =	vld.idx.msk [tilespmem:v30+s3+$0x0], $0xffff  }
0x67: {  	v33 =	vadd.s32 s24, v18;
	v32 =	vadd.s32 s24, v19;
	v29 =	vld.idx.msk [tilespmem:v31+s3+$0x0], $0xffff;
	vm0 =	vgt.f32 v22, v21  }
0x68: {  	v20 =	vimm.s32 $0x0;
	vm1 =	vgt.f32 v24, v23;
	v22 =	vsel vm0, v22, v21;
	v21 =	vld.idx.msk [tilespmem:v56+s3+$0x0], $0xffff  }
0x69: {  	v31 =	vld.idx.msk [tilespmem:v38+s3+$0x0], $0xffff;
	vm3 =	vgt.f32 v27, v26;
	v24 =	vsel vm1, v24, v23;
	vm2 =	vgt.f32 v25, v28  }
0x6a: {  	v26 =	vsel vm3, v27, v26;
	v30 =	vsel vm0, $0x1, v8;
	v23 =	vld.idx.msk [tilespmem:v57+s3+$0x0], $0xffff;
	v28 =	vsel vm2, v25, v28  }
0x6b: {  	v61 =	vsel vm1, $0x3, v9;
	vm0 =	vgt.f32 v24, v22;
	v25 =	vld.idx.msk [tilespmem:v58+s3+$0x0], $0xffff;
	vm4 =	vgt.f32 v26, v28  }
0x6c: {  	v27 =	vld.idx.msk [tilespmem:v60+s3+$0x0], $0xffff;
	v22 =	vsel vm0, v24, v22;
	v24 =	vsel vm4, v26, v28;
	v26 =	vadd.s32 s24, v12  }
0x6d: {  	v62 =	vsel vm3, $0x7, v11;
	v28 =	vsel vm2, $0x5, v10;
	vm2 =	vgt.f32 v21, v29  }
0x6e: {  	vm1 =	vgt.f32 v24, v22;
	v28 =	vsel vm4, v62, v28;
	vm4 =	vgt.f32 v39, v59  }
0x6f: {  	v22 =	vsel vm1, v24, v22;
	v24 =	vsel vm0, v61, v30;
	v30 =	vld.idx.msk [tilespmem:v63+s3+$0x0], $0xffff;
	v37 =	vsel vm4, v39, v59  }
0x70: {  	vm0 =	vgt.f32 v22, v55;
	v24 =	vsel vm1, v28, v24;
	v28 =	vld.idx.msk [tilespmem:v40+s3+$0x0], $0xffff;
	vm3 =	vgt.f32 v25, v23  }
0x71: {  	vm1 =	vgt.f32 v31, v27;
	v22 =	vsel vm0, v22, v55;
	v24 =	vor.u32 s25, v24;
	s25 =	simm.s32 $0x18;
	v26 =	vld.idx.msk [tilespmem:v26+s3+$0x0], $0xffff  }
.LBB2_4:
0x72: {  	v29 =	vsel vm2, v21, v29  }
0x73: {  	p0 =	sne.s32 s25, $0x3E0;
	v21 =	vld.idx.msk [tilespmem:v36+s3+$0x0], $0xffff;
	v36 =	vsel vm3, v25, v23;
	v27 =	vsel vm1, v31, v27;
	vm5 =	vmmov vm0  }
0x74: {  	v23 =	vld.idx.msk [tilespmem:v34+s3+$0x0], $0xffff;
	v34 =	vsel vm4, $0x1, v8;
	vm0 =	vgt.f32 v29, v37;
	vm4 =	vgt.f32 v27, v36  }
0x75: {  	v25 =	vld.idx.msk [tilespmem:v35+s3+$0x0], $0xffff;
	v35 =	vsel vm2, $0x3, v9;
	v29 =	vsel vm0, v29, v37;
	v36 =	vsel vm4, v27, v36  }
0x76: {  	v37 =	vadd.s32 s25, v12;
	v38 =	vmovc v26;
	v27 =	vld.idx.msk [tilespmem:v33+s3+$0x0], $0xffff;
	v33 =	vsel vm3, $0x5, v10;
	vm2 =	vgt.f32 v36, v29  }
0x77: {  	v39 =	vadd.s32 s25, v13;
	v26 =	vsel vm1, $0x7, v11;
	v40 =	vmovc v28;
	v31 =	vld.idx.msk [tilespmem:v32+s3+$0x0], $0xffff;
	v32 =	vsel vm2, v36, v29  }
0x78: {  	v41 =	vadd.s32 s25, v14;
	v28 =	vsel vm0, v35, v34;
	vm0 =	vgt.f32 v32, v22;
	v29 =	vmovc v30  }
.Ltmp1:
0x79: {  	v36 =	vadd.s32 s25, v15;
	v26 =	vsel vm4, v26, v33;
	v22 =	vsel vm0, v32, v22;
	(pc) =	sbr.rel @p0 .LBB2_4-.Ltmp1, $4  }
0x7a: {  	v20 =	vsel vm5, v24, v20;
	v34 =	vadd.s32 s25, v16;
	v28 =	vsel vm2, v26, v28  }
0x7b: {  	v35 =	vadd.s32 s25, v17;
	v33 =	vadd.s32 s25, v18;
	v24 =	vor.u32 s23, v28;
	s23 =	smov.u32 s24;
	s24 =	smov.u32 s25;
	v26 =	vld.idx.msk [tilespmem:v37+s3+$0x0], $0xffff  }
0x7c: {  	vm4 =	vgt.f32 v40, v38;
	v32 =	vadd.s32 s25, v19;
	vm2 =	vgt.f32 v21, v29;
	v28 =	vld.idx.msk [tilespmem:v39+s3+$0x0], $0xffff  }
0x7d: {  	s25 =	sadd.s32 $0x8, s25;
	vm3 =	vgt.f32 v25, v23;
	v37 =	vsel vm4, v40, v38;
	vm1 =	vgt.f32 v31, v27;
	v30 =	vld.idx.msk [tilespmem:v41+s3+$0x0], $0xffff  }
0x7e: {  	_ =	sdelay $0x3  }
0x7f: {  	v36 =	vld.idx.msk [tilespmem:v36+s3+$0x0], $0xffff  }
0x80: {  	v23 =	vsel vm3, v25, v23;
	v25 =	vsel vm1, v31, v27;
	v27 =	vld.idx.msk [tilespmem:v34+s3+$0x0], $0xffff  }
0x81: {  	v21 =	vsel vm2, v21, v29;
	v29 =	vld.idx.msk [tilespmem:v35+s3+$0x0], $0xffff;
	v31 =	vsel vm4, $0x1, v8;
	vm0 =	vmmov vm0  }
0x82: {  	v52 =	vsel vm2, $0x3, v9;
	v32 =	vld.idx.msk [tilespmem:v32+s3+$0x0], $0xffff;
	vm5 =	vgt.f32 v21, v37;
	vm6 =	vgt.f32 v25, v23  }
0x83: {  	v53 =	vsel vm3, $0x5, v10;
	v21 =	vsel vm5, v21, v37;
	v23 =	vsel vm6, v25, v23;
	v25 =	vld.idx.msk [tilespmem:v33+s3+$0x0], $0xffff  }
0x84: {  	v54 =	vsel vm1, $0x7, v11;
	v20 =	vsel vm0, v24, v20;
	vm2 =	vgt.f32 v23, v21  }
0x85: {  	vm0 =	vgt.f32 v28, v26;
	v21 =	vsel vm2, v23, v21;
	v23 =	vsel vm5, v52, v31  }
0x86: {  	v31 =	vsel vm6, v54, v53;
	vm1 =	vgt.f32 v21, v22;
	vm3 =	vgt.f32 v29, v27  }
0x87: {  	v21 =	vsel vm1, v21, v22;
	v22 =	vsel vm2, v31, v23;
	vm2 =	vgt.f32 v36, v30  }
0x88: {  	v23 =	vsel vm0, v28, v26;
	v26 =	vsel vm3, v29, v27;
	vm4 =	vgt.f32 v32, v25  }
0x89: {  	v27 =	vsel vm0, $0x1, v8;
	v24 =	vsel vm2, v36, v30;
	v25 =	vsel vm4, v32, v25  }
0x8a: {  	v22 =	vor.u32 s23, v22;
	vm0 =	vgt.f32 v24, v23;
	vm5 =	vgt.f32 v25, v26  }
0x8b: {  	v28 =	vsel vm2, $0x3, v9;
	v23 =	vsel vm0, v24, v23;
	v24 =	vsel vm5, v25, v26  }
0x8c: {  	v25 =	vsel vm3, $0x5, v10;
	v26 =	vsel vm4, $0x7, v11;
	vm2 =	vgt.f32 v24, v23  }
0x8d: {  	v25 =	vsel vm5, v26, v25;
	v23 =	vsel vm2, v24, v23;
	v24 =	vsel vm0, v28, v27  }
0x8e: {  	vm0 =	vmmov vm1;
	vm1 =	vgt.f32 v23, v21;
	v21 =	vsel vm2, v25, v24  }
0x8f: {  	v20 =	vsel vm0, v22, v20;
	v21 =	vor.u32 s24, v21;
	vm0 =	vmmov vm1  }
0x90: {  	v20 =	vsel vm0, v21, v20;
	_ =	sdelay $0x3  }
0x91: {  	v21 =	vld [tilespmem:$0xFDF8]  }
0x92: {  	v20 =	vld.idx.msk [tilespmem:v20+s15+$0x0], $0xffff;
	_ =	sdelay $0x4  }
0x93: {  	v20 =	vsub.f32 v20, v21;
	_ =	sdelay $0x1  }
0x94: {  	v20 =	vmax.f32 v20, $0.0e+00  }
0x95: {  	v20 =	vmul.f32 v20, v20  }
0x96: {  	s25 =	simm.s32 $0x0  }
0x97: {  	[tilespmem:$0xFEF8] =	vst v20;
	v20 =	vadd.s32 s25, v0  }
0x98: {  	v21 =	vadd.s32 s25, v1;
	_ =	swait.ge [sflag:s20], $0x7D00  }
0x99: {  	v22 =	vadd.s32 s25, v2;
	[sflag:s20] =	ssyncset.done $0x0  }
0x9a: {  	v23 =	vadd.s32 s25, v3;
	[sflag:s20] =	ssyncadd.s32 $0xFFFF8300  }
0x9b: {  	v24 =	vadd.s32 s25, v4;
	[tilespmem:s25], [sflag:$0x1] =	stream.linear.gather [hbm4b:s6+s25], $0x7D00, $0x38;
	[tilespmem:$0xFFE8] =	vst v63  }
0x9c: {  	v26 =	vadd.s32 s25, v6;
	v25 =	vld.idx.msk [tilespmem:v20+s19+$0x0], $0xffff  }
0x9d: {  	v27 =	vadd.s32 s25, v7;
	v21 =	vld.idx.msk [tilespmem:v21+s19+$0x0], $0xffff  }
0x9e: {  	s23 =	simm.s32 $0x8;
	v20 =	vadd.s32 s25, v5;
	v22 =	vld.idx.msk [tilespmem:v22+s19+$0x0], $0xffff  }
0x9f: {  	v29 =	vadd.s32 s23, v0;
	v23 =	vld.idx.msk [tilespmem:v23+s19+$0x0], $0xffff  }
0xa0: {  	v30 =	vadd.s32 s23, v1;
	v24 =	vld.idx.msk [tilespmem:v24+s19+$0x0], $0xffff  }
0xa1: {  	v31 =	vadd.s32 s23, v2;
	v26 =	vld.idx.msk [tilespmem:v26+s19+$0x0], $0xffff  }
0xa2: {  	v55 =	vimm.f32 $-Inf;
	v38 =	vadd.s32 s23, v7;
	v27 =	vld.idx.msk [tilespmem:v27+s19+$0x0], $0xffff  }
0xa3: {  	v56 =	vadd.s32 s23, v3;
	v57 =	vadd.s32 s23, v4;
	v58 =	vadd.s32 s23, v5;
	s24 =	simm.s32 $0x10;
	v28 =	vld.idx.msk [tilespmem:v20+s19+$0x0], $0xffff  }
0xa4: {  	v60 =	vadd.s32 s23, v6;
	v40 =	vadd.s32 s24, v1;
	v63 =	vadd.s32 s24, v2;
	v59 =	vld.idx.msk [tilespmem:v29+s19+$0x0], $0xffff  }
0xa5: {  	v36 =	vadd.s32 s24, v3;
	v34 =	vadd.s32 s24, v4;
	v35 =	vadd.s32 s24, v5;
	v39 =	vld.idx.msk [tilespmem:v30+s19+$0x0], $0xffff  }
0xa6: {  	v33 =	vadd.s32 s24, v6;
	v32 =	vadd.s32 s24, v7;
	v29 =	vld.idx.msk [tilespmem:v31+s19+$0x0], $0xffff;
	v20 =	vimm.s32 $0x0  }
0xa7: {  	v31 =	vld.idx.msk [tilespmem:v38+s19+$0x0], $0xffff;
	vm0 =	vgt.f32 v21, v25;
	vm1 =	vgt.f32 v23, v22;
	vm3 =	vgt.f32 v27, v26  }
0xa8: {  	v25 =	vsel vm0, v21, v25;
	v22 =	vsel vm1, v23, v22;
	v21 =	vld.idx.msk [tilespmem:v56+s19+$0x0], $0xffff;
	vm2 =	vgt.f32 v28, v24  }
0xa9: {  	v26 =	vsel vm3, v27, v26;
	v23 =	vld.idx.msk [tilespmem:v57+s19+$0x0], $0xffff;
	v30 =	vsel vm1, $0x3, v9;
	v24 =	vsel vm2, v28, v24  }
0xaa: {  	v27 =	vld.idx.msk [tilespmem:v60+s19+$0x0], $0xffff;
	v28 =	vsel vm0, $0x1, v8;
	vm0 =	vgt.f32 v22, v25;
	vm4 =	vgt.f32 v26, v24  }
0xab: {  	v22 =	vsel vm0, v22, v25;
	v25 =	vld.idx.msk [tilespmem:v58+s19+$0x0], $0xffff;
	v24 =	vsel vm4, v26, v24;
	v26 =	vadd.s32 s24, v0  }
0xac: {  	v62 =	vsel vm3, $0x7, v11;
	v61 =	vsel vm2, $0x5, v10;
	vm1 =	vgt.f32 v24, v22  }
0xad: {  	vm2 =	vgt.f32 v21, v29;
	v22 =	vsel vm1, v24, v22;
	v24 =	vsel vm0, v30, v28  }
0xae: {  	v28 =	vsel vm4, v62, v61;
	vm4 =	vgt.f32 v39, v59;
	v30 =	vld.idx.msk [tilespmem:v63+s19+$0x0], $0xffff;
	vm0 =	vgt.f32 v22, v55  }
0xaf: {  	v24 =	vsel vm1, v28, v24;
	v28 =	vld.idx.msk [tilespmem:v40+s19+$0x0], $0xffff;
	v37 =	vsel vm4, v39, v59;
	vm1 =	vgt.f32 v31, v27  }
0xb0: {  	v22 =	vsel vm0, v22, v55;
	v24 =	vor.u32 s25, v24;
	s25 =	simm.s32 $0x18;
	vm3 =	vgt.f32 v25, v23;
	v26 =	vld.idx.msk [tilespmem:v26+s19+$0x0], $0xffff  }
.LBB2_6:
0xb1: {  	v29 =	vsel vm2, v21, v29  }
0xb2: {  	p0 =	sne.s32 s25, $0x3E0;
	v21 =	vld.idx.msk [tilespmem:v36+s19+$0x0], $0xffff;
	v36 =	vsel vm3, v25, v23;
	v27 =	vsel vm1, v31, v27;
	vm5 =	vmmov vm0  }
0xb3: {  	v23 =	vld.idx.msk [tilespmem:v34+s19+$0x0], $0xffff;
	v34 =	vsel vm4, $0x1, v8;
	vm0 =	vgt.f32 v29, v37;
	vm4 =	vgt.f32 v27, v36  }
0xb4: {  	v25 =	vld.idx.msk [tilespmem:v35+s19+$0x0], $0xffff;
	v35 =	vsel vm2, $0x3, v9;
	v29 =	vsel vm0, v29, v37;
	v36 =	vsel vm4, v27, v36  }
0xb5: {  	v37 =	vadd.s32 s25, v0;
	v38 =	vmovc v26;
	v27 =	vld.idx.msk [tilespmem:v33+s19+$0x0], $0xffff;
	v33 =	vsel vm3, $0x5, v10;
	vm2 =	vgt.f32 v36, v29  }
0xb6: {  	v39 =	vadd.s32 s25, v1;
	v26 =	vsel vm1, $0x7, v11;
	v40 =	vmovc v28;
	v31 =	vld.idx.msk [tilespmem:v32+s19+$0x0], $0xffff;
	v32 =	vsel vm2, v36, v29  }
0xb7: {  	v41 =	vadd.s32 s25, v2;
	v28 =	vsel vm0, v35, v34;
	vm0 =	vgt.f32 v32, v22;
	v29 =	vmovc v30  }
.Ltmp2:
0xb8: {  	v36 =	vadd.s32 s25, v3;
	v26 =	vsel vm4, v26, v33;
	v22 =	vsel vm0, v32, v22;
	(pc) =	sbr.rel @p0 .LBB2_6-.Ltmp2, $4  }
0xb9: {  	v20 =	vsel vm5, v24, v20;
	v34 =	vadd.s32 s25, v4;
	v28 =	vsel vm2, v26, v28  }
0xba: {  	v35 =	vadd.s32 s25, v5;
	v33 =	vadd.s32 s25, v6;
	v24 =	vor.u32 s23, v28;
	s23 =	smov.u32 s24;
	s24 =	smov.u32 s25;
	v26 =	vld.idx.msk [tilespmem:v37+s19+$0x0], $0xffff  }
0xbb: {  	vm4 =	vgt.f32 v40, v38;
	v32 =	vadd.s32 s25, v7;
	vm2 =	vgt.f32 v21, v29;
	v28 =	vld.idx.msk [tilespmem:v39+s19+$0x0], $0xffff  }
0xbc: {  	s25 =	sadd.s32 $0x8, s25;
	vm3 =	vgt.f32 v25, v23;
	v37 =	vsel vm4, v40, v38;
	vm1 =	vgt.f32 v31, v27;
	v30 =	vld.idx.msk [tilespmem:v41+s19+$0x0], $0xffff  }
0xbd: {  	_ =	sdelay $0x3  }
0xbe: {  	v36 =	vld.idx.msk [tilespmem:v36+s19+$0x0], $0xffff  }
0xbf: {  	v23 =	vsel vm3, v25, v23;
	v25 =	vsel vm1, v31, v27;
	v27 =	vld.idx.msk [tilespmem:v34+s19+$0x0], $0xffff  }
0xc0: {  	v21 =	vsel vm2, v21, v29;
	v29 =	vld.idx.msk [tilespmem:v35+s19+$0x0], $0xffff;
	v31 =	vsel vm4, $0x1, v8;
	vm0 =	vmmov vm0  }
0xc1: {  	v52 =	vsel vm2, $0x3, v9;
	v32 =	vld.idx.msk [tilespmem:v32+s19+$0x0], $0xffff;
	vm5 =	vgt.f32 v21, v37;
	vm6 =	vgt.f32 v25, v23  }
0xc2: {  	v53 =	vsel vm3, $0x5, v10;
	v21 =	vsel vm5, v21, v37;
	v23 =	vsel vm6, v25, v23;
	v25 =	vld.idx.msk [tilespmem:v33+s19+$0x0], $0xffff  }
0xc3: {  	v54 =	vsel vm1, $0x7, v11;
	v20 =	vsel vm0, v24, v20;
	vm2 =	vgt.f32 v23, v21  }
0xc4: {  	vm0 =	vgt.f32 v28, v26;
	v21 =	vsel vm2, v23, v21;
	v23 =	vsel vm5, v52, v31  }
0xc5: {  	v31 =	vsel vm6, v54, v53;
	vm1 =	vgt.f32 v21, v22;
	vm3 =	vgt.f32 v29, v27  }
0xc6: {  	v21 =	vsel vm1, v21, v22;
	v22 =	vsel vm2, v31, v23;
	vm2 =	vgt.f32 v36, v30  }
0xc7: {  	v23 =	vsel vm0, v28, v26;
	v26 =	vsel vm3, v29, v27;
	vm4 =	vgt.f32 v32, v25  }
0xc8: {  	v27 =	vsel vm0, $0x1, v8;
	v24 =	vsel vm2, v36, v30;
	v25 =	vsel vm4, v32, v25  }
0xc9: {  	v22 =	vor.u32 s23, v22;
	vm0 =	vgt.f32 v24, v23;
	vm5 =	vgt.f32 v25, v26  }
0xca: {  	v28 =	vsel vm2, $0x3, v9;
	v23 =	vsel vm0, v24, v23;
	v24 =	vsel vm5, v25, v26  }
0xcb: {  	v25 =	vsel vm3, $0x5, v10;
	v26 =	vsel vm4, $0x7, v11;
	vm2 =	vgt.f32 v24, v23  }
0xcc: {  	v25 =	vsel vm5, v26, v25;
	v23 =	vsel vm2, v24, v23;
	v24 =	vsel vm0, v28, v27  }
0xcd: {  	vm0 =	vmmov vm1;
	vm1 =	vgt.f32 v23, v21;
	v21 =	vsel vm2, v25, v24  }
0xce: {  	v20 =	vsel vm0, v22, v20;
	v21 =	vor.u32 s24, v21;
	vm0 =	vmmov vm1  }
0xcf: {  	v20 =	vsel vm0, v21, v20;
	_ =	sdelay $0x3  }
0xd0: {  	v21 =	vld [tilespmem:$0xFE08]  }
0xd1: {  	v20 =	vld.idx.msk [tilespmem:v20+s15+$0x0], $0xffff;
	_ =	sdelay $0x4  }
0xd2: {  	s25 =	simm.s32 $0x0;
	v20 =	vsub.f32 v20, v21  }
0xd3: {  	v21 =	vadd.s32 s25, v12  }
0xd4: {  	v22 =	vadd.s32 s25, v13;
	v20 =	vmax.f32 v20, $0.0e+00  }
0xd5: {  	v23 =	vadd.s32 s25, v14;
	v20 =	vmul.f32 v20, v20  }
0xd6: {  	v24 =	vadd.s32 s25, v15  }
0xd7: {  	v25 =	vadd.s32 s25, v17;
	[tilespmem:$0xFF08] =	vst v20  }
0xd8: {  	v26 =	vadd.s32 s25, v18;
	v21 =	vld.idx.msk [tilespmem:v21+s19+$0x0], $0xffff  }
0xd9: {  	v27 =	vadd.s32 s25, v19;
	v22 =	vld.idx.msk [tilespmem:v22+s19+$0x0], $0xffff  }
0xda: {  	s23 =	simm.s32 $0x8;
	v20 =	vadd.s32 s25, v16;
	v23 =	vld.idx.msk [tilespmem:v23+s19+$0x0], $0xffff  }
0xdb: {  	v29 =	vadd.s32 s23, v12;
	v24 =	vld.idx.msk [tilespmem:v24+s19+$0x0], $0xffff  }
0xdc: {  	v30 =	vadd.s32 s23, v13;
	v25 =	vld.idx.msk [tilespmem:v25+s19+$0x0], $0xffff  }
0xdd: {  	v31 =	vadd.s32 s23, v14;
	v26 =	vld.idx.msk [tilespmem:v26+s19+$0x0], $0xffff  }
0xde: {  	v55 =	vimm.f32 $-Inf;
	v56 =	vadd.s32 s23, v15;
	v27 =	vld.idx.msk [tilespmem:v27+s19+$0x0], $0xffff  }
0xdf: {  	v57 =	vadd.s32 s23, v16;
	v58 =	vadd.s32 s23, v17;
	v38 =	vadd.s32 s23, v19;
	s24 =	simm.s32 $0x10;
	v28 =	vld.idx.msk [tilespmem:v20+s19+$0x0], $0xffff  }
0xe0: {  	v60 =	vadd.s32 s23, v18;
	v40 =	vadd.s32 s24, v13;
	v63 =	vadd.s32 s24, v14;
	v59 =	vld.idx.msk [tilespmem:v29+s19+$0x0], $0xffff  }
0xe1: {  	v36 =	vadd.s32 s24, v15;
	v34 =	vadd.s32 s24, v16;
	v35 =	vadd.s32 s24, v17;
	v39 =	vld.idx.msk [tilespmem:v30+s19+$0x0], $0xffff  }
0xe2: {  	v33 =	vadd.s32 s24, v18;
	v32 =	vadd.s32 s24, v19;
	v29 =	vld.idx.msk [tilespmem:v31+s19+$0x0], $0xffff;
	vm0 =	vgt.f32 v22, v21  }
0xe3: {  	v20 =	vimm.s32 $0x0;
	vm1 =	vgt.f32 v24, v23;
	v22 =	vsel vm0, v22, v21;
	v21 =	vld.idx.msk [tilespmem:v56+s19+$0x0], $0xffff  }
0xe4: {  	v31 =	vld.idx.msk [tilespmem:v38+s19+$0x0], $0xffff;
	vm3 =	vgt.f32 v27, v26;
	v24 =	vsel vm1, v24, v23;
	vm2 =	vgt.f32 v25, v28  }
0xe5: {  	v26 =	vsel vm3, v27, v26;
	v30 =	vsel vm0, $0x1, v8;
	v23 =	vld.idx.msk [tilespmem:v57+s19+$0x0], $0xffff;
	v28 =	vsel vm2, v25, v28  }
0xe6: {  	v61 =	vsel vm1, $0x3, v9;
	vm0 =	vgt.f32 v24, v22;
	v25 =	vld.idx.msk [tilespmem:v58+s19+$0x0], $0xffff;
	vm4 =	vgt.f32 v26, v28  }
0xe7: {  	v27 =	vld.idx.msk [tilespmem:v60+s19+$0x0], $0xffff;
	v22 =	vsel vm0, v24, v22;
	v24 =	vsel vm4, v26, v28;
	v26 =	vadd.s32 s24, v12  }
0xe8: {  	v62 =	vsel vm3, $0x7, v11;
	v28 =	vsel vm2, $0x5, v10;
	vm2 =	vgt.f32 v21, v29  }
0xe9: {  	vm1 =	vgt.f32 v24, v22;
	v28 =	vsel vm4, v62, v28;
	vm4 =	vgt.f32 v39, v59  }
0xea: {  	v22 =	vsel vm1, v24, v22;
	v24 =	vsel vm0, v61, v30;
	v30 =	vld.idx.msk [tilespmem:v63+s19+$0x0], $0xffff;
	v37 =	vsel vm4, v39, v59  }
0xeb: {  	vm0 =	vgt.f32 v22, v55;
	v24 =	vsel vm1, v28, v24;
	v28 =	vld.idx.msk [tilespmem:v40+s19+$0x0], $0xffff;
	vm3 =	vgt.f32 v25, v23  }
0xec: {  	vm1 =	vgt.f32 v31, v27;
	v22 =	vsel vm0, v22, v55;
	v24 =	vor.u32 s25, v24;
	s25 =	simm.s32 $0x18;
	v26 =	vld.idx.msk [tilespmem:v26+s19+$0x0], $0xffff  }
.LBB2_8:
0xed: {  	v29 =	vsel vm2, v21, v29  }
0xee: {  	p0 =	sne.s32 s25, $0x3E0;
	v21 =	vld.idx.msk [tilespmem:v36+s19+$0x0], $0xffff;
	v36 =	vsel vm3, v25, v23;
	v27 =	vsel vm1, v31, v27;
	vm5 =	vmmov vm0  }
0xef: {  	v23 =	vld.idx.msk [tilespmem:v34+s19+$0x0], $0xffff;
	v34 =	vsel vm4, $0x1, v8;
	vm0 =	vgt.f32 v29, v37;
	vm4 =	vgt.f32 v27, v36  }
0xf0: {  	v25 =	vld.idx.msk [tilespmem:v35+s19+$0x0], $0xffff;
	v35 =	vsel vm2, $0x3, v9;
	v29 =	vsel vm0, v29, v37;
	v36 =	vsel vm4, v27, v36  }
0xf1: {  	v37 =	vadd.s32 s25, v12;
	v38 =	vmovc v26;
	v27 =	vld.idx.msk [tilespmem:v33+s19+$0x0], $0xffff;
	v33 =	vsel vm3, $0x5, v10;
	vm2 =	vgt.f32 v36, v29  }
0xf2: {  	v39 =	vadd.s32 s25, v13;
	v26 =	vsel vm1, $0x7, v11;
	v40 =	vmovc v28;
	v31 =	vld.idx.msk [tilespmem:v32+s19+$0x0], $0xffff;
	v32 =	vsel vm2, v36, v29  }
0xf3: {  	v41 =	vadd.s32 s25, v14;
	v28 =	vsel vm0, v35, v34;
	vm0 =	vgt.f32 v32, v22;
	v29 =	vmovc v30  }
.Ltmp3:
0xf4: {  	v36 =	vadd.s32 s25, v15;
	v26 =	vsel vm4, v26, v33;
	v22 =	vsel vm0, v32, v22;
	(pc) =	sbr.rel @p0 .LBB2_8-.Ltmp3, $4  }
0xf5: {  	v20 =	vsel vm5, v24, v20;
	v34 =	vadd.s32 s25, v16;
	v28 =	vsel vm2, v26, v28  }
0xf6: {  	v35 =	vadd.s32 s25, v17;
	v33 =	vadd.s32 s25, v18;
	v24 =	vor.u32 s23, v28;
	s23 =	smov.u32 s24;
	s24 =	smov.u32 s25;
	v26 =	vld.idx.msk [tilespmem:v37+s19+$0x0], $0xffff  }
0xf7: {  	vm4 =	vgt.f32 v40, v38;
	v32 =	vadd.s32 s25, v19;
	vm2 =	vgt.f32 v21, v29;
	v28 =	vld.idx.msk [tilespmem:v39+s19+$0x0], $0xffff  }
0xf8: {  	s25 =	sadd.s32 $0x8, s25;
	vm3 =	vgt.f32 v25, v23;
	v37 =	vsel vm4, v40, v38;
	vm1 =	vgt.f32 v31, v27;
	v30 =	vld.idx.msk [tilespmem:v41+s19+$0x0], $0xffff  }
0xf9: {  	_ =	sdelay $0x3  }
0xfa: {  	v36 =	vld.idx.msk [tilespmem:v36+s19+$0x0], $0xffff  }
0xfb: {  	v23 =	vsel vm3, v25, v23;
	v25 =	vsel vm1, v31, v27;
	v27 =	vld.idx.msk [tilespmem:v34+s19+$0x0], $0xffff  }
0xfc: {  	v21 =	vsel vm2, v21, v29;
	v29 =	vld.idx.msk [tilespmem:v35+s19+$0x0], $0xffff;
	v31 =	vsel vm4, $0x1, v8;
	vm0 =	vmmov vm0  }
0xfd: {  	v52 =	vsel vm2, $0x3, v9;
	v32 =	vld.idx.msk [tilespmem:v32+s19+$0x0], $0xffff;
	vm5 =	vgt.f32 v21, v37;
	vm6 =	vgt.f32 v25, v23  }
0xfe: {  	v53 =	vsel vm3, $0x5, v10;
	v21 =	vsel vm5, v21, v37;
	v23 =	vsel vm6, v25, v23;
	v25 =	vld.idx.msk [tilespmem:v33+s19+$0x0], $0xffff  }
0xff: {  	v54 =	vsel vm1, $0x7, v11;
	v20 =	vsel vm0, v24, v20;
	vm2 =	vgt.f32 v23, v21  }
0x100: {  	vm0 =	vgt.f32 v28, v26;
	v21 =	vsel vm2, v23, v21;
	v23 =	vsel vm5, v52, v31  }
0x101: {  	v31 =	vsel vm6, v54, v53;
	vm1 =	vgt.f32 v21, v22;
	vm3 =	vgt.f32 v29, v27  }
0x102: {  	v21 =	vsel vm1, v21, v22;
	v22 =	vsel vm2, v31, v23;
	vm2 =	vgt.f32 v36, v30  }
0x103: {  	v23 =	vsel vm0, v28, v26;
	v26 =	vsel vm3, v29, v27;
	vm4 =	vgt.f32 v32, v25  }
0x104: {  	v27 =	vsel vm0, $0x1, v8;
	v24 =	vsel vm2, v36, v30;
	v25 =	vsel vm4, v32, v25  }
0x105: {  	v22 =	vor.u32 s23, v22;
	vm0 =	vgt.f32 v24, v23;
	vm5 =	vgt.f32 v25, v26  }
0x106: {  	v28 =	vsel vm2, $0x3, v9;
	v23 =	vsel vm0, v24, v23;
	v24 =	vsel vm5, v25, v26  }
0x107: {  	v25 =	vsel vm3, $0x5, v10;
	v26 =	vsel vm4, $0x7, v11;
	vm2 =	vgt.f32 v24, v23  }
0x108: {  	v25 =	vsel vm5, v26, v25;
	v23 =	vsel vm2, v24, v23;
	v24 =	vsel vm0, v28, v27  }
0x109: {  	vm0 =	vmmov vm1;
	vm1 =	vgt.f32 v23, v21;
	v21 =	vsel vm2, v25, v24  }
0x10a: {  	v20 =	vsel vm0, v22, v20;
	v21 =	vor.u32 s24, v21;
	vm0 =	vmmov vm1  }
0x10b: {  	v20 =	vsel vm0, v21, v20;
	_ =	sdelay $0x3  }
0x10c: {  	v21 =	vld [tilespmem:$0xFE18]  }
0x10d: {  	v20 =	vld.idx.msk [tilespmem:v20+s15+$0x0], $0xffff;
	_ =	sdelay $0x4  }
0x10e: {  	v20 =	vsub.f32 v20, v21;
	_ =	sdelay $0x1  }
0x10f: {  	v20 =	vmax.f32 v20, $0.0e+00  }
0x110: {  	v20 =	vmul.f32 v20, v20  }
0x111: {  	s25 =	simm.s32 $0x0  }
0x112: {  	[tilespmem:$0xFF18] =	vst v20;
	v20 =	vadd.s32 s25, v0  }
0x113: {  	v21 =	vadd.s32 s25, v1;
	_ =	swait.ge [sflag:s18], $0x7D00  }
0x114: {  	v22 =	vadd.s32 s25, v2;
	[sflag:s18] =	ssyncset.done $0x0  }
0x115: {  	v23 =	vadd.s32 s25, v3;
	[sflag:s18] =	ssyncadd.s32 $0xFFFF8300  }
0x116: {  	v24 =	vadd.s32 s25, v4;
	[tilespmem:s19], [sflag:$0x2] =	stream.linear.gather [hbm4b:s7+s25], $0x7D00, $0x38;
	[tilespmem:$0xFFE8] =	vst v63  }
0x117: {  	v26 =	vadd.s32 s25, v6;
	v25 =	vld.idx.msk [tilespmem:v20+s3+$0x0], $0xffff  }
0x118: {  	v27 =	vadd.s32 s25, v7;
	v21 =	vld.idx.msk [tilespmem:v21+s3+$0x0], $0xffff  }
0x119: {  	s23 =	simm.s32 $0x8;
	v20 =	vadd.s32 s25, v5;
	v22 =	vld.idx.msk [tilespmem:v22+s3+$0x0], $0xffff  }
0x11a: {  	v29 =	vadd.s32 s23, v0;
	v23 =	vld.idx.msk [tilespmem:v23+s3+$0x0], $0xffff  }
0x11b: {  	v30 =	vadd.s32 s23, v1;
	v24 =	vld.idx.msk [tilespmem:v24+s3+$0x0], $0xffff  }
0x11c: {  	v31 =	vadd.s32 s23, v2;
	v26 =	vld.idx.msk [tilespmem:v26+s3+$0x0], $0xffff  }
0x11d: {  	v55 =	vimm.f32 $-Inf;
	v38 =	vadd.s32 s23, v7;
	v27 =	vld.idx.msk [tilespmem:v27+s3+$0x0], $0xffff  }
0x11e: {  	v56 =	vadd.s32 s23, v3;
	v57 =	vadd.s32 s23, v4;
	v58 =	vadd.s32 s23, v5;
	s24 =	simm.s32 $0x10;
	v28 =	vld.idx.msk [tilespmem:v20+s3+$0x0], $0xffff  }
0x11f: {  	v60 =	vadd.s32 s23, v6;
	v40 =	vadd.s32 s24, v1;
	v63 =	vadd.s32 s24, v2;
	v59 =	vld.idx.msk [tilespmem:v29+s3+$0x0], $0xffff  }
0x120: {  	v36 =	vadd.s32 s24, v3;
	v34 =	vadd.s32 s24, v4;
	v35 =	vadd.s32 s24, v5;
	v39 =	vld.idx.msk [tilespmem:v30+s3+$0x0], $0xffff  }
0x121: {  	v33 =	vadd.s32 s24, v6;
	v32 =	vadd.s32 s24, v7;
	v29 =	vld.idx.msk [tilespmem:v31+s3+$0x0], $0xffff;
	v20 =	vimm.s32 $0x0  }
0x122: {  	v31 =	vld.idx.msk [tilespmem:v38+s3+$0x0], $0xffff;
	vm0 =	vgt.f32 v21, v25;
	vm1 =	vgt.f32 v23, v22;
	vm3 =	vgt.f32 v27, v26  }
0x123: {  	v25 =	vsel vm0, v21, v25;
	v22 =	vsel vm1, v23, v22;
	v21 =	vld.idx.msk [tilespmem:v56+s3+$0x0], $0xffff;
	vm2 =	vgt.f32 v28, v24  }
0x124: {  	v26 =	vsel vm3, v27, v26;
	v23 =	vld.idx.msk [tilespmem:v57+s3+$0x0], $0xffff;
	v30 =	vsel vm1, $0x3, v9;
	v24 =	vsel vm2, v28, v24  }
0x125: {  	v27 =	vld.idx.msk [tilespmem:v60+s3+$0x0], $0xffff;
	v28 =	vsel vm0, $0x1, v8;
	vm0 =	vgt.f32 v22, v25;
	vm4 =	vgt.f32 v26, v24  }
0x126: {  	v22 =	vsel vm0, v22, v25;
	v25 =	vld.idx.msk [tilespmem:v58+s3+$0x0], $0xffff;
	v24 =	vsel vm4, v26, v24;
	v26 =	vadd.s32 s24, v0  }
0x127: {  	v62 =	vsel vm3, $0x7, v11;
	v61 =	vsel vm2, $0x5, v10;
	vm1 =	vgt.f32 v24, v22  }
0x128: {  	vm2 =	vgt.f32 v21, v29;
	v22 =	vsel vm1, v24, v22;
	v24 =	vsel vm0, v30, v28  }
0x129: {  	v28 =	vsel vm4, v62, v61;
	vm4 =	vgt.f32 v39, v59;
	v30 =	vld.idx.msk [tilespmem:v63+s3+$0x0], $0xffff;
	vm0 =	vgt.f32 v22, v55  }
0x12a: {  	v24 =	vsel vm1, v28, v24;
	v28 =	vld.idx.msk [tilespmem:v40+s3+$0x0], $0xffff;
	v37 =	vsel vm4, v39, v59;
	vm1 =	vgt.f32 v31, v27  }
0x12b: {  	v22 =	vsel vm0, v22, v55;
	v24 =	vor.u32 s25, v24;
	s25 =	simm.s32 $0x18;
	vm3 =	vgt.f32 v25, v23;
	v26 =	vld.idx.msk [tilespmem:v26+s3+$0x0], $0xffff  }
.LBB2_10:
0x12c: {  	v29 =	vsel vm2, v21, v29  }
0x12d: {  	p0 =	sne.s32 s25, $0x3E0;
	v21 =	vld.idx.msk [tilespmem:v36+s3+$0x0], $0xffff;
	v36 =	vsel vm3, v25, v23;
	v27 =	vsel vm1, v31, v27;
	vm5 =	vmmov vm0  }
0x12e: {  	v23 =	vld.idx.msk [tilespmem:v34+s3+$0x0], $0xffff;
	v34 =	vsel vm4, $0x1, v8;
	vm0 =	vgt.f32 v29, v37;
	vm4 =	vgt.f32 v27, v36  }
0x12f: {  	v25 =	vld.idx.msk [tilespmem:v35+s3+$0x0], $0xffff;
	v35 =	vsel vm2, $0x3, v9;
	v29 =	vsel vm0, v29, v37;
	v36 =	vsel vm4, v27, v36  }
0x130: {  	v37 =	vadd.s32 s25, v0;
	v38 =	vmovc v26;
	v27 =	vld.idx.msk [tilespmem:v33+s3+$0x0], $0xffff;
	v33 =	vsel vm3, $0x5, v10;
	vm2 =	vgt.f32 v36, v29  }
0x131: {  	v39 =	vadd.s32 s25, v1;
	v26 =	vsel vm1, $0x7, v11;
	v40 =	vmovc v28;
	v31 =	vld.idx.msk [tilespmem:v32+s3+$0x0], $0xffff;
	v32 =	vsel vm2, v36, v29  }
0x132: {  	v41 =	vadd.s32 s25, v2;
	v28 =	vsel vm0, v35, v34;
	vm0 =	vgt.f32 v32, v22;
	v29 =	vmovc v30  }
.Ltmp4:
0x133: {  	v36 =	vadd.s32 s25, v3;
	v26 =	vsel vm4, v26, v33;
	v22 =	vsel vm0, v32, v22;
	(pc) =	sbr.rel @p0 .LBB2_10-.Ltmp4, $4  }
0x134: {  	v20 =	vsel vm5, v24, v20;
	v34 =	vadd.s32 s25, v4;
	v28 =	vsel vm2, v26, v28  }
0x135: {  	v35 =	vadd.s32 s25, v5;
	v33 =	vadd.s32 s25, v6;
	v24 =	vor.u32 s23, v28;
	s23 =	smov.u32 s24;
	s24 =	smov.u32 s25;
	v26 =	vld.idx.msk [tilespmem:v37+s3+$0x0], $0xffff  }
0x136: {  	vm4 =	vgt.f32 v40, v38;
	v32 =	vadd.s32 s25, v7;
	vm2 =	vgt.f32 v21, v29;
	v28 =	vld.idx.msk [tilespmem:v39+s3+$0x0], $0xffff  }
0x137: {  	s25 =	sadd.s32 $0x8, s25;
	vm3 =	vgt.f32 v25, v23;
	v37 =	vsel vm4, v40, v38;
	vm1 =	vgt.f32 v31, v27;
	v30 =	vld.idx.msk [tilespmem:v41+s3+$0x0], $0xffff  }
0x138: {  	_ =	sdelay $0x3  }
0x139: {  	v36 =	vld.idx.msk [tilespmem:v36+s3+$0x0], $0xffff  }
0x13a: {  	v23 =	vsel vm3, v25, v23;
	v25 =	vsel vm1, v31, v27;
	v27 =	vld.idx.msk [tilespmem:v34+s3+$0x0], $0xffff  }
0x13b: {  	v21 =	vsel vm2, v21, v29;
	v29 =	vld.idx.msk [tilespmem:v35+s3+$0x0], $0xffff;
	v31 =	vsel vm4, $0x1, v8;
	vm0 =	vmmov vm0  }
0x13c: {  	v52 =	vsel vm2, $0x3, v9;
	v32 =	vld.idx.msk [tilespmem:v32+s3+$0x0], $0xffff;
	vm5 =	vgt.f32 v21, v37;
	vm6 =	vgt.f32 v25, v23  }
0x13d: {  	v53 =	vsel vm3, $0x5, v10;
	v21 =	vsel vm5, v21, v37;
	v23 =	vsel vm6, v25, v23;
	v25 =	vld.idx.msk [tilespmem:v33+s3+$0x0], $0xffff  }
0x13e: {  	v54 =	vsel vm1, $0x7, v11;
	v20 =	vsel vm0, v24, v20;
	vm2 =	vgt.f32 v23, v21  }
0x13f: {  	vm0 =	vgt.f32 v28, v26;
	v21 =	vsel vm2, v23, v21;
	v23 =	vsel vm5, v52, v31  }
0x140: {  	v31 =	vsel vm6, v54, v53;
	vm1 =	vgt.f32 v21, v22;
	vm3 =	vgt.f32 v29, v27  }
0x141: {  	v21 =	vsel vm1, v21, v22;
	v22 =	vsel vm2, v31, v23;
	vm2 =	vgt.f32 v36, v30  }
0x142: {  	v23 =	vsel vm0, v28, v26;
	v26 =	vsel vm3, v29, v27;
	vm4 =	vgt.f32 v32, v25  }
0x143: {  	v27 =	vsel vm0, $0x1, v8;
	v24 =	vsel vm2, v36, v30;
	v25 =	vsel vm4, v32, v25  }
0x144: {  	v22 =	vor.u32 s23, v22;
	vm0 =	vgt.f32 v24, v23;
	vm5 =	vgt.f32 v25, v26  }
0x145: {  	v28 =	vsel vm2, $0x3, v9;
	v23 =	vsel vm0, v24, v23;
	v24 =	vsel vm5, v25, v26  }
0x146: {  	v25 =	vsel vm3, $0x5, v10;
	v26 =	vsel vm4, $0x7, v11;
	vm2 =	vgt.f32 v24, v23  }
0x147: {  	v25 =	vsel vm5, v26, v25;
	v23 =	vsel vm2, v24, v23;
	v24 =	vsel vm0, v28, v27  }
0x148: {  	vm0 =	vmmov vm1;
	vm1 =	vgt.f32 v23, v21;
	v21 =	vsel vm2, v25, v24  }
0x149: {  	v20 =	vsel vm0, v22, v20;
	v21 =	vor.u32 s24, v21;
	vm0 =	vmmov vm1  }
0x14a: {  	v20 =	vsel vm0, v21, v20;
	_ =	sdelay $0x3  }
0x14b: {  	v21 =	vld [tilespmem:$0xFE28]  }
0x14c: {  	v20 =	vld.idx.msk [tilespmem:v20+s15+$0x0], $0xffff;
	_ =	sdelay $0x4  }
0x14d: {  	s25 =	simm.s32 $0x0;
	v20 =	vsub.f32 v20, v21  }
0x14e: {  	v21 =	vadd.s32 s25, v12  }
0x14f: {  	v22 =	vadd.s32 s25, v13;
	v20 =	vmax.f32 v20, $0.0e+00  }
0x150: {  	v23 =	vadd.s32 s25, v14;
	v20 =	vmul.f32 v20, v20  }
0x151: {  	v24 =	vadd.s32 s25, v15  }
0x152: {  	v25 =	vadd.s32 s25, v17;
	[tilespmem:$0xFF28] =	vst v20  }
0x153: {  	v26 =	vadd.s32 s25, v18;
	v21 =	vld.idx.msk [tilespmem:v21+s3+$0x0], $0xffff  }
0x154: {  	v27 =	vadd.s32 s25, v19;
	v22 =	vld.idx.msk [tilespmem:v22+s3+$0x0], $0xffff  }
0x155: {  	s23 =	simm.s32 $0x8;
	v20 =	vadd.s32 s25, v16;
	v23 =	vld.idx.msk [tilespmem:v23+s3+$0x0], $0xffff  }
0x156: {  	v29 =	vadd.s32 s23, v12;
	v24 =	vld.idx.msk [tilespmem:v24+s3+$0x0], $0xffff  }
0x157: {  	v30 =	vadd.s32 s23, v13;
	v25 =	vld.idx.msk [tilespmem:v25+s3+$0x0], $0xffff  }
0x158: {  	v31 =	vadd.s32 s23, v14;
	v26 =	vld.idx.msk [tilespmem:v26+s3+$0x0], $0xffff  }
0x159: {  	v55 =	vimm.f32 $-Inf;
	v56 =	vadd.s32 s23, v15;
	v27 =	vld.idx.msk [tilespmem:v27+s3+$0x0], $0xffff  }
0x15a: {  	v57 =	vadd.s32 s23, v16;
	v58 =	vadd.s32 s23, v17;
	v38 =	vadd.s32 s23, v19;
	s24 =	simm.s32 $0x10;
	v28 =	vld.idx.msk [tilespmem:v20+s3+$0x0], $0xffff  }
0x15b: {  	v60 =	vadd.s32 s23, v18;
	v40 =	vadd.s32 s24, v13;
	v63 =	vadd.s32 s24, v14;
	v59 =	vld.idx.msk [tilespmem:v29+s3+$0x0], $0xffff  }
0x15c: {  	v36 =	vadd.s32 s24, v15;
	v34 =	vadd.s32 s24, v16;
	v35 =	vadd.s32 s24, v17;
	v39 =	vld.idx.msk [tilespmem:v30+s3+$0x0], $0xffff  }
0x15d: {  	v33 =	vadd.s32 s24, v18;
	v32 =	vadd.s32 s24, v19;
	v29 =	vld.idx.msk [tilespmem:v31+s3+$0x0], $0xffff;
	vm0 =	vgt.f32 v22, v21  }
0x15e: {  	v20 =	vimm.s32 $0x0;
	vm1 =	vgt.f32 v24, v23;
	v22 =	vsel vm0, v22, v21;
	v21 =	vld.idx.msk [tilespmem:v56+s3+$0x0], $0xffff  }
0x15f: {  	v31 =	vld.idx.msk [tilespmem:v38+s3+$0x0], $0xffff;
	vm3 =	vgt.f32 v27, v26;
	v24 =	vsel vm1, v24, v23;
	vm2 =	vgt.f32 v25, v28  }
0x160: {  	v26 =	vsel vm3, v27, v26;
	v30 =	vsel vm0, $0x1, v8;
	v23 =	vld.idx.msk [tilespmem:v57+s3+$0x0], $0xffff;
	v28 =	vsel vm2, v25, v28  }
0x161: {  	v61 =	vsel vm1, $0x3, v9;
	vm0 =	vgt.f32 v24, v22;
	v25 =	vld.idx.msk [tilespmem:v58+s3+$0x0], $0xffff;
	vm4 =	vgt.f32 v26, v28  }
0x162: {  	v27 =	vld.idx.msk [tilespmem:v60+s3+$0x0], $0xffff;
	v22 =	vsel vm0, v24, v22;
	v24 =	vsel vm4, v26, v28;
	v26 =	vadd.s32 s24, v12  }
0x163: {  	v62 =	vsel vm3, $0x7, v11;
	v28 =	vsel vm2, $0x5, v10;
	vm2 =	vgt.f32 v21, v29  }
0x164: {  	vm1 =	vgt.f32 v24, v22;
	v28 =	vsel vm4, v62, v28;
	vm4 =	vgt.f32 v39, v59  }
0x165: {  	v22 =	vsel vm1, v24, v22;
	v24 =	vsel vm0, v61, v30;
	v30 =	vld.idx.msk [tilespmem:v63+s3+$0x0], $0xffff;
	v37 =	vsel vm4, v39, v59  }
0x166: {  	vm0 =	vgt.f32 v22, v55;
	v24 =	vsel vm1, v28, v24;
	v28 =	vld.idx.msk [tilespmem:v40+s3+$0x0], $0xffff;
	vm3 =	vgt.f32 v25, v23  }
0x167: {  	vm1 =	vgt.f32 v31, v27;
	v22 =	vsel vm0, v22, v55;
	v24 =	vor.u32 s25, v24;
	s25 =	simm.s32 $0x18;
	v26 =	vld.idx.msk [tilespmem:v26+s3+$0x0], $0xffff  }
.LBB2_12:
0x168: {  	v29 =	vsel vm2, v21, v29  }
0x169: {  	p0 =	sne.s32 s25, $0x3E0;
	v21 =	vld.idx.msk [tilespmem:v36+s3+$0x0], $0xffff;
	v36 =	vsel vm3, v25, v23;
	v27 =	vsel vm1, v31, v27;
	vm5 =	vmmov vm0  }
0x16a: {  	v23 =	vld.idx.msk [tilespmem:v34+s3+$0x0], $0xffff;
	v34 =	vsel vm4, $0x1, v8;
	vm0 =	vgt.f32 v29, v37;
	vm4 =	vgt.f32 v27, v36  }
0x16b: {  	v25 =	vld.idx.msk [tilespmem:v35+s3+$0x0], $0xffff;
	v35 =	vsel vm2, $0x3, v9;
	v29 =	vsel vm0, v29, v37;
	v36 =	vsel vm4, v27, v36  }
0x16c: {  	v37 =	vadd.s32 s25, v12;
	v38 =	vmovc v26;
	v27 =	vld.idx.msk [tilespmem:v33+s3+$0x0], $0xffff;
	v33 =	vsel vm3, $0x5, v10;
	vm2 =	vgt.f32 v36, v29  }
0x16d: {  	v39 =	vadd.s32 s25, v13;
	v26 =	vsel vm1, $0x7, v11;
	v40 =	vmovc v28;
	v31 =	vld.idx.msk [tilespmem:v32+s3+$0x0], $0xffff;
	v32 =	vsel vm2, v36, v29  }
0x16e: {  	v41 =	vadd.s32 s25, v14;
	v28 =	vsel vm0, v35, v34;
	vm0 =	vgt.f32 v32, v22;
	v29 =	vmovc v30  }
.Ltmp5:
0x16f: {  	v36 =	vadd.s32 s25, v15;
	v26 =	vsel vm4, v26, v33;
	v22 =	vsel vm0, v32, v22;
	(pc) =	sbr.rel @p0 .LBB2_12-.Ltmp5, $4  }
0x170: {  	v20 =	vsel vm5, v24, v20;
	v34 =	vadd.s32 s25, v16;
	v28 =	vsel vm2, v26, v28  }
0x171: {  	v35 =	vadd.s32 s25, v17;
	v33 =	vadd.s32 s25, v18;
	v24 =	vor.u32 s23, v28;
	s23 =	smov.u32 s24;
	s24 =	smov.u32 s25;
	v26 =	vld.idx.msk [tilespmem:v37+s3+$0x0], $0xffff  }
0x172: {  	vm4 =	vgt.f32 v40, v38;
	v32 =	vadd.s32 s25, v19;
	vm2 =	vgt.f32 v21, v29;
	v28 =	vld.idx.msk [tilespmem:v39+s3+$0x0], $0xffff  }
0x173: {  	s25 =	sadd.s32 $0x8, s25;
	vm3 =	vgt.f32 v25, v23;
	v37 =	vsel vm4, v40, v38;
	vm1 =	vgt.f32 v31, v27;
	v30 =	vld.idx.msk [tilespmem:v41+s3+$0x0], $0xffff  }
0x174: {  	_ =	sdelay $0x3  }
0x175: {  	v36 =	vld.idx.msk [tilespmem:v36+s3+$0x0], $0xffff  }
0x176: {  	v23 =	vsel vm3, v25, v23;
	v25 =	vsel vm1, v31, v27;
	v27 =	vld.idx.msk [tilespmem:v34+s3+$0x0], $0xffff  }
0x177: {  	v21 =	vsel vm2, v21, v29;
	v29 =	vld.idx.msk [tilespmem:v35+s3+$0x0], $0xffff;
	v31 =	vsel vm4, $0x1, v8;
	vm0 =	vmmov vm0  }
0x178: {  	v52 =	vsel vm2, $0x3, v9;
	v32 =	vld.idx.msk [tilespmem:v32+s3+$0x0], $0xffff;
	vm5 =	vgt.f32 v21, v37;
	vm6 =	vgt.f32 v25, v23  }
0x179: {  	v53 =	vsel vm3, $0x5, v10;
	v21 =	vsel vm5, v21, v37;
	v23 =	vsel vm6, v25, v23;
	v25 =	vld.idx.msk [tilespmem:v33+s3+$0x0], $0xffff  }
0x17a: {  	v54 =	vsel vm1, $0x7, v11;
	v20 =	vsel vm0, v24, v20;
	vm2 =	vgt.f32 v23, v21  }
0x17b: {  	vm0 =	vgt.f32 v28, v26;
	v21 =	vsel vm2, v23, v21;
	v23 =	vsel vm5, v52, v31  }
0x17c: {  	v31 =	vsel vm6, v54, v53;
	vm1 =	vgt.f32 v21, v22;
	vm3 =	vgt.f32 v29, v27  }
0x17d: {  	v21 =	vsel vm1, v21, v22;
	v22 =	vsel vm2, v31, v23;
	vm2 =	vgt.f32 v36, v30  }
0x17e: {  	v23 =	vsel vm0, v28, v26;
	v26 =	vsel vm3, v29, v27;
	vm4 =	vgt.f32 v32, v25  }
0x17f: {  	v27 =	vsel vm0, $0x1, v8;
	v24 =	vsel vm2, v36, v30;
	v25 =	vsel vm4, v32, v25  }
0x180: {  	v22 =	vor.u32 s23, v22;
	vm0 =	vgt.f32 v24, v23;
	vm5 =	vgt.f32 v25, v26  }
0x181: {  	v28 =	vsel vm2, $0x3, v9;
	v23 =	vsel vm0, v24, v23;
	v24 =	vsel vm5, v25, v26  }
0x182: {  	v25 =	vsel vm3, $0x5, v10;
	v26 =	vsel vm4, $0x7, v11;
	vm2 =	vgt.f32 v24, v23  }
0x183: {  	v25 =	vsel vm5, v26, v25;
	v23 =	vsel vm2, v24, v23;
	v24 =	vsel vm0, v28, v27  }
0x184: {  	vm0 =	vmmov vm1;
	vm1 =	vgt.f32 v23, v21;
	v21 =	vsel vm2, v25, v24  }
0x185: {  	v20 =	vsel vm0, v22, v20;
	v21 =	vor.u32 s24, v21;
	vm0 =	vmmov vm1  }
0x186: {  	v20 =	vsel vm0, v21, v20;
	_ =	sdelay $0x3  }
0x187: {  	v21 =	vld [tilespmem:$0xFE38]  }
0x188: {  	v20 =	vld.idx.msk [tilespmem:v20+s15+$0x0], $0xffff;
	_ =	sdelay $0x4  }
0x189: {  	v20 =	vsub.f32 v20, v21;
	_ =	sdelay $0x1  }
0x18a: {  	v20 =	vmax.f32 v20, $0.0e+00  }
0x18b: {  	v20 =	vmul.f32 v20, v20  }
0x18c: {  	s25 =	simm.s32 $0x0  }
0x18d: {  	[tilespmem:$0xFF38] =	vst v20;
	v20 =	vadd.s32 s25, v0  }
0x18e: {  	v21 =	vadd.s32 s25, v1;
	_ =	swait.ge [sflag:s20], $0x7D00  }
0x18f: {  	v22 =	vadd.s32 s25, v2;
	[sflag:s20] =	ssyncset.done $0x0  }
0x190: {  	v23 =	vadd.s32 s25, v3;
	[sflag:s20] =	ssyncadd.s32 $0xFFFF8300  }
0x191: {  	v24 =	vadd.s32 s25, v4;
	[tilespmem:s25], [sflag:$0x1] =	stream.linear.gather [hbm4b:s8+s25], $0x7D00, $0x38;
	[tilespmem:$0xFFE8] =	vst v63  }
0x192: {  	v26 =	vadd.s32 s25, v6;
	v25 =	vld.idx.msk [tilespmem:v20+s19+$0x0], $0xffff  }
0x193: {  	v27 =	vadd.s32 s25, v7;
	v21 =	vld.idx.msk [tilespmem:v21+s19+$0x0], $0xffff  }
0x194: {  	s23 =	simm.s32 $0x8;
	v20 =	vadd.s32 s25, v5;
	v22 =	vld.idx.msk [tilespmem:v22+s19+$0x0], $0xffff  }
0x195: {  	v29 =	vadd.s32 s23, v0;
	v23 =	vld.idx.msk [tilespmem:v23+s19+$0x0], $0xffff  }
0x196: {  	v30 =	vadd.s32 s23, v1;
	v24 =	vld.idx.msk [tilespmem:v24+s19+$0x0], $0xffff  }
0x197: {  	v31 =	vadd.s32 s23, v2;
	v26 =	vld.idx.msk [tilespmem:v26+s19+$0x0], $0xffff  }
0x198: {  	v55 =	vimm.f32 $-Inf;
	v38 =	vadd.s32 s23, v7;
	v27 =	vld.idx.msk [tilespmem:v27+s19+$0x0], $0xffff  }
0x199: {  	v56 =	vadd.s32 s23, v3;
	v57 =	vadd.s32 s23, v4;
	v58 =	vadd.s32 s23, v5;
	s24 =	simm.s32 $0x10;
	v28 =	vld.idx.msk [tilespmem:v20+s19+$0x0], $0xffff  }
0x19a: {  	v60 =	vadd.s32 s23, v6;
	v40 =	vadd.s32 s24, v1;
	v63 =	vadd.s32 s24, v2;
	v59 =	vld.idx.msk [tilespmem:v29+s19+$0x0], $0xffff  }
0x19b: {  	v36 =	vadd.s32 s24, v3;
	v34 =	vadd.s32 s24, v4;
	v35 =	vadd.s32 s24, v5;
	v39 =	vld.idx.msk [tilespmem:v30+s19+$0x0], $0xffff  }
0x19c: {  	v33 =	vadd.s32 s24, v6;
	v32 =	vadd.s32 s24, v7;
	v29 =	vld.idx.msk [tilespmem:v31+s19+$0x0], $0xffff;
	v20 =	vimm.s32 $0x0  }
0x19d: {  	v31 =	vld.idx.msk [tilespmem:v38+s19+$0x0], $0xffff;
	vm0 =	vgt.f32 v21, v25;
	vm1 =	vgt.f32 v23, v22;
	vm3 =	vgt.f32 v27, v26  }
0x19e: {  	v25 =	vsel vm0, v21, v25;
	v22 =	vsel vm1, v23, v22;
	v21 =	vld.idx.msk [tilespmem:v56+s19+$0x0], $0xffff;
	vm2 =	vgt.f32 v28, v24  }
0x19f: {  	v26 =	vsel vm3, v27, v26;
	v23 =	vld.idx.msk [tilespmem:v57+s19+$0x0], $0xffff;
	v30 =	vsel vm1, $0x3, v9;
	v24 =	vsel vm2, v28, v24  }
0x1a0: {  	v27 =	vld.idx.msk [tilespmem:v60+s19+$0x0], $0xffff;
	v28 =	vsel vm0, $0x1, v8;
	vm0 =	vgt.f32 v22, v25;
	vm4 =	vgt.f32 v26, v24  }
0x1a1: {  	v22 =	vsel vm0, v22, v25;
	v25 =	vld.idx.msk [tilespmem:v58+s19+$0x0], $0xffff;
	v24 =	vsel vm4, v26, v24;
	v26 =	vadd.s32 s24, v0  }
0x1a2: {  	v62 =	vsel vm3, $0x7, v11;
	v61 =	vsel vm2, $0x5, v10;
	vm1 =	vgt.f32 v24, v22  }
0x1a3: {  	vm2 =	vgt.f32 v21, v29;
	v22 =	vsel vm1, v24, v22;
	v24 =	vsel vm0, v30, v28  }
0x1a4: {  	v28 =	vsel vm4, v62, v61;
	vm4 =	vgt.f32 v39, v59;
	v30 =	vld.idx.msk [tilespmem:v63+s19+$0x0], $0xffff;
	vm0 =	vgt.f32 v22, v55  }
0x1a5: {  	v24 =	vsel vm1, v28, v24;
	v28 =	vld.idx.msk [tilespmem:v40+s19+$0x0], $0xffff;
	v37 =	vsel vm4, v39, v59;
	vm1 =	vgt.f32 v31, v27  }
0x1a6: {  	v22 =	vsel vm0, v22, v55;
	v24 =	vor.u32 s25, v24;
	s25 =	simm.s32 $0x18;
	vm3 =	vgt.f32 v25, v23;
	v26 =	vld.idx.msk [tilespmem:v26+s19+$0x0], $0xffff  }
.LBB2_14:
0x1a7: {  	v29 =	vsel vm2, v21, v29  }
0x1a8: {  	p0 =	sne.s32 s25, $0x3E0;
	v21 =	vld.idx.msk [tilespmem:v36+s19+$0x0], $0xffff;
	v36 =	vsel vm3, v25, v23;
	v27 =	vsel vm1, v31, v27;
	vm5 =	vmmov vm0  }
0x1a9: {  	v23 =	vld.idx.msk [tilespmem:v34+s19+$0x0], $0xffff;
	v34 =	vsel vm4, $0x1, v8;
	vm0 =	vgt.f32 v29, v37;
	vm4 =	vgt.f32 v27, v36  }
0x1aa: {  	v25 =	vld.idx.msk [tilespmem:v35+s19+$0x0], $0xffff;
	v35 =	vsel vm2, $0x3, v9;
	v29 =	vsel vm0, v29, v37;
	v36 =	vsel vm4, v27, v36  }
0x1ab: {  	v37 =	vadd.s32 s25, v0;
	v38 =	vmovc v26;
	v27 =	vld.idx.msk [tilespmem:v33+s19+$0x0], $0xffff;
	v33 =	vsel vm3, $0x5, v10;
	vm2 =	vgt.f32 v36, v29  }
0x1ac: {  	v39 =	vadd.s32 s25, v1;
	v26 =	vsel vm1, $0x7, v11;
	v40 =	vmovc v28;
	v31 =	vld.idx.msk [tilespmem:v32+s19+$0x0], $0xffff;
	v32 =	vsel vm2, v36, v29  }
0x1ad: {  	v41 =	vadd.s32 s25, v2;
	v28 =	vsel vm0, v35, v34;
	vm0 =	vgt.f32 v32, v22;
	v29 =	vmovc v30  }
.Ltmp6:
0x1ae: {  	v36 =	vadd.s32 s25, v3;
	v26 =	vsel vm4, v26, v33;
	v22 =	vsel vm0, v32, v22;
	(pc) =	sbr.rel @p0 .LBB2_14-.Ltmp6, $4  }
0x1af: {  	v20 =	vsel vm5, v24, v20;
	v34 =	vadd.s32 s25, v4;
	v28 =	vsel vm2, v26, v28  }
0x1b0: {  	v35 =	vadd.s32 s25, v5;
	v33 =	vadd.s32 s25, v6;
	v24 =	vor.u32 s23, v28;
	s23 =	smov.u32 s24;
	s24 =	smov.u32 s25;
	v26 =	vld.idx.msk [tilespmem:v37+s19+$0x0], $0xffff  }
0x1b1: {  	vm4 =	vgt.f32 v40, v38;
	v32 =	vadd.s32 s25, v7;
	vm2 =	vgt.f32 v21, v29;
	v28 =	vld.idx.msk [tilespmem:v39+s19+$0x0], $0xffff  }
0x1b2: {  	s25 =	sadd.s32 $0x8, s25;
	vm3 =	vgt.f32 v25, v23;
	v37 =	vsel vm4, v40, v38;
	vm1 =	vgt.f32 v31, v27;
	v30 =	vld.idx.msk [tilespmem:v41+s19+$0x0], $0xffff  }
0x1b3: {  	_ =	sdelay $0x3  }
0x1b4: {  	v36 =	vld.idx.msk [tilespmem:v36+s19+$0x0], $0xffff  }
0x1b5: {  	v23 =	vsel vm3, v25, v23;
	v25 =	vsel vm1, v31, v27;
	v27 =	vld.idx.msk [tilespmem:v34+s19+$0x0], $0xffff  }
0x1b6: {  	v21 =	vsel vm2, v21, v29;
	v29 =	vld.idx.msk [tilespmem:v35+s19+$0x0], $0xffff;
	v31 =	vsel vm4, $0x1, v8;
	vm0 =	vmmov vm0  }
0x1b7: {  	v52 =	vsel vm2, $0x3, v9;
	v32 =	vld.idx.msk [tilespmem:v32+s19+$0x0], $0xffff;
	vm5 =	vgt.f32 v21, v37;
	vm6 =	vgt.f32 v25, v23  }
0x1b8: {  	v53 =	vsel vm3, $0x5, v10;
	v21 =	vsel vm5, v21, v37;
	v23 =	vsel vm6, v25, v23;
	v25 =	vld.idx.msk [tilespmem:v33+s19+$0x0], $0xffff  }
0x1b9: {  	v54 =	vsel vm1, $0x7, v11;
	v20 =	vsel vm0, v24, v20;
	vm2 =	vgt.f32 v23, v21  }
0x1ba: {  	vm0 =	vgt.f32 v28, v26;
	v21 =	vsel vm2, v23, v21;
	v23 =	vsel vm5, v52, v31  }
0x1bb: {  	v31 =	vsel vm6, v54, v53;
	vm1 =	vgt.f32 v21, v22;
	vm3 =	vgt.f32 v29, v27  }
0x1bc: {  	v21 =	vsel vm1, v21, v22;
	v22 =	vsel vm2, v31, v23;
	vm2 =	vgt.f32 v36, v30  }
0x1bd: {  	v23 =	vsel vm0, v28, v26;
	v26 =	vsel vm3, v29, v27;
	vm4 =	vgt.f32 v32, v25  }
0x1be: {  	v27 =	vsel vm0, $0x1, v8;
	v24 =	vsel vm2, v36, v30;
	v25 =	vsel vm4, v32, v25  }
0x1bf: {  	v22 =	vor.u32 s23, v22;
	vm0 =	vgt.f32 v24, v23;
	vm5 =	vgt.f32 v25, v26  }
0x1c0: {  	v28 =	vsel vm2, $0x3, v9;
	v23 =	vsel vm0, v24, v23;
	v24 =	vsel vm5, v25, v26  }
0x1c1: {  	v25 =	vsel vm3, $0x5, v10;
	v26 =	vsel vm4, $0x7, v11;
	vm2 =	vgt.f32 v24, v23  }
0x1c2: {  	v25 =	vsel vm5, v26, v25;
	v23 =	vsel vm2, v24, v23;
	v24 =	vsel vm0, v28, v27  }
0x1c3: {  	vm0 =	vmmov vm1;
	vm1 =	vgt.f32 v23, v21;
	v21 =	vsel vm2, v25, v24  }
0x1c4: {  	v20 =	vsel vm0, v22, v20;
	v21 =	vor.u32 s24, v21;
	vm0 =	vmmov vm1  }
0x1c5: {  	v20 =	vsel vm0, v21, v20;
	_ =	sdelay $0x3  }
0x1c6: {  	v21 =	vld [tilespmem:$0xFE48]  }
0x1c7: {  	v20 =	vld.idx.msk [tilespmem:v20+s15+$0x0], $0xffff;
	_ =	sdelay $0x4  }
0x1c8: {  	s25 =	simm.s32 $0x0;
	v20 =	vsub.f32 v20, v21  }
0x1c9: {  	v21 =	vadd.s32 s25, v12  }
0x1ca: {  	v22 =	vadd.s32 s25, v13;
	v20 =	vmax.f32 v20, $0.0e+00  }
0x1cb: {  	v23 =	vadd.s32 s25, v14;
	v20 =	vmul.f32 v20, v20  }
0x1cc: {  	v24 =	vadd.s32 s25, v15  }
0x1cd: {  	v25 =	vadd.s32 s25, v17;
	[tilespmem:$0xFF48] =	vst v20  }
0x1ce: {  	v26 =	vadd.s32 s25, v18;
	v21 =	vld.idx.msk [tilespmem:v21+s19+$0x0], $0xffff  }
0x1cf: {  	v27 =	vadd.s32 s25, v19;
	v22 =	vld.idx.msk [tilespmem:v22+s19+$0x0], $0xffff  }
0x1d0: {  	s23 =	simm.s32 $0x8;
	v20 =	vadd.s32 s25, v16;
	v23 =	vld.idx.msk [tilespmem:v23+s19+$0x0], $0xffff  }
0x1d1: {  	v29 =	vadd.s32 s23, v12;
	v24 =	vld.idx.msk [tilespmem:v24+s19+$0x0], $0xffff  }
0x1d2: {  	v30 =	vadd.s32 s23, v13;
	v25 =	vld.idx.msk [tilespmem:v25+s19+$0x0], $0xffff  }
0x1d3: {  	v31 =	vadd.s32 s23, v14;
	v26 =	vld.idx.msk [tilespmem:v26+s19+$0x0], $0xffff  }
0x1d4: {  	v55 =	vimm.f32 $-Inf;
	v56 =	vadd.s32 s23, v15;
	v27 =	vld.idx.msk [tilespmem:v27+s19+$0x0], $0xffff  }
0x1d5: {  	v57 =	vadd.s32 s23, v16;
	v58 =	vadd.s32 s23, v17;
	v38 =	vadd.s32 s23, v19;
	s24 =	simm.s32 $0x10;
	v28 =	vld.idx.msk [tilespmem:v20+s19+$0x0], $0xffff  }
0x1d6: {  	v60 =	vadd.s32 s23, v18;
	v40 =	vadd.s32 s24, v13;
	v63 =	vadd.s32 s24, v14;
	v59 =	vld.idx.msk [tilespmem:v29+s19+$0x0], $0xffff  }
0x1d7: {  	v36 =	vadd.s32 s24, v15;
	v34 =	vadd.s32 s24, v16;
	v35 =	vadd.s32 s24, v17;
	v39 =	vld.idx.msk [tilespmem:v30+s19+$0x0], $0xffff  }
0x1d8: {  	v33 =	vadd.s32 s24, v18;
	v32 =	vadd.s32 s24, v19;
	v29 =	vld.idx.msk [tilespmem:v31+s19+$0x0], $0xffff;
	vm0 =	vgt.f32 v22, v21  }
0x1d9: {  	v20 =	vimm.s32 $0x0;
	vm1 =	vgt.f32 v24, v23;
	v22 =	vsel vm0, v22, v21;
	v21 =	vld.idx.msk [tilespmem:v56+s19+$0x0], $0xffff  }
0x1da: {  	v31 =	vld.idx.msk [tilespmem:v38+s19+$0x0], $0xffff;
	vm3 =	vgt.f32 v27, v26;
	v24 =	vsel vm1, v24, v23;
	vm2 =	vgt.f32 v25, v28  }
0x1db: {  	v26 =	vsel vm3, v27, v26;
	v30 =	vsel vm0, $0x1, v8;
	v23 =	vld.idx.msk [tilespmem:v57+s19+$0x0], $0xffff;
	v28 =	vsel vm2, v25, v28  }
0x1dc: {  	v61 =	vsel vm1, $0x3, v9;
	vm0 =	vgt.f32 v24, v22;
	v25 =	vld.idx.msk [tilespmem:v58+s19+$0x0], $0xffff;
	vm4 =	vgt.f32 v26, v28  }
0x1dd: {  	v27 =	vld.idx.msk [tilespmem:v60+s19+$0x0], $0xffff;
	v22 =	vsel vm0, v24, v22;
	v24 =	vsel vm4, v26, v28;
	v26 =	vadd.s32 s24, v12  }
0x1de: {  	v62 =	vsel vm3, $0x7, v11;
	v28 =	vsel vm2, $0x5, v10;
	vm2 =	vgt.f32 v21, v29  }
0x1df: {  	vm1 =	vgt.f32 v24, v22;
	v28 =	vsel vm4, v62, v28;
	vm4 =	vgt.f32 v39, v59  }
0x1e0: {  	v22 =	vsel vm1, v24, v22;
	v24 =	vsel vm0, v61, v30;
	v30 =	vld.idx.msk [tilespmem:v63+s19+$0x0], $0xffff;
	v37 =	vsel vm4, v39, v59  }
0x1e1: {  	vm0 =	vgt.f32 v22, v55;
	v24 =	vsel vm1, v28, v24;
	v28 =	vld.idx.msk [tilespmem:v40+s19+$0x0], $0xffff;
	vm3 =	vgt.f32 v25, v23  }
0x1e2: {  	vm1 =	vgt.f32 v31, v27;
	v22 =	vsel vm0, v22, v55;
	v24 =	vor.u32 s25, v24;
	s25 =	simm.s32 $0x18;
	v26 =	vld.idx.msk [tilespmem:v26+s19+$0x0], $0xffff  }
.LBB2_16:
0x1e3: {  	v29 =	vsel vm2, v21, v29  }
0x1e4: {  	p0 =	sne.s32 s25, $0x3E0;
	v21 =	vld.idx.msk [tilespmem:v36+s19+$0x0], $0xffff;
	v36 =	vsel vm3, v25, v23;
	v27 =	vsel vm1, v31, v27;
	vm5 =	vmmov vm0  }
0x1e5: {  	v23 =	vld.idx.msk [tilespmem:v34+s19+$0x0], $0xffff;
	v34 =	vsel vm4, $0x1, v8;
	vm0 =	vgt.f32 v29, v37;
	vm4 =	vgt.f32 v27, v36  }
0x1e6: {  	v25 =	vld.idx.msk [tilespmem:v35+s19+$0x0], $0xffff;
	v35 =	vsel vm2, $0x3, v9;
	v29 =	vsel vm0, v29, v37;
	v36 =	vsel vm4, v27, v36  }
0x1e7: {  	v37 =	vadd.s32 s25, v12;
	v38 =	vmovc v26;
	v27 =	vld.idx.msk [tilespmem:v33+s19+$0x0], $0xffff;
	v33 =	vsel vm3, $0x5, v10;
	vm2 =	vgt.f32 v36, v29  }
0x1e8: {  	v39 =	vadd.s32 s25, v13;
	v26 =	vsel vm1, $0x7, v11;
	v40 =	vmovc v28;
	v31 =	vld.idx.msk [tilespmem:v32+s19+$0x0], $0xffff;
	v32 =	vsel vm2, v36, v29  }
0x1e9: {  	v41 =	vadd.s32 s25, v14;
	v28 =	vsel vm0, v35, v34;
	vm0 =	vgt.f32 v32, v22;
	v29 =	vmovc v30  }
.Ltmp7:
0x1ea: {  	v36 =	vadd.s32 s25, v15;
	v26 =	vsel vm4, v26, v33;
	v22 =	vsel vm0, v32, v22;
	(pc) =	sbr.rel @p0 .LBB2_16-.Ltmp7, $4  }
0x1eb: {  	v20 =	vsel vm5, v24, v20;
	v34 =	vadd.s32 s25, v16;
	v28 =	vsel vm2, v26, v28  }
0x1ec: {  	v35 =	vadd.s32 s25, v17;
	v33 =	vadd.s32 s25, v18;
	v24 =	vor.u32 s23, v28;
	s23 =	smov.u32 s24;
	s24 =	smov.u32 s25;
	v26 =	vld.idx.msk [tilespmem:v37+s19+$0x0], $0xffff  }
0x1ed: {  	vm4 =	vgt.f32 v40, v38;
	v32 =	vadd.s32 s25, v19;
	vm2 =	vgt.f32 v21, v29;
	v28 =	vld.idx.msk [tilespmem:v39+s19+$0x0], $0xffff  }
0x1ee: {  	s25 =	sadd.s32 $0x8, s25;
	vm3 =	vgt.f32 v25, v23;
	v37 =	vsel vm4, v40, v38;
	vm1 =	vgt.f32 v31, v27;
	v30 =	vld.idx.msk [tilespmem:v41+s19+$0x0], $0xffff  }
0x1ef: {  	_ =	sdelay $0x3  }
0x1f0: {  	v36 =	vld.idx.msk [tilespmem:v36+s19+$0x0], $0xffff  }
0x1f1: {  	v23 =	vsel vm3, v25, v23;
	v25 =	vsel vm1, v31, v27;
	v27 =	vld.idx.msk [tilespmem:v34+s19+$0x0], $0xffff  }
0x1f2: {  	v21 =	vsel vm2, v21, v29;
	v29 =	vld.idx.msk [tilespmem:v35+s19+$0x0], $0xffff;
	v31 =	vsel vm4, $0x1, v8;
	vm0 =	vmmov vm0  }
0x1f3: {  	v52 =	vsel vm2, $0x3, v9;
	v32 =	vld.idx.msk [tilespmem:v32+s19+$0x0], $0xffff;
	vm5 =	vgt.f32 v21, v37;
	vm6 =	vgt.f32 v25, v23  }
0x1f4: {  	v53 =	vsel vm3, $0x5, v10;
	v21 =	vsel vm5, v21, v37;
	v23 =	vsel vm6, v25, v23;
	v25 =	vld.idx.msk [tilespmem:v33+s19+$0x0], $0xffff  }
0x1f5: {  	v54 =	vsel vm1, $0x7, v11;
	v20 =	vsel vm0, v24, v20;
	vm2 =	vgt.f32 v23, v21  }
0x1f6: {  	vm0 =	vgt.f32 v28, v26;
	v21 =	vsel vm2, v23, v21;
	v23 =	vsel vm5, v52, v31  }
0x1f7: {  	v31 =	vsel vm6, v54, v53;
	vm1 =	vgt.f32 v21, v22;
	vm3 =	vgt.f32 v29, v27  }
0x1f8: {  	v21 =	vsel vm1, v21, v22;
	v22 =	vsel vm2, v31, v23;
	vm2 =	vgt.f32 v36, v30  }
0x1f9: {  	v23 =	vsel vm0, v28, v26;
	v26 =	vsel vm3, v29, v27;
	vm4 =	vgt.f32 v32, v25  }
0x1fa: {  	v27 =	vsel vm0, $0x1, v8;
	v24 =	vsel vm2, v36, v30;
	v25 =	vsel vm4, v32, v25  }
0x1fb: {  	v22 =	vor.u32 s23, v22;
	vm0 =	vgt.f32 v24, v23;
	vm5 =	vgt.f32 v25, v26  }
0x1fc: {  	v28 =	vsel vm2, $0x3, v9;
	v23 =	vsel vm0, v24, v23;
	v24 =	vsel vm5, v25, v26  }
0x1fd: {  	v25 =	vsel vm3, $0x5, v10;
	v26 =	vsel vm4, $0x7, v11;
	vm2 =	vgt.f32 v24, v23  }
0x1fe: {  	v25 =	vsel vm5, v26, v25;
	v23 =	vsel vm2, v24, v23;
	v24 =	vsel vm0, v28, v27  }
0x1ff: {  	vm0 =	vmmov vm1;
	vm1 =	vgt.f32 v23, v21;
	v21 =	vsel vm2, v25, v24  }
0x200: {  	v20 =	vsel vm0, v22, v20;
	v21 =	vor.u32 s24, v21;
	vm0 =	vmmov vm1  }
0x201: {  	v20 =	vsel vm0, v21, v20;
	_ =	sdelay $0x3  }
0x202: {  	v21 =	vld [tilespmem:$0xFE58]  }
0x203: {  	v20 =	vld.idx.msk [tilespmem:v20+s15+$0x0], $0xffff;
	_ =	sdelay $0x4  }
0x204: {  	v20 =	vsub.f32 v20, v21;
	_ =	sdelay $0x1  }
0x205: {  	v20 =	vmax.f32 v20, $0.0e+00  }
0x206: {  	v20 =	vmul.f32 v20, v20  }
0x207: {  	s25 =	simm.s32 $0x0  }
0x208: {  	[tilespmem:$0xFF58] =	vst v20;
	v20 =	vadd.s32 s25, v0  }
0x209: {  	v21 =	vadd.s32 s25, v1;
	_ =	swait.ge [sflag:s18], $0x7D00  }
0x20a: {  	v22 =	vadd.s32 s25, v2;
	[sflag:s18] =	ssyncset.done $0x0  }
0x20b: {  	v23 =	vadd.s32 s25, v3;
	[sflag:s18] =	ssyncadd.s32 $0xFFFF8300  }
0x20c: {  	v24 =	vadd.s32 s25, v4;
	[tilespmem:s19], [sflag:$0x2] =	stream.linear.gather [hbm4b:s9+s25], $0x7D00, $0x38;
	[tilespmem:$0xFFE8] =	vst v63  }
0x20d: {  	v26 =	vadd.s32 s25, v6;
	v25 =	vld.idx.msk [tilespmem:v20+s3+$0x0], $0xffff  }
0x20e: {  	v27 =	vadd.s32 s25, v7;
	v21 =	vld.idx.msk [tilespmem:v21+s3+$0x0], $0xffff  }
0x20f: {  	s23 =	simm.s32 $0x8;
	v20 =	vadd.s32 s25, v5;
	v22 =	vld.idx.msk [tilespmem:v22+s3+$0x0], $0xffff  }
0x210: {  	v29 =	vadd.s32 s23, v0;
	v23 =	vld.idx.msk [tilespmem:v23+s3+$0x0], $0xffff  }
0x211: {  	v30 =	vadd.s32 s23, v1;
	v24 =	vld.idx.msk [tilespmem:v24+s3+$0x0], $0xffff  }
0x212: {  	v31 =	vadd.s32 s23, v2;
	v26 =	vld.idx.msk [tilespmem:v26+s3+$0x0], $0xffff  }
0x213: {  	v55 =	vimm.f32 $-Inf;
	v38 =	vadd.s32 s23, v7;
	v27 =	vld.idx.msk [tilespmem:v27+s3+$0x0], $0xffff  }
0x214: {  	v56 =	vadd.s32 s23, v3;
	v57 =	vadd.s32 s23, v4;
	v58 =	vadd.s32 s23, v5;
	s24 =	simm.s32 $0x10;
	v28 =	vld.idx.msk [tilespmem:v20+s3+$0x0], $0xffff  }
0x215: {  	v60 =	vadd.s32 s23, v6;
	v40 =	vadd.s32 s24, v1;
	v63 =	vadd.s32 s24, v2;
	v59 =	vld.idx.msk [tilespmem:v29+s3+$0x0], $0xffff  }
0x216: {  	v36 =	vadd.s32 s24, v3;
	v34 =	vadd.s32 s24, v4;
	v35 =	vadd.s32 s24, v5;
	v39 =	vld.idx.msk [tilespmem:v30+s3+$0x0], $0xffff  }
0x217: {  	v33 =	vadd.s32 s24, v6;
	v32 =	vadd.s32 s24, v7;
	v29 =	vld.idx.msk [tilespmem:v31+s3+$0x0], $0xffff;
	v20 =	vimm.s32 $0x0  }
0x218: {  	v31 =	vld.idx.msk [tilespmem:v38+s3+$0x0], $0xffff;
	vm0 =	vgt.f32 v21, v25;
	vm1 =	vgt.f32 v23, v22;
	vm3 =	vgt.f32 v27, v26  }
0x219: {  	v25 =	vsel vm0, v21, v25;
	v22 =	vsel vm1, v23, v22;
	v21 =	vld.idx.msk [tilespmem:v56+s3+$0x0], $0xffff;
	vm2 =	vgt.f32 v28, v24  }
0x21a: {  	v26 =	vsel vm3, v27, v26;
	v23 =	vld.idx.msk [tilespmem:v57+s3+$0x0], $0xffff;
	v30 =	vsel vm1, $0x3, v9;
	v24 =	vsel vm2, v28, v24  }
0x21b: {  	v27 =	vld.idx.msk [tilespmem:v60+s3+$0x0], $0xffff;
	v28 =	vsel vm0, $0x1, v8;
	vm0 =	vgt.f32 v22, v25;
	vm4 =	vgt.f32 v26, v24  }
0x21c: {  	v22 =	vsel vm0, v22, v25;
	v25 =	vld.idx.msk [tilespmem:v58+s3+$0x0], $0xffff;
	v24 =	vsel vm4, v26, v24;
	v26 =	vadd.s32 s24, v0  }
0x21d: {  	v62 =	vsel vm3, $0x7, v11;
	v61 =	vsel vm2, $0x5, v10;
	vm1 =	vgt.f32 v24, v22  }
0x21e: {  	vm2 =	vgt.f32 v21, v29;
	v22 =	vsel vm1, v24, v22;
	v24 =	vsel vm0, v30, v28  }
0x21f: {  	v28 =	vsel vm4, v62, v61;
	vm4 =	vgt.f32 v39, v59;
	v30 =	vld.idx.msk [tilespmem:v63+s3+$0x0], $0xffff;
	vm0 =	vgt.f32 v22, v55  }
0x220: {  	v24 =	vsel vm1, v28, v24;
	v28 =	vld.idx.msk [tilespmem:v40+s3+$0x0], $0xffff;
	v37 =	vsel vm4, v39, v59;
	vm1 =	vgt.f32 v31, v27  }
0x221: {  	v22 =	vsel vm0, v22, v55;
	v24 =	vor.u32 s25, v24;
	s25 =	simm.s32 $0x18;
	vm3 =	vgt.f32 v25, v23;
	v26 =	vld.idx.msk [tilespmem:v26+s3+$0x0], $0xffff  }
.LBB2_18:
0x222: {  	v29 =	vsel vm2, v21, v29  }
0x223: {  	p0 =	sne.s32 s25, $0x3E0;
	v21 =	vld.idx.msk [tilespmem:v36+s3+$0x0], $0xffff;
	v36 =	vsel vm3, v25, v23;
	v27 =	vsel vm1, v31, v27;
	vm5 =	vmmov vm0  }
0x224: {  	v23 =	vld.idx.msk [tilespmem:v34+s3+$0x0], $0xffff;
	v34 =	vsel vm4, $0x1, v8;
	vm0 =	vgt.f32 v29, v37;
	vm4 =	vgt.f32 v27, v36  }
0x225: {  	v25 =	vld.idx.msk [tilespmem:v35+s3+$0x0], $0xffff;
	v35 =	vsel vm2, $0x3, v9;
	v29 =	vsel vm0, v29, v37;
	v36 =	vsel vm4, v27, v36  }
0x226: {  	v37 =	vadd.s32 s25, v0;
	v38 =	vmovc v26;
	v27 =	vld.idx.msk [tilespmem:v33+s3+$0x0], $0xffff;
	v33 =	vsel vm3, $0x5, v10;
	vm2 =	vgt.f32 v36, v29  }
0x227: {  	v39 =	vadd.s32 s25, v1;
	v26 =	vsel vm1, $0x7, v11;
	v40 =	vmovc v28;
	v31 =	vld.idx.msk [tilespmem:v32+s3+$0x0], $0xffff;
	v32 =	vsel vm2, v36, v29  }
0x228: {  	v41 =	vadd.s32 s25, v2;
	v28 =	vsel vm0, v35, v34;
	vm0 =	vgt.f32 v32, v22;
	v29 =	vmovc v30  }
.Ltmp8:
0x229: {  	v36 =	vadd.s32 s25, v3;
	v26 =	vsel vm4, v26, v33;
	v22 =	vsel vm0, v32, v22;
	(pc) =	sbr.rel @p0 .LBB2_18-.Ltmp8, $4  }
0x22a: {  	v20 =	vsel vm5, v24, v20;
	v34 =	vadd.s32 s25, v4;
	v28 =	vsel vm2, v26, v28  }
0x22b: {  	v35 =	vadd.s32 s25, v5;
	v33 =	vadd.s32 s25, v6;
	v24 =	vor.u32 s23, v28;
	s23 =	smov.u32 s24;
	s24 =	smov.u32 s25;
	v26 =	vld.idx.msk [tilespmem:v37+s3+$0x0], $0xffff  }
0x22c: {  	vm4 =	vgt.f32 v40, v38;
	v32 =	vadd.s32 s25, v7;
	vm2 =	vgt.f32 v21, v29;
	v28 =	vld.idx.msk [tilespmem:v39+s3+$0x0], $0xffff  }
0x22d: {  	s25 =	sadd.s32 $0x8, s25;
	vm3 =	vgt.f32 v25, v23;
	v37 =	vsel vm4, v40, v38;
	vm1 =	vgt.f32 v31, v27;
	v30 =	vld.idx.msk [tilespmem:v41+s3+$0x0], $0xffff  }
0x22e: {  	_ =	sdelay $0x3  }
0x22f: {  	v36 =	vld.idx.msk [tilespmem:v36+s3+$0x0], $0xffff  }
0x230: {  	v23 =	vsel vm3, v25, v23;
	v25 =	vsel vm1, v31, v27;
	v27 =	vld.idx.msk [tilespmem:v34+s3+$0x0], $0xffff  }
0x231: {  	v21 =	vsel vm2, v21, v29;
	v29 =	vld.idx.msk [tilespmem:v35+s3+$0x0], $0xffff;
	v31 =	vsel vm4, $0x1, v8;
	vm0 =	vmmov vm0  }
0x232: {  	v52 =	vsel vm2, $0x3, v9;
	v32 =	vld.idx.msk [tilespmem:v32+s3+$0x0], $0xffff;
	vm5 =	vgt.f32 v21, v37;
	vm6 =	vgt.f32 v25, v23  }
0x233: {  	v53 =	vsel vm3, $0x5, v10;
	v21 =	vsel vm5, v21, v37;
	v23 =	vsel vm6, v25, v23;
	v25 =	vld.idx.msk [tilespmem:v33+s3+$0x0], $0xffff  }
0x234: {  	v54 =	vsel vm1, $0x7, v11;
	v20 =	vsel vm0, v24, v20;
	vm2 =	vgt.f32 v23, v21  }
0x235: {  	vm0 =	vgt.f32 v28, v26;
	v21 =	vsel vm2, v23, v21;
	v23 =	vsel vm5, v52, v31  }
0x236: {  	v31 =	vsel vm6, v54, v53;
	vm1 =	vgt.f32 v21, v22;
	vm3 =	vgt.f32 v29, v27  }
0x237: {  	v21 =	vsel vm1, v21, v22;
	v22 =	vsel vm2, v31, v23;
	vm2 =	vgt.f32 v36, v30  }
0x238: {  	v23 =	vsel vm0, v28, v26;
	v26 =	vsel vm3, v29, v27;
	vm4 =	vgt.f32 v32, v25  }
0x239: {  	v27 =	vsel vm0, $0x1, v8;
	v24 =	vsel vm2, v36, v30;
	v25 =	vsel vm4, v32, v25  }
0x23a: {  	v22 =	vor.u32 s23, v22;
	vm0 =	vgt.f32 v24, v23;
	vm5 =	vgt.f32 v25, v26  }
0x23b: {  	v28 =	vsel vm2, $0x3, v9;
	v23 =	vsel vm0, v24, v23;
	v24 =	vsel vm5, v25, v26  }
0x23c: {  	v25 =	vsel vm3, $0x5, v10;
	v26 =	vsel vm4, $0x7, v11;
	vm2 =	vgt.f32 v24, v23  }
0x23d: {  	v25 =	vsel vm5, v26, v25;
	v23 =	vsel vm2, v24, v23;
	v24 =	vsel vm0, v28, v27  }
0x23e: {  	vm0 =	vmmov vm1;
	vm1 =	vgt.f32 v23, v21;
	v21 =	vsel vm2, v25, v24  }
0x23f: {  	v20 =	vsel vm0, v22, v20;
	v21 =	vor.u32 s24, v21;
	vm0 =	vmmov vm1  }
0x240: {  	v20 =	vsel vm0, v21, v20;
	_ =	sdelay $0x3  }
0x241: {  	v21 =	vld [tilespmem:$0xFE68]  }
0x242: {  	v20 =	vld.idx.msk [tilespmem:v20+s15+$0x0], $0xffff;
	_ =	sdelay $0x4  }
0x243: {  	s25 =	simm.s32 $0x0;
	v20 =	vsub.f32 v20, v21  }
0x244: {  	v21 =	vadd.s32 s25, v12  }
0x245: {  	v22 =	vadd.s32 s25, v13;
	v20 =	vmax.f32 v20, $0.0e+00  }
0x246: {  	v23 =	vadd.s32 s25, v14;
	v20 =	vmul.f32 v20, v20  }
0x247: {  	v24 =	vadd.s32 s25, v15  }
0x248: {  	v25 =	vadd.s32 s25, v17;
	[tilespmem:$0xFF68] =	vst v20  }
0x249: {  	v26 =	vadd.s32 s25, v18;
	v21 =	vld.idx.msk [tilespmem:v21+s3+$0x0], $0xffff  }
0x24a: {  	v27 =	vadd.s32 s25, v19;
	v22 =	vld.idx.msk [tilespmem:v22+s3+$0x0], $0xffff  }
0x24b: {  	s23 =	simm.s32 $0x8;
	v20 =	vadd.s32 s25, v16;
	v23 =	vld.idx.msk [tilespmem:v23+s3+$0x0], $0xffff  }
0x24c: {  	v29 =	vadd.s32 s23, v12;
	v24 =	vld.idx.msk [tilespmem:v24+s3+$0x0], $0xffff  }
0x24d: {  	v30 =	vadd.s32 s23, v13;
	v25 =	vld.idx.msk [tilespmem:v25+s3+$0x0], $0xffff  }
0x24e: {  	v31 =	vadd.s32 s23, v14;
	v26 =	vld.idx.msk [tilespmem:v26+s3+$0x0], $0xffff  }
0x24f: {  	v55 =	vimm.f32 $-Inf;
	v56 =	vadd.s32 s23, v15;
	v27 =	vld.idx.msk [tilespmem:v27+s3+$0x0], $0xffff  }
0x250: {  	v57 =	vadd.s32 s23, v16;
	v58 =	vadd.s32 s23, v17;
	v38 =	vadd.s32 s23, v19;
	s24 =	simm.s32 $0x10;
	v28 =	vld.idx.msk [tilespmem:v20+s3+$0x0], $0xffff  }
0x251: {  	v60 =	vadd.s32 s23, v18;
	v40 =	vadd.s32 s24, v13;
	v63 =	vadd.s32 s24, v14;
	v59 =	vld.idx.msk [tilespmem:v29+s3+$0x0], $0xffff  }
0x252: {  	v36 =	vadd.s32 s24, v15;
	v34 =	vadd.s32 s24, v16;
	v35 =	vadd.s32 s24, v17;
	v39 =	vld.idx.msk [tilespmem:v30+s3+$0x0], $0xffff  }
0x253: {  	v33 =	vadd.s32 s24, v18;
	v32 =	vadd.s32 s24, v19;
	v29 =	vld.idx.msk [tilespmem:v31+s3+$0x0], $0xffff;
	vm0 =	vgt.f32 v22, v21  }
0x254: {  	v20 =	vimm.s32 $0x0;
	vm1 =	vgt.f32 v24, v23;
	v22 =	vsel vm0, v22, v21;
	v21 =	vld.idx.msk [tilespmem:v56+s3+$0x0], $0xffff  }
0x255: {  	v31 =	vld.idx.msk [tilespmem:v38+s3+$0x0], $0xffff;
	vm3 =	vgt.f32 v27, v26;
	v24 =	vsel vm1, v24, v23;
	vm2 =	vgt.f32 v25, v28  }
0x256: {  	v26 =	vsel vm3, v27, v26;
	v30 =	vsel vm0, $0x1, v8;
	v23 =	vld.idx.msk [tilespmem:v57+s3+$0x0], $0xffff;
	v28 =	vsel vm2, v25, v28  }
0x257: {  	v61 =	vsel vm1, $0x3, v9;
	vm0 =	vgt.f32 v24, v22;
	v25 =	vld.idx.msk [tilespmem:v58+s3+$0x0], $0xffff;
	vm4 =	vgt.f32 v26, v28  }
0x258: {  	v27 =	vld.idx.msk [tilespmem:v60+s3+$0x0], $0xffff;
	v22 =	vsel vm0, v24, v22;
	v24 =	vsel vm4, v26, v28;
	v26 =	vadd.s32 s24, v12  }
0x259: {  	v62 =	vsel vm3, $0x7, v11;
	v28 =	vsel vm2, $0x5, v10;
	vm2 =	vgt.f32 v21, v29  }
0x25a: {  	vm1 =	vgt.f32 v24, v22;
	v28 =	vsel vm4, v62, v28;
	vm4 =	vgt.f32 v39, v59  }
0x25b: {  	v22 =	vsel vm1, v24, v22;
	v24 =	vsel vm0, v61, v30;
	v30 =	vld.idx.msk [tilespmem:v63+s3+$0x0], $0xffff;
	v37 =	vsel vm4, v39, v59  }
0x25c: {  	vm0 =	vgt.f32 v22, v55;
	v24 =	vsel vm1, v28, v24;
	v28 =	vld.idx.msk [tilespmem:v40+s3+$0x0], $0xffff;
	vm3 =	vgt.f32 v25, v23  }
0x25d: {  	vm1 =	vgt.f32 v31, v27;
	v22 =	vsel vm0, v22, v55;
	v24 =	vor.u32 s25, v24;
	s25 =	simm.s32 $0x18;
	v26 =	vld.idx.msk [tilespmem:v26+s3+$0x0], $0xffff  }
.LBB2_20:
0x25e: {  	v29 =	vsel vm2, v21, v29  }
0x25f: {  	p0 =	sne.s32 s25, $0x3E0;
	v21 =	vld.idx.msk [tilespmem:v36+s3+$0x0], $0xffff;
	v36 =	vsel vm3, v25, v23;
	v27 =	vsel vm1, v31, v27;
	vm5 =	vmmov vm0  }
0x260: {  	v23 =	vld.idx.msk [tilespmem:v34+s3+$0x0], $0xffff;
	v34 =	vsel vm4, $0x1, v8;
	vm0 =	vgt.f32 v29, v37;
	vm4 =	vgt.f32 v27, v36  }
0x261: {  	v25 =	vld.idx.msk [tilespmem:v35+s3+$0x0], $0xffff;
	v35 =	vsel vm2, $0x3, v9;
	v29 =	vsel vm0, v29, v37;
	v36 =	vsel vm4, v27, v36  }
0x262: {  	v37 =	vadd.s32 s25, v12;
	v38 =	vmovc v26;
	v27 =	vld.idx.msk [tilespmem:v33+s3+$0x0], $0xffff;
	v33 =	vsel vm3, $0x5, v10;
	vm2 =	vgt.f32 v36, v29  }
0x263: {  	v39 =	vadd.s32 s25, v13;
	v26 =	vsel vm1, $0x7, v11;
	v40 =	vmovc v28;
	v31 =	vld.idx.msk [tilespmem:v32+s3+$0x0], $0xffff;
	v32 =	vsel vm2, v36, v29  }
0x264: {  	v41 =	vadd.s32 s25, v14;
	v28 =	vsel vm0, v35, v34;
	vm0 =	vgt.f32 v32, v22;
	v29 =	vmovc v30  }
.Ltmp9:
0x265: {  	v36 =	vadd.s32 s25, v15;
	v26 =	vsel vm4, v26, v33;
	v22 =	vsel vm0, v32, v22;
	(pc) =	sbr.rel @p0 .LBB2_20-.Ltmp9, $4  }
0x266: {  	v20 =	vsel vm5, v24, v20;
	v34 =	vadd.s32 s25, v16;
	v28 =	vsel vm2, v26, v28  }
0x267: {  	v35 =	vadd.s32 s25, v17;
	v33 =	vadd.s32 s25, v18;
	v24 =	vor.u32 s23, v28;
	s23 =	smov.u32 s24;
	s24 =	smov.u32 s25;
	v26 =	vld.idx.msk [tilespmem:v37+s3+$0x0], $0xffff  }
0x268: {  	vm4 =	vgt.f32 v40, v38;
	v32 =	vadd.s32 s25, v19;
	vm2 =	vgt.f32 v21, v29;
	v28 =	vld.idx.msk [tilespmem:v39+s3+$0x0], $0xffff  }
0x269: {  	s25 =	sadd.s32 $0x8, s25;
	vm3 =	vgt.f32 v25, v23;
	v37 =	vsel vm4, v40, v38;
	vm1 =	vgt.f32 v31, v27;
	v30 =	vld.idx.msk [tilespmem:v41+s3+$0x0], $0xffff  }
0x26a: {  	_ =	sdelay $0x3  }
0x26b: {  	v36 =	vld.idx.msk [tilespmem:v36+s3+$0x0], $0xffff  }
0x26c: {  	v23 =	vsel vm3, v25, v23;
	v25 =	vsel vm1, v31, v27;
	v27 =	vld.idx.msk [tilespmem:v34+s3+$0x0], $0xffff  }
0x26d: {  	v21 =	vsel vm2, v21, v29;
	v29 =	vld.idx.msk [tilespmem:v35+s3+$0x0], $0xffff;
	v31 =	vsel vm4, $0x1, v8;
	vm0 =	vmmov vm0  }
0x26e: {  	v52 =	vsel vm2, $0x3, v9;
	v32 =	vld.idx.msk [tilespmem:v32+s3+$0x0], $0xffff;
	vm5 =	vgt.f32 v21, v37;
	vm6 =	vgt.f32 v25, v23  }
0x26f: {  	v53 =	vsel vm3, $0x5, v10;
	v21 =	vsel vm5, v21, v37;
	v23 =	vsel vm6, v25, v23;
	v25 =	vld.idx.msk [tilespmem:v33+s3+$0x0], $0xffff  }
0x270: {  	v54 =	vsel vm1, $0x7, v11;
	v20 =	vsel vm0, v24, v20;
	vm2 =	vgt.f32 v23, v21  }
0x271: {  	vm0 =	vgt.f32 v28, v26;
	v21 =	vsel vm2, v23, v21;
	v23 =	vsel vm5, v52, v31  }
0x272: {  	v31 =	vsel vm6, v54, v53;
	vm1 =	vgt.f32 v21, v22;
	vm3 =	vgt.f32 v29, v27  }
0x273: {  	v21 =	vsel vm1, v21, v22;
	v22 =	vsel vm2, v31, v23;
	vm2 =	vgt.f32 v36, v30  }
0x274: {  	v23 =	vsel vm0, v28, v26;
	v26 =	vsel vm3, v29, v27;
	vm4 =	vgt.f32 v32, v25  }
0x275: {  	v27 =	vsel vm0, $0x1, v8;
	v24 =	vsel vm2, v36, v30;
	v25 =	vsel vm4, v32, v25  }
0x276: {  	v22 =	vor.u32 s23, v22;
	vm0 =	vgt.f32 v24, v23;
	vm5 =	vgt.f32 v25, v26  }
0x277: {  	v28 =	vsel vm2, $0x3, v9;
	v23 =	vsel vm0, v24, v23;
	v24 =	vsel vm5, v25, v26  }
0x278: {  	v25 =	vsel vm3, $0x5, v10;
	v26 =	vsel vm4, $0x7, v11;
	vm2 =	vgt.f32 v24, v23  }
0x279: {  	v25 =	vsel vm5, v26, v25;
	v23 =	vsel vm2, v24, v23;
	v24 =	vsel vm0, v28, v27  }
0x27a: {  	vm0 =	vmmov vm1;
	vm1 =	vgt.f32 v23, v21;
	v21 =	vsel vm2, v25, v24  }
0x27b: {  	v20 =	vsel vm0, v22, v20;
	v21 =	vor.u32 s24, v21;
	vm0 =	vmmov vm1  }
0x27c: {  	v20 =	vsel vm0, v21, v20;
	_ =	sdelay $0x3  }
0x27d: {  	v21 =	vld [tilespmem:$0xFE78]  }
0x27e: {  	v20 =	vld.idx.msk [tilespmem:v20+s15+$0x0], $0xffff;
	_ =	sdelay $0x4  }
0x27f: {  	v20 =	vsub.f32 v20, v21;
	_ =	sdelay $0x1  }
0x280: {  	v20 =	vmax.f32 v20, $0.0e+00  }
0x281: {  	v20 =	vmul.f32 v20, v20  }
0x282: {  	s25 =	simm.s32 $0x0  }
0x283: {  	[tilespmem:$0xFF78] =	vst v20;
	v20 =	vadd.s32 s25, v0  }
0x284: {  	v21 =	vadd.s32 s25, v1;
	_ =	swait.ge [sflag:s20], $0x7D00  }
0x285: {  	v22 =	vadd.s32 s25, v2;
	[sflag:s20] =	ssyncset.done $0x0  }
0x286: {  	v23 =	vadd.s32 s25, v3;
	[sflag:s20] =	ssyncadd.s32 $0xFFFF8300  }
0x287: {  	v24 =	vadd.s32 s25, v4;
	[tilespmem:s25], [sflag:$0x1] =	stream.linear.gather [hbm4b:s10+s25], $0x7D00, $0x38;
	[tilespmem:$0xFFE8] =	vst v63  }
0x288: {  	v26 =	vadd.s32 s25, v6;
	v25 =	vld.idx.msk [tilespmem:v20+s19+$0x0], $0xffff  }
0x289: {  	v27 =	vadd.s32 s25, v7;
	v21 =	vld.idx.msk [tilespmem:v21+s19+$0x0], $0xffff  }
0x28a: {  	s23 =	simm.s32 $0x8;
	v20 =	vadd.s32 s25, v5;
	v22 =	vld.idx.msk [tilespmem:v22+s19+$0x0], $0xffff  }
0x28b: {  	v29 =	vadd.s32 s23, v0;
	v23 =	vld.idx.msk [tilespmem:v23+s19+$0x0], $0xffff  }
0x28c: {  	v30 =	vadd.s32 s23, v1;
	v24 =	vld.idx.msk [tilespmem:v24+s19+$0x0], $0xffff  }
0x28d: {  	v31 =	vadd.s32 s23, v2;
	v26 =	vld.idx.msk [tilespmem:v26+s19+$0x0], $0xffff  }
0x28e: {  	v55 =	vimm.f32 $-Inf;
	v38 =	vadd.s32 s23, v7;
	v27 =	vld.idx.msk [tilespmem:v27+s19+$0x0], $0xffff  }
0x28f: {  	v56 =	vadd.s32 s23, v3;
	v57 =	vadd.s32 s23, v4;
	v58 =	vadd.s32 s23, v5;
	s24 =	simm.s32 $0x10;
	v28 =	vld.idx.msk [tilespmem:v20+s19+$0x0], $0xffff  }
0x290: {  	v60 =	vadd.s32 s23, v6;
	v40 =	vadd.s32 s24, v1;
	v63 =	vadd.s32 s24, v2;
	v59 =	vld.idx.msk [tilespmem:v29+s19+$0x0], $0xffff  }
0x291: {  	v36 =	vadd.s32 s24, v3;
	v34 =	vadd.s32 s24, v4;
	v35 =	vadd.s32 s24, v5;
	v39 =	vld.idx.msk [tilespmem:v30+s19+$0x0], $0xffff  }
0x292: {  	v33 =	vadd.s32 s24, v6;
	v32 =	vadd.s32 s24, v7;
	v29 =	vld.idx.msk [tilespmem:v31+s19+$0x0], $0xffff;
	v20 =	vimm.s32 $0x0  }
0x293: {  	v31 =	vld.idx.msk [tilespmem:v38+s19+$0x0], $0xffff;
	vm0 =	vgt.f32 v21, v25;
	vm1 =	vgt.f32 v23, v22;
	vm3 =	vgt.f32 v27, v26  }
0x294: {  	v25 =	vsel vm0, v21, v25;
	v22 =	vsel vm1, v23, v22;
	v21 =	vld.idx.msk [tilespmem:v56+s19+$0x0], $0xffff;
	vm2 =	vgt.f32 v28, v24  }
0x295: {  	v26 =	vsel vm3, v27, v26;
	v23 =	vld.idx.msk [tilespmem:v57+s19+$0x0], $0xffff;
	v30 =	vsel vm1, $0x3, v9;
	v24 =	vsel vm2, v28, v24  }
0x296: {  	v27 =	vld.idx.msk [tilespmem:v60+s19+$0x0], $0xffff;
	v28 =	vsel vm0, $0x1, v8;
	vm0 =	vgt.f32 v22, v25;
	vm4 =	vgt.f32 v26, v24  }
0x297: {  	v22 =	vsel vm0, v22, v25;
	v25 =	vld.idx.msk [tilespmem:v58+s19+$0x0], $0xffff;
	v24 =	vsel vm4, v26, v24;
	v26 =	vadd.s32 s24, v0  }
0x298: {  	v62 =	vsel vm3, $0x7, v11;
	v61 =	vsel vm2, $0x5, v10;
	vm1 =	vgt.f32 v24, v22  }
0x299: {  	vm2 =	vgt.f32 v21, v29;
	v22 =	vsel vm1, v24, v22;
	v24 =	vsel vm0, v30, v28  }
0x29a: {  	v28 =	vsel vm4, v62, v61;
	vm4 =	vgt.f32 v39, v59;
	v30 =	vld.idx.msk [tilespmem:v63+s19+$0x0], $0xffff;
	vm0 =	vgt.f32 v22, v55  }
0x29b: {  	v24 =	vsel vm1, v28, v24;
	v28 =	vld.idx.msk [tilespmem:v40+s19+$0x0], $0xffff;
	v37 =	vsel vm4, v39, v59;
	vm1 =	vgt.f32 v31, v27  }
0x29c: {  	v22 =	vsel vm0, v22, v55;
	v24 =	vor.u32 s25, v24;
	s25 =	simm.s32 $0x18;
	vm3 =	vgt.f32 v25, v23;
	v26 =	vld.idx.msk [tilespmem:v26+s19+$0x0], $0xffff  }
.LBB2_22:
0x29d: {  	v29 =	vsel vm2, v21, v29  }
0x29e: {  	p0 =	sne.s32 s25, $0x3E0;
	v21 =	vld.idx.msk [tilespmem:v36+s19+$0x0], $0xffff;
	v36 =	vsel vm3, v25, v23;
	v27 =	vsel vm1, v31, v27;
	vm5 =	vmmov vm0  }
0x29f: {  	v23 =	vld.idx.msk [tilespmem:v34+s19+$0x0], $0xffff;
	v34 =	vsel vm4, $0x1, v8;
	vm0 =	vgt.f32 v29, v37;
	vm4 =	vgt.f32 v27, v36  }
0x2a0: {  	v25 =	vld.idx.msk [tilespmem:v35+s19+$0x0], $0xffff;
	v35 =	vsel vm2, $0x3, v9;
	v29 =	vsel vm0, v29, v37;
	v36 =	vsel vm4, v27, v36  }
0x2a1: {  	v37 =	vadd.s32 s25, v0;
	v38 =	vmovc v26;
	v27 =	vld.idx.msk [tilespmem:v33+s19+$0x0], $0xffff;
	v33 =	vsel vm3, $0x5, v10;
	vm2 =	vgt.f32 v36, v29  }
0x2a2: {  	v39 =	vadd.s32 s25, v1;
	v26 =	vsel vm1, $0x7, v11;
	v40 =	vmovc v28;
	v31 =	vld.idx.msk [tilespmem:v32+s19+$0x0], $0xffff;
	v32 =	vsel vm2, v36, v29  }
0x2a3: {  	v41 =	vadd.s32 s25, v2;
	v28 =	vsel vm0, v35, v34;
	vm0 =	vgt.f32 v32, v22;
	v29 =	vmovc v30  }
.Ltmp10:
0x2a4: {  	v36 =	vadd.s32 s25, v3;
	v26 =	vsel vm4, v26, v33;
	v22 =	vsel vm0, v32, v22;
	(pc) =	sbr.rel @p0 .LBB2_22-.Ltmp10, $4  }
0x2a5: {  	v20 =	vsel vm5, v24, v20;
	v34 =	vadd.s32 s25, v4;
	v28 =	vsel vm2, v26, v28  }
0x2a6: {  	v35 =	vadd.s32 s25, v5;
	v33 =	vadd.s32 s25, v6;
	v24 =	vor.u32 s23, v28;
	s23 =	smov.u32 s24;
	s24 =	smov.u32 s25;
	v26 =	vld.idx.msk [tilespmem:v37+s19+$0x0], $0xffff  }
0x2a7: {  	vm4 =	vgt.f32 v40, v38;
	v32 =	vadd.s32 s25, v7;
	vm2 =	vgt.f32 v21, v29;
	v28 =	vld.idx.msk [tilespmem:v39+s19+$0x0], $0xffff  }
0x2a8: {  	s25 =	sadd.s32 $0x8, s25;
	vm3 =	vgt.f32 v25, v23;
	v37 =	vsel vm4, v40, v38;
	vm1 =	vgt.f32 v31, v27;
	v30 =	vld.idx.msk [tilespmem:v41+s19+$0x0], $0xffff  }
0x2a9: {  	_ =	sdelay $0x3  }
0x2aa: {  	v36 =	vld.idx.msk [tilespmem:v36+s19+$0x0], $0xffff  }
0x2ab: {  	v23 =	vsel vm3, v25, v23;
	v25 =	vsel vm1, v31, v27;
	v27 =	vld.idx.msk [tilespmem:v34+s19+$0x0], $0xffff  }
0x2ac: {  	v21 =	vsel vm2, v21, v29;
	v29 =	vld.idx.msk [tilespmem:v35+s19+$0x0], $0xffff;
	v31 =	vsel vm4, $0x1, v8;
	vm0 =	vmmov vm0  }
0x2ad: {  	v52 =	vsel vm2, $0x3, v9;
	v32 =	vld.idx.msk [tilespmem:v32+s19+$0x0], $0xffff;
	vm5 =	vgt.f32 v21, v37;
	vm6 =	vgt.f32 v25, v23  }
0x2ae: {  	v53 =	vsel vm3, $0x5, v10;
	v21 =	vsel vm5, v21, v37;
	v23 =	vsel vm6, v25, v23;
	v25 =	vld.idx.msk [tilespmem:v33+s19+$0x0], $0xffff  }
0x2af: {  	v54 =	vsel vm1, $0x7, v11;
	v20 =	vsel vm0, v24, v20;
	vm2 =	vgt.f32 v23, v21  }
0x2b0: {  	vm0 =	vgt.f32 v28, v26;
	v21 =	vsel vm2, v23, v21;
	v23 =	vsel vm5, v52, v31  }
0x2b1: {  	v31 =	vsel vm6, v54, v53;
	vm1 =	vgt.f32 v21, v22;
	vm3 =	vgt.f32 v29, v27  }
0x2b2: {  	v21 =	vsel vm1, v21, v22;
	v22 =	vsel vm2, v31, v23;
	vm2 =	vgt.f32 v36, v30  }
0x2b3: {  	v23 =	vsel vm0, v28, v26;
	v26 =	vsel vm3, v29, v27;
	vm4 =	vgt.f32 v32, v25  }
0x2b4: {  	v27 =	vsel vm0, $0x1, v8;
	v24 =	vsel vm2, v36, v30;
	v25 =	vsel vm4, v32, v25  }
0x2b5: {  	v22 =	vor.u32 s23, v22;
	vm0 =	vgt.f32 v24, v23;
	vm5 =	vgt.f32 v25, v26  }
0x2b6: {  	v28 =	vsel vm2, $0x3, v9;
	v23 =	vsel vm0, v24, v23;
	v24 =	vsel vm5, v25, v26  }
0x2b7: {  	v25 =	vsel vm3, $0x5, v10;
	v26 =	vsel vm4, $0x7, v11;
	vm2 =	vgt.f32 v24, v23  }
0x2b8: {  	v25 =	vsel vm5, v26, v25;
	v23 =	vsel vm2, v24, v23;
	v24 =	vsel vm0, v28, v27  }
0x2b9: {  	vm0 =	vmmov vm1;
	vm1 =	vgt.f32 v23, v21;
	v21 =	vsel vm2, v25, v24  }
0x2ba: {  	v20 =	vsel vm0, v22, v20;
	v21 =	vor.u32 s24, v21;
	vm0 =	vmmov vm1  }
0x2bb: {  	v20 =	vsel vm0, v21, v20;
	_ =	sdelay $0x3  }
0x2bc: {  	v21 =	vld [tilespmem:$0xFE88]  }
0x2bd: {  	v20 =	vld.idx.msk [tilespmem:v20+s15+$0x0], $0xffff;
	_ =	sdelay $0x4  }
0x2be: {  	s25 =	simm.s32 $0x0;
	v20 =	vsub.f32 v20, v21  }
0x2bf: {  	v21 =	vadd.s32 s25, v12  }
0x2c0: {  	v22 =	vadd.s32 s25, v13;
	v20 =	vmax.f32 v20, $0.0e+00  }
0x2c1: {  	v23 =	vadd.s32 s25, v14;
	v20 =	vmul.f32 v20, v20  }
0x2c2: {  	v24 =	vadd.s32 s25, v15  }
0x2c3: {  	v25 =	vadd.s32 s25, v17;
	[tilespmem:$0xFF88] =	vst v20  }
0x2c4: {  	v26 =	vadd.s32 s25, v18;
	v21 =	vld.idx.msk [tilespmem:v21+s19+$0x0], $0xffff  }
0x2c5: {  	v27 =	vadd.s32 s25, v19;
	v22 =	vld.idx.msk [tilespmem:v22+s19+$0x0], $0xffff  }
0x2c6: {  	s23 =	simm.s32 $0x8;
	v20 =	vadd.s32 s25, v16;
	v23 =	vld.idx.msk [tilespmem:v23+s19+$0x0], $0xffff  }
0x2c7: {  	v29 =	vadd.s32 s23, v12;
	v24 =	vld.idx.msk [tilespmem:v24+s19+$0x0], $0xffff  }
0x2c8: {  	v30 =	vadd.s32 s23, v13;
	v25 =	vld.idx.msk [tilespmem:v25+s19+$0x0], $0xffff  }
0x2c9: {  	v31 =	vadd.s32 s23, v14;
	v26 =	vld.idx.msk [tilespmem:v26+s19+$0x0], $0xffff  }
0x2ca: {  	v55 =	vimm.f32 $-Inf;
	v56 =	vadd.s32 s23, v15;
	v27 =	vld.idx.msk [tilespmem:v27+s19+$0x0], $0xffff  }
0x2cb: {  	v57 =	vadd.s32 s23, v16;
	v58 =	vadd.s32 s23, v17;
	v38 =	vadd.s32 s23, v19;
	s24 =	simm.s32 $0x10;
	v28 =	vld.idx.msk [tilespmem:v20+s19+$0x0], $0xffff  }
0x2cc: {  	v60 =	vadd.s32 s23, v18;
	v40 =	vadd.s32 s24, v13;
	v63 =	vadd.s32 s24, v14;
	v59 =	vld.idx.msk [tilespmem:v29+s19+$0x0], $0xffff  }
0x2cd: {  	v36 =	vadd.s32 s24, v15;
	v34 =	vadd.s32 s24, v16;
	v35 =	vadd.s32 s24, v17;
	v39 =	vld.idx.msk [tilespmem:v30+s19+$0x0], $0xffff  }
0x2ce: {  	v33 =	vadd.s32 s24, v18;
	v32 =	vadd.s32 s24, v19;
	v29 =	vld.idx.msk [tilespmem:v31+s19+$0x0], $0xffff;
	vm0 =	vgt.f32 v22, v21  }
0x2cf: {  	v20 =	vimm.s32 $0x0;
	vm1 =	vgt.f32 v24, v23;
	v22 =	vsel vm0, v22, v21;
	v21 =	vld.idx.msk [tilespmem:v56+s19+$0x0], $0xffff  }
0x2d0: {  	v31 =	vld.idx.msk [tilespmem:v38+s19+$0x0], $0xffff;
	vm3 =	vgt.f32 v27, v26;
	v24 =	vsel vm1, v24, v23;
	vm2 =	vgt.f32 v25, v28  }
0x2d1: {  	v26 =	vsel vm3, v27, v26;
	v30 =	vsel vm0, $0x1, v8;
	v23 =	vld.idx.msk [tilespmem:v57+s19+$0x0], $0xffff;
	v28 =	vsel vm2, v25, v28  }
0x2d2: {  	v61 =	vsel vm1, $0x3, v9;
	vm0 =	vgt.f32 v24, v22;
	v25 =	vld.idx.msk [tilespmem:v58+s19+$0x0], $0xffff;
	vm4 =	vgt.f32 v26, v28  }
0x2d3: {  	v27 =	vld.idx.msk [tilespmem:v60+s19+$0x0], $0xffff;
	v22 =	vsel vm0, v24, v22;
	v24 =	vsel vm4, v26, v28;
	v26 =	vadd.s32 s24, v12  }
0x2d4: {  	v62 =	vsel vm3, $0x7, v11;
	v28 =	vsel vm2, $0x5, v10;
	vm2 =	vgt.f32 v21, v29  }
0x2d5: {  	vm1 =	vgt.f32 v24, v22;
	v28 =	vsel vm4, v62, v28;
	vm4 =	vgt.f32 v39, v59  }
0x2d6: {  	v22 =	vsel vm1, v24, v22;
	v24 =	vsel vm0, v61, v30;
	v30 =	vld.idx.msk [tilespmem:v63+s19+$0x0], $0xffff;
	v37 =	vsel vm4, v39, v59  }
0x2d7: {  	vm0 =	vgt.f32 v22, v55;
	v24 =	vsel vm1, v28, v24;
	v28 =	vld.idx.msk [tilespmem:v40+s19+$0x0], $0xffff;
	vm3 =	vgt.f32 v25, v23  }
0x2d8: {  	vm1 =	vgt.f32 v31, v27;
	v22 =	vsel vm0, v22, v55;
	v24 =	vor.u32 s25, v24;
	s25 =	simm.s32 $0x18;
	v26 =	vld.idx.msk [tilespmem:v26+s19+$0x0], $0xffff  }
.LBB2_24:
0x2d9: {  	v29 =	vsel vm2, v21, v29  }
0x2da: {  	p0 =	sne.s32 s25, $0x3E0;
	v21 =	vld.idx.msk [tilespmem:v36+s19+$0x0], $0xffff;
	v36 =	vsel vm3, v25, v23;
	v27 =	vsel vm1, v31, v27;
	vm5 =	vmmov vm0  }
0x2db: {  	v23 =	vld.idx.msk [tilespmem:v34+s19+$0x0], $0xffff;
	v34 =	vsel vm4, $0x1, v8;
	vm0 =	vgt.f32 v29, v37;
	vm4 =	vgt.f32 v27, v36  }
0x2dc: {  	v25 =	vld.idx.msk [tilespmem:v35+s19+$0x0], $0xffff;
	v35 =	vsel vm2, $0x3, v9;
	v29 =	vsel vm0, v29, v37;
	v36 =	vsel vm4, v27, v36  }
0x2dd: {  	v37 =	vadd.s32 s25, v12;
	v38 =	vmovc v26;
	v27 =	vld.idx.msk [tilespmem:v33+s19+$0x0], $0xffff;
	v33 =	vsel vm3, $0x5, v10;
	vm2 =	vgt.f32 v36, v29  }
0x2de: {  	v39 =	vadd.s32 s25, v13;
	v26 =	vsel vm1, $0x7, v11;
	v40 =	vmovc v28;
	v31 =	vld.idx.msk [tilespmem:v32+s19+$0x0], $0xffff;
	v32 =	vsel vm2, v36, v29  }
0x2df: {  	v41 =	vadd.s32 s25, v14;
	v28 =	vsel vm0, v35, v34;
	vm0 =	vgt.f32 v32, v22;
	v29 =	vmovc v30  }
.Ltmp11:
0x2e0: {  	v36 =	vadd.s32 s25, v15;
	v26 =	vsel vm4, v26, v33;
	v22 =	vsel vm0, v32, v22;
	(pc) =	sbr.rel @p0 .LBB2_24-.Ltmp11, $4  }
0x2e1: {  	v20 =	vsel vm5, v24, v20;
	v34 =	vadd.s32 s25, v16;
	v28 =	vsel vm2, v26, v28  }
0x2e2: {  	v35 =	vadd.s32 s25, v17;
	v33 =	vadd.s32 s25, v18;
	v24 =	vor.u32 s23, v28;
	s23 =	smov.u32 s24;
	s24 =	smov.u32 s25;
	v26 =	vld.idx.msk [tilespmem:v37+s19+$0x0], $0xffff  }
0x2e3: {  	vm4 =	vgt.f32 v40, v38;
	v32 =	vadd.s32 s25, v19;
	vm2 =	vgt.f32 v21, v29;
	v28 =	vld.idx.msk [tilespmem:v39+s19+$0x0], $0xffff  }
0x2e4: {  	s25 =	sadd.s32 $0x8, s25;
	vm3 =	vgt.f32 v25, v23;
	v37 =	vsel vm4, v40, v38;
	vm1 =	vgt.f32 v31, v27;
	v30 =	vld.idx.msk [tilespmem:v41+s19+$0x0], $0xffff  }
0x2e5: {  	_ =	sdelay $0x3  }
0x2e6: {  	v36 =	vld.idx.msk [tilespmem:v36+s19+$0x0], $0xffff  }
0x2e7: {  	v23 =	vsel vm3, v25, v23;
	v25 =	vsel vm1, v31, v27;
	v27 =	vld.idx.msk [tilespmem:v34+s19+$0x0], $0xffff  }
0x2e8: {  	v21 =	vsel vm2, v21, v29;
	v29 =	vld.idx.msk [tilespmem:v35+s19+$0x0], $0xffff;
	v31 =	vsel vm4, $0x1, v8;
	vm0 =	vmmov vm0  }
0x2e9: {  	v52 =	vsel vm2, $0x3, v9;
	v32 =	vld.idx.msk [tilespmem:v32+s19+$0x0], $0xffff;
	vm5 =	vgt.f32 v21, v37;
	vm6 =	vgt.f32 v25, v23  }
0x2ea: {  	v53 =	vsel vm3, $0x5, v10;
	v21 =	vsel vm5, v21, v37;
	v23 =	vsel vm6, v25, v23;
	v25 =	vld.idx.msk [tilespmem:v33+s19+$0x0], $0xffff  }
0x2eb: {  	v54 =	vsel vm1, $0x7, v11;
	v20 =	vsel vm0, v24, v20;
	vm2 =	vgt.f32 v23, v21  }
0x2ec: {  	vm0 =	vgt.f32 v28, v26;
	v21 =	vsel vm2, v23, v21;
	v23 =	vsel vm5, v52, v31  }
0x2ed: {  	v31 =	vsel vm6, v54, v53;
	vm1 =	vgt.f32 v21, v22;
	vm3 =	vgt.f32 v29, v27  }
0x2ee: {  	v21 =	vsel vm1, v21, v22;
	v22 =	vsel vm2, v31, v23;
	vm2 =	vgt.f32 v36, v30  }
0x2ef: {  	v23 =	vsel vm0, v28, v26;
	v26 =	vsel vm3, v29, v27;
	vm4 =	vgt.f32 v32, v25  }
0x2f0: {  	v27 =	vsel vm0, $0x1, v8;
	v24 =	vsel vm2, v36, v30;
	v25 =	vsel vm4, v32, v25  }
0x2f1: {  	v22 =	vor.u32 s23, v22;
	vm0 =	vgt.f32 v24, v23;
	vm5 =	vgt.f32 v25, v26  }
0x2f2: {  	v28 =	vsel vm2, $0x3, v9;
	v23 =	vsel vm0, v24, v23;
	v24 =	vsel vm5, v25, v26  }
0x2f3: {  	v25 =	vsel vm3, $0x5, v10;
	v26 =	vsel vm4, $0x7, v11;
	vm2 =	vgt.f32 v24, v23  }
0x2f4: {  	v25 =	vsel vm5, v26, v25;
	v23 =	vsel vm2, v24, v23;
	v24 =	vsel vm0, v28, v27  }
0x2f5: {  	vm0 =	vmmov vm1;
	vm1 =	vgt.f32 v23, v21;
	v21 =	vsel vm2, v25, v24  }
0x2f6: {  	v20 =	vsel vm0, v22, v20;
	v21 =	vor.u32 s24, v21;
	vm0 =	vmmov vm1  }
0x2f7: {  	v20 =	vsel vm0, v21, v20;
	_ =	sdelay $0x3  }
0x2f8: {  	v21 =	vld [tilespmem:$0xFE98]  }
0x2f9: {  	v20 =	vld.idx.msk [tilespmem:v20+s15+$0x0], $0xffff;
	_ =	sdelay $0x4  }
0x2fa: {  	v20 =	vsub.f32 v20, v21;
	_ =	sdelay $0x1  }
0x2fb: {  	v20 =	vmax.f32 v20, $0.0e+00  }
0x2fc: {  	v20 =	vmul.f32 v20, v20  }
0x2fd: {  	s25 =	simm.s32 $0x0  }
0x2fe: {  	[tilespmem:$0xFF98] =	vst v20;
	v20 =	vadd.s32 s25, v0  }
0x2ff: {  	v21 =	vadd.s32 s25, v1;
	_ =	swait.ge [sflag:s18], $0x7D00  }
0x300: {  	v22 =	vadd.s32 s25, v2;
	[sflag:s18] =	ssyncset.done $0x0  }
0x301: {  	v23 =	vadd.s32 s25, v3;
	[sflag:s18] =	ssyncadd.s32 $0xFFFF8300  }
0x302: {  	v24 =	vadd.s32 s25, v4;
	[tilespmem:s19], [sflag:$0x2] =	stream.linear.gather [hbm4b:s12+s25], $0x7D00, $0x38;
	[tilespmem:$0xFFE8] =	vst v63  }
0x303: {  	v26 =	vadd.s32 s25, v6;
	v25 =	vld.idx.msk [tilespmem:v20+s3+$0x0], $0xffff  }
0x304: {  	v27 =	vadd.s32 s25, v7;
	v21 =	vld.idx.msk [tilespmem:v21+s3+$0x0], $0xffff  }
0x305: {  	s23 =	simm.s32 $0x8;
	v20 =	vadd.s32 s25, v5;
	v22 =	vld.idx.msk [tilespmem:v22+s3+$0x0], $0xffff  }
0x306: {  	v29 =	vadd.s32 s23, v0;
	v23 =	vld.idx.msk [tilespmem:v23+s3+$0x0], $0xffff  }
0x307: {  	v30 =	vadd.s32 s23, v1;
	v24 =	vld.idx.msk [tilespmem:v24+s3+$0x0], $0xffff  }
0x308: {  	v31 =	vadd.s32 s23, v2;
	v26 =	vld.idx.msk [tilespmem:v26+s3+$0x0], $0xffff  }
0x309: {  	v55 =	vimm.f32 $-Inf;
	v38 =	vadd.s32 s23, v7;
	v27 =	vld.idx.msk [tilespmem:v27+s3+$0x0], $0xffff  }
0x30a: {  	v56 =	vadd.s32 s23, v3;
	v57 =	vadd.s32 s23, v4;
	v58 =	vadd.s32 s23, v5;
	s24 =	simm.s32 $0x10;
	v28 =	vld.idx.msk [tilespmem:v20+s3+$0x0], $0xffff  }
0x30b: {  	v60 =	vadd.s32 s23, v6;
	v40 =	vadd.s32 s24, v1;
	v63 =	vadd.s32 s24, v2;
	v59 =	vld.idx.msk [tilespmem:v29+s3+$0x0], $0xffff  }
0x30c: {  	v36 =	vadd.s32 s24, v3;
	v34 =	vadd.s32 s24, v4;
	v35 =	vadd.s32 s24, v5;
	v39 =	vld.idx.msk [tilespmem:v30+s3+$0x0], $0xffff  }
0x30d: {  	v33 =	vadd.s32 s24, v6;
	v32 =	vadd.s32 s24, v7;
	v29 =	vld.idx.msk [tilespmem:v31+s3+$0x0], $0xffff;
	v20 =	vimm.s32 $0x0  }
0x30e: {  	v31 =	vld.idx.msk [tilespmem:v38+s3+$0x0], $0xffff;
	vm0 =	vgt.f32 v21, v25;
	vm1 =	vgt.f32 v23, v22;
	vm3 =	vgt.f32 v27, v26  }
0x30f: {  	v25 =	vsel vm0, v21, v25;
	v22 =	vsel vm1, v23, v22;
	v21 =	vld.idx.msk [tilespmem:v56+s3+$0x0], $0xffff;
	vm2 =	vgt.f32 v28, v24  }
0x310: {  	v26 =	vsel vm3, v27, v26;
	v23 =	vld.idx.msk [tilespmem:v57+s3+$0x0], $0xffff;
	v30 =	vsel vm1, $0x3, v9;
	v24 =	vsel vm2, v28, v24  }
0x311: {  	v27 =	vld.idx.msk [tilespmem:v60+s3+$0x0], $0xffff;
	v28 =	vsel vm0, $0x1, v8;
	vm0 =	vgt.f32 v22, v25;
	vm4 =	vgt.f32 v26, v24  }
0x312: {  	v22 =	vsel vm0, v22, v25;
	v25 =	vld.idx.msk [tilespmem:v58+s3+$0x0], $0xffff;
	v24 =	vsel vm4, v26, v24;
	v26 =	vadd.s32 s24, v0  }
0x313: {  	v62 =	vsel vm3, $0x7, v11;
	v61 =	vsel vm2, $0x5, v10;
	vm1 =	vgt.f32 v24, v22  }
0x314: {  	vm2 =	vgt.f32 v21, v29;
	v22 =	vsel vm1, v24, v22;
	v24 =	vsel vm0, v30, v28  }
0x315: {  	v28 =	vsel vm4, v62, v61;
	vm4 =	vgt.f32 v39, v59;
	v30 =	vld.idx.msk [tilespmem:v63+s3+$0x0], $0xffff;
	vm0 =	vgt.f32 v22, v55  }
0x316: {  	v24 =	vsel vm1, v28, v24;
	v28 =	vld.idx.msk [tilespmem:v40+s3+$0x0], $0xffff;
	v37 =	vsel vm4, v39, v59;
	vm1 =	vgt.f32 v31, v27  }
0x317: {  	v22 =	vsel vm0, v22, v55;
	v24 =	vor.u32 s25, v24;
	s25 =	simm.s32 $0x18;
	vm3 =	vgt.f32 v25, v23;
	v26 =	vld.idx.msk [tilespmem:v26+s3+$0x0], $0xffff  }
.LBB2_26:
0x318: {  	v29 =	vsel vm2, v21, v29  }
0x319: {  	p0 =	sne.s32 s25, $0x3E0;
	v21 =	vld.idx.msk [tilespmem:v36+s3+$0x0], $0xffff;
	v36 =	vsel vm3, v25, v23;
	v27 =	vsel vm1, v31, v27;
	vm5 =	vmmov vm0  }
0x31a: {  	v23 =	vld.idx.msk [tilespmem:v34+s3+$0x0], $0xffff;
	v34 =	vsel vm4, $0x1, v8;
	vm0 =	vgt.f32 v29, v37;
	vm4 =	vgt.f32 v27, v36  }
0x31b: {  	v25 =	vld.idx.msk [tilespmem:v35+s3+$0x0], $0xffff;
	v35 =	vsel vm2, $0x3, v9;
	v29 =	vsel vm0, v29, v37;
	v36 =	vsel vm4, v27, v36  }
0x31c: {  	v37 =	vadd.s32 s25, v0;
	v38 =	vmovc v26;
	v27 =	vld.idx.msk [tilespmem:v33+s3+$0x0], $0xffff;
	v33 =	vsel vm3, $0x5, v10;
	vm2 =	vgt.f32 v36, v29  }
0x31d: {  	v39 =	vadd.s32 s25, v1;
	v26 =	vsel vm1, $0x7, v11;
	v40 =	vmovc v28;
	v31 =	vld.idx.msk [tilespmem:v32+s3+$0x0], $0xffff;
	v32 =	vsel vm2, v36, v29  }
0x31e: {  	v41 =	vadd.s32 s25, v2;
	v28 =	vsel vm0, v35, v34;
	vm0 =	vgt.f32 v32, v22;
	v29 =	vmovc v30  }
.Ltmp12:
0x31f: {  	v36 =	vadd.s32 s25, v3;
	v26 =	vsel vm4, v26, v33;
	v22 =	vsel vm0, v32, v22;
	(pc) =	sbr.rel @p0 .LBB2_26-.Ltmp12, $4  }
0x320: {  	v20 =	vsel vm5, v24, v20;
	v34 =	vadd.s32 s25, v4;
	v28 =	vsel vm2, v26, v28  }
0x321: {  	v35 =	vadd.s32 s25, v5;
	v33 =	vadd.s32 s25, v6;
	v24 =	vor.u32 s23, v28;
	s23 =	smov.u32 s24;
	s24 =	smov.u32 s25;
	v26 =	vld.idx.msk [tilespmem:v37+s3+$0x0], $0xffff  }
0x322: {  	vm4 =	vgt.f32 v40, v38;
	v32 =	vadd.s32 s25, v7;
	vm2 =	vgt.f32 v21, v29;
	v28 =	vld.idx.msk [tilespmem:v39+s3+$0x0], $0xffff  }
0x323: {  	s25 =	sadd.s32 $0x8, s25;
	vm3 =	vgt.f32 v25, v23;
	v37 =	vsel vm4, v40, v38;
	vm1 =	vgt.f32 v31, v27;
	v30 =	vld.idx.msk [tilespmem:v41+s3+$0x0], $0xffff  }
0x324: {  	_ =	sdelay $0x3  }
0x325: {  	v36 =	vld.idx.msk [tilespmem:v36+s3+$0x0], $0xffff  }
0x326: {  	v23 =	vsel vm3, v25, v23;
	v25 =	vsel vm1, v31, v27;
	v27 =	vld.idx.msk [tilespmem:v34+s3+$0x0], $0xffff  }
0x327: {  	v21 =	vsel vm2, v21, v29;
	v29 =	vld.idx.msk [tilespmem:v35+s3+$0x0], $0xffff;
	v31 =	vsel vm4, $0x1, v8;
	vm0 =	vmmov vm0  }
0x328: {  	v52 =	vsel vm2, $0x3, v9;
	v32 =	vld.idx.msk [tilespmem:v32+s3+$0x0], $0xffff;
	vm5 =	vgt.f32 v21, v37;
	vm6 =	vgt.f32 v25, v23  }
0x329: {  	v53 =	vsel vm3, $0x5, v10;
	v21 =	vsel vm5, v21, v37;
	v23 =	vsel vm6, v25, v23;
	v25 =	vld.idx.msk [tilespmem:v33+s3+$0x0], $0xffff  }
0x32a: {  	v54 =	vsel vm1, $0x7, v11;
	v20 =	vsel vm0, v24, v20;
	vm2 =	vgt.f32 v23, v21  }
0x32b: {  	vm0 =	vgt.f32 v28, v26;
	v21 =	vsel vm2, v23, v21;
	v23 =	vsel vm5, v52, v31  }
0x32c: {  	v31 =	vsel vm6, v54, v53;
	vm1 =	vgt.f32 v21, v22;
	vm3 =	vgt.f32 v29, v27  }
0x32d: {  	v21 =	vsel vm1, v21, v22;
	v22 =	vsel vm2, v31, v23;
	vm2 =	vgt.f32 v36, v30  }
0x32e: {  	v23 =	vsel vm0, v28, v26;
	v26 =	vsel vm3, v29, v27;
	vm4 =	vgt.f32 v32, v25  }
0x32f: {  	v27 =	vsel vm0, $0x1, v8;
	v24 =	vsel vm2, v36, v30;
	v25 =	vsel vm4, v32, v25  }
0x330: {  	v22 =	vor.u32 s23, v22;
	vm0 =	vgt.f32 v24, v23;
	vm5 =	vgt.f32 v25, v26  }
0x331: {  	v28 =	vsel vm2, $0x3, v9;
	v23 =	vsel vm0, v24, v23;
	v24 =	vsel vm5, v25, v26  }
0x332: {  	v25 =	vsel vm3, $0x5, v10;
	v26 =	vsel vm4, $0x7, v11;
	vm2 =	vgt.f32 v24, v23  }
0x333: {  	v25 =	vsel vm5, v26, v25;
	v23 =	vsel vm2, v24, v23;
	v24 =	vsel vm0, v28, v27  }
0x334: {  	vm0 =	vmmov vm1;
	vm1 =	vgt.f32 v23, v21;
	v21 =	vsel vm2, v25, v24  }
0x335: {  	v20 =	vsel vm0, v22, v20;
	v21 =	vor.u32 s24, v21;
	vm0 =	vmmov vm1  }
0x336: {  	v20 =	vsel vm0, v21, v20;
	_ =	sdelay $0x3  }
0x337: {  	v21 =	vld [tilespmem:$0xFEA8]  }
0x338: {  	v20 =	vld.idx.msk [tilespmem:v20+s15+$0x0], $0xffff;
	_ =	sdelay $0x4  }
0x339: {  	s25 =	simm.s32 $0x0;
	v20 =	vsub.f32 v20, v21  }
0x33a: {  	v21 =	vadd.s32 s25, v12  }
0x33b: {  	v22 =	vadd.s32 s25, v13;
	v20 =	vmax.f32 v20, $0.0e+00  }
0x33c: {  	v23 =	vadd.s32 s25, v14;
	v20 =	vmul.f32 v20, v20  }
0x33d: {  	v24 =	vadd.s32 s25, v15  }
0x33e: {  	v25 =	vadd.s32 s25, v17;
	[tilespmem:$0xFFA8] =	vst v20  }
0x33f: {  	v26 =	vadd.s32 s25, v18;
	v21 =	vld.idx.msk [tilespmem:v21+s3+$0x0], $0xffff  }
0x340: {  	v27 =	vadd.s32 s25, v19;
	v22 =	vld.idx.msk [tilespmem:v22+s3+$0x0], $0xffff  }
0x341: {  	s23 =	simm.s32 $0x8;
	v20 =	vadd.s32 s25, v16;
	v23 =	vld.idx.msk [tilespmem:v23+s3+$0x0], $0xffff  }
0x342: {  	v29 =	vadd.s32 s23, v12;
	v24 =	vld.idx.msk [tilespmem:v24+s3+$0x0], $0xffff  }
0x343: {  	v30 =	vadd.s32 s23, v13;
	v25 =	vld.idx.msk [tilespmem:v25+s3+$0x0], $0xffff  }
0x344: {  	v31 =	vadd.s32 s23, v14;
	v26 =	vld.idx.msk [tilespmem:v26+s3+$0x0], $0xffff  }
0x345: {  	v55 =	vimm.f32 $-Inf;
	v56 =	vadd.s32 s23, v15;
	v27 =	vld.idx.msk [tilespmem:v27+s3+$0x0], $0xffff  }
0x346: {  	v57 =	vadd.s32 s23, v16;
	v58 =	vadd.s32 s23, v17;
	v38 =	vadd.s32 s23, v19;
	s24 =	simm.s32 $0x10;
	v28 =	vld.idx.msk [tilespmem:v20+s3+$0x0], $0xffff  }
0x347: {  	v60 =	vadd.s32 s23, v18;
	v40 =	vadd.s32 s24, v13;
	v63 =	vadd.s32 s24, v14;
	v59 =	vld.idx.msk [tilespmem:v29+s3+$0x0], $0xffff  }
0x348: {  	v36 =	vadd.s32 s24, v15;
	v34 =	vadd.s32 s24, v16;
	v35 =	vadd.s32 s24, v17;
	v39 =	vld.idx.msk [tilespmem:v30+s3+$0x0], $0xffff  }
0x349: {  	v33 =	vadd.s32 s24, v18;
	v32 =	vadd.s32 s24, v19;
	v29 =	vld.idx.msk [tilespmem:v31+s3+$0x0], $0xffff;
	vm0 =	vgt.f32 v22, v21  }
0x34a: {  	v20 =	vimm.s32 $0x0;
	vm1 =	vgt.f32 v24, v23;
	v22 =	vsel vm0, v22, v21;
	v21 =	vld.idx.msk [tilespmem:v56+s3+$0x0], $0xffff  }
0x34b: {  	v31 =	vld.idx.msk [tilespmem:v38+s3+$0x0], $0xffff;
	vm3 =	vgt.f32 v27, v26;
	v24 =	vsel vm1, v24, v23;
	vm2 =	vgt.f32 v25, v28  }
0x34c: {  	v26 =	vsel vm3, v27, v26;
	v30 =	vsel vm0, $0x1, v8;
	v23 =	vld.idx.msk [tilespmem:v57+s3+$0x0], $0xffff;
	v28 =	vsel vm2, v25, v28  }
0x34d: {  	v61 =	vsel vm1, $0x3, v9;
	vm0 =	vgt.f32 v24, v22;
	v25 =	vld.idx.msk [tilespmem:v58+s3+$0x0], $0xffff;
	vm4 =	vgt.f32 v26, v28  }
0x34e: {  	v27 =	vld.idx.msk [tilespmem:v60+s3+$0x0], $0xffff;
	v22 =	vsel vm0, v24, v22;
	v24 =	vsel vm4, v26, v28;
	v26 =	vadd.s32 s24, v12  }
0x34f: {  	v62 =	vsel vm3, $0x7, v11;
	v28 =	vsel vm2, $0x5, v10;
	vm2 =	vgt.f32 v21, v29  }
0x350: {  	vm1 =	vgt.f32 v24, v22;
	v28 =	vsel vm4, v62, v28;
	vm4 =	vgt.f32 v39, v59  }
0x351: {  	v22 =	vsel vm1, v24, v22;
	v24 =	vsel vm0, v61, v30;
	v30 =	vld.idx.msk [tilespmem:v63+s3+$0x0], $0xffff;
	v37 =	vsel vm4, v39, v59  }
0x352: {  	vm0 =	vgt.f32 v22, v55;
	v24 =	vsel vm1, v28, v24;
	v28 =	vld.idx.msk [tilespmem:v40+s3+$0x0], $0xffff;
	vm3 =	vgt.f32 v25, v23  }
0x353: {  	vm1 =	vgt.f32 v31, v27;
	v22 =	vsel vm0, v22, v55;
	v24 =	vor.u32 s25, v24;
	s25 =	simm.s32 $0x18;
	v26 =	vld.idx.msk [tilespmem:v26+s3+$0x0], $0xffff  }
.LBB2_28:
0x354: {  	v29 =	vsel vm2, v21, v29  }
0x355: {  	p0 =	sne.s32 s25, $0x3E0;
	v21 =	vld.idx.msk [tilespmem:v36+s3+$0x0], $0xffff;
	v36 =	vsel vm3, v25, v23;
	v27 =	vsel vm1, v31, v27;
	vm5 =	vmmov vm0  }
0x356: {  	v23 =	vld.idx.msk [tilespmem:v34+s3+$0x0], $0xffff;
	v34 =	vsel vm4, $0x1, v8;
	vm0 =	vgt.f32 v29, v37;
	vm4 =	vgt.f32 v27, v36  }
0x357: {  	v25 =	vld.idx.msk [tilespmem:v35+s3+$0x0], $0xffff;
	v35 =	vsel vm2, $0x3, v9;
	v29 =	vsel vm0, v29, v37;
	v36 =	vsel vm4, v27, v36  }
0x358: {  	v37 =	vadd.s32 s25, v12;
	v38 =	vmovc v26;
	v27 =	vld.idx.msk [tilespmem:v33+s3+$0x0], $0xffff;
	v33 =	vsel vm3, $0x5, v10;
	vm2 =	vgt.f32 v36, v29  }
0x359: {  	v39 =	vadd.s32 s25, v13;
	v26 =	vsel vm1, $0x7, v11;
	v40 =	vmovc v28;
	v31 =	vld.idx.msk [tilespmem:v32+s3+$0x0], $0xffff;
	v32 =	vsel vm2, v36, v29  }
0x35a: {  	v41 =	vadd.s32 s25, v14;
	v28 =	vsel vm0, v35, v34;
	vm0 =	vgt.f32 v32, v22;
	v29 =	vmovc v30  }
.Ltmp13:
0x35b: {  	v36 =	vadd.s32 s25, v15;
	v26 =	vsel vm4, v26, v33;
	v22 =	vsel vm0, v32, v22;
	(pc) =	sbr.rel @p0 .LBB2_28-.Ltmp13, $4  }
0x35c: {  	v20 =	vsel vm5, v24, v20;
	v34 =	vadd.s32 s25, v16;
	v28 =	vsel vm2, v26, v28  }
0x35d: {  	v35 =	vadd.s32 s25, v17;
	v33 =	vadd.s32 s25, v18;
	v24 =	vor.u32 s23, v28;
	s23 =	smov.u32 s24;
	s24 =	smov.u32 s25;
	v26 =	vld.idx.msk [tilespmem:v37+s3+$0x0], $0xffff  }
0x35e: {  	vm4 =	vgt.f32 v40, v38;
	v32 =	vadd.s32 s25, v19;
	vm2 =	vgt.f32 v21, v29;
	v28 =	vld.idx.msk [tilespmem:v39+s3+$0x0], $0xffff  }
0x35f: {  	s25 =	sadd.s32 $0x8, s25;
	vm3 =	vgt.f32 v25, v23;
	v37 =	vsel vm4, v40, v38;
	vm1 =	vgt.f32 v31, v27;
	v30 =	vld.idx.msk [tilespmem:v41+s3+$0x0], $0xffff  }
0x360: {  	_ =	sdelay $0x3  }
0x361: {  	v36 =	vld.idx.msk [tilespmem:v36+s3+$0x0], $0xffff  }
0x362: {  	v23 =	vsel vm3, v25, v23;
	v25 =	vsel vm1, v31, v27;
	v27 =	vld.idx.msk [tilespmem:v34+s3+$0x0], $0xffff  }
0x363: {  	v21 =	vsel vm2, v21, v29;
	v29 =	vld.idx.msk [tilespmem:v35+s3+$0x0], $0xffff;
	v31 =	vsel vm4, $0x1, v8;
	vm0 =	vmmov vm0  }
0x364: {  	v52 =	vsel vm2, $0x3, v9;
	v32 =	vld.idx.msk [tilespmem:v32+s3+$0x0], $0xffff;
	vm5 =	vgt.f32 v21, v37;
	vm6 =	vgt.f32 v25, v23  }
0x365: {  	v53 =	vsel vm3, $0x5, v10;
	v21 =	vsel vm5, v21, v37;
	v23 =	vsel vm6, v25, v23;
	v25 =	vld.idx.msk [tilespmem:v33+s3+$0x0], $0xffff  }
0x366: {  	v54 =	vsel vm1, $0x7, v11;
	v20 =	vsel vm0, v24, v20;
	vm2 =	vgt.f32 v23, v21  }
0x367: {  	vm0 =	vgt.f32 v28, v26;
	v21 =	vsel vm2, v23, v21;
	v23 =	vsel vm5, v52, v31  }
0x368: {  	v31 =	vsel vm6, v54, v53;
	vm1 =	vgt.f32 v21, v22;
	vm3 =	vgt.f32 v29, v27  }
0x369: {  	v21 =	vsel vm1, v21, v22;
	v22 =	vsel vm2, v31, v23;
	vm2 =	vgt.f32 v36, v30  }
0x36a: {  	v23 =	vsel vm0, v28, v26;
	v26 =	vsel vm3, v29, v27;
	vm4 =	vgt.f32 v32, v25  }
0x36b: {  	v27 =	vsel vm0, $0x1, v8;
	v24 =	vsel vm2, v36, v30;
	v25 =	vsel vm4, v32, v25  }
0x36c: {  	v22 =	vor.u32 s23, v22;
	vm0 =	vgt.f32 v24, v23;
	vm5 =	vgt.f32 v25, v26  }
0x36d: {  	v28 =	vsel vm2, $0x3, v9;
	v23 =	vsel vm0, v24, v23;
	v24 =	vsel vm5, v25, v26  }
0x36e: {  	v25 =	vsel vm3, $0x5, v10;
	v26 =	vsel vm4, $0x7, v11;
	vm2 =	vgt.f32 v24, v23  }
0x36f: {  	v25 =	vsel vm5, v26, v25;
	v23 =	vsel vm2, v24, v23;
	v24 =	vsel vm0, v28, v27  }
0x370: {  	vm0 =	vmmov vm1;
	vm1 =	vgt.f32 v23, v21;
	v21 =	vsel vm2, v25, v24  }
0x371: {  	v20 =	vsel vm0, v22, v20;
	v21 =	vor.u32 s24, v21;
	vm0 =	vmmov vm1  }
0x372: {  	v20 =	vsel vm0, v21, v20;
	_ =	sdelay $0x3  }
0x373: {  	v21 =	vld [tilespmem:$0xFEB8]  }
0x374: {  	v20 =	vld.idx.msk [tilespmem:v20+s15+$0x0], $0xffff;
	_ =	sdelay $0x4  }
0x375: {  	v20 =	vsub.f32 v20, v21;
	_ =	sdelay $0x1  }
0x376: {  	v20 =	vmax.f32 v20, $0.0e+00  }
0x377: {  	s25 =	simm.s32 $0x0;
	v20 =	vmul.f32 v20, v20  }
0x378: {  	v21 =	vadd.s32 s25, v0  }
0x379: {  	v22 =	vadd.s32 s25, v2;
	[tilespmem:$0xFFB8] =	vst v20  }
0x37a: {  	v20 =	vadd.s32 s25, v1;
	_ =	swait.ge [sflag:s20], $0x7D00  }
0x37b: {  	v23 =	vadd.s32 s25, v3;
	[sflag:s20] =	ssyncset.done $0x0  }
0x37c: {  	v24 =	vadd.s32 s25, v4;
	[sflag:s20] =	ssyncadd.s32 $0xFFFF8300  }
0x37d: {  	v25 =	vadd.s32 s25, v5;
	v21 =	vld.idx.msk [tilespmem:v21+s19+$0x0], $0xffff  }
0x37e: {  	v26 =	vadd.s32 s25, v6;
	v22 =	vld.idx.msk [tilespmem:v22+s19+$0x0], $0xffff  }
0x37f: {  	s23 =	simm.s32 $0x8;
	v27 =	vld.idx.msk [tilespmem:v20+s19+$0x0], $0xffff;
	v20 =	vadd.s32 s25, v7  }
0x380: {  	v28 =	vadd.s32 s23, v0;
	v23 =	vld.idx.msk [tilespmem:v23+s19+$0x0], $0xffff  }
0x381: {  	v29 =	vadd.s32 s23, v1;
	v24 =	vld.idx.msk [tilespmem:v24+s19+$0x0], $0xffff  }
0x382: {  	v31 =	vadd.s32 s23, v2;
	v25 =	vld.idx.msk [tilespmem:v25+s19+$0x0], $0xffff  }
0x383: {  	v55 =	vimm.f32 $-Inf;
	v57 =	vadd.s32 s23, v4;
	v26 =	vld.idx.msk [tilespmem:v26+s19+$0x0], $0xffff  }
0x384: {  	v56 =	vadd.s32 s23, v3;
	v58 =	vadd.s32 s23, v5;
	v60 =	vadd.s32 s23, v7;
	s24 =	simm.s32 $0x10;
	v30 =	vld.idx.msk [tilespmem:v20+s19+$0x0], $0xffff  }
0x385: {  	v39 =	vadd.s32 s24, v2;
	v36 =	vadd.s32 s24, v3;
	v34 =	vadd.s32 s24, v4;
	v59 =	vld.idx.msk [tilespmem:v28+s19+$0x0], $0xffff  }
0x386: {  	v35 =	vadd.s32 s24, v5;
	v33 =	vadd.s32 s24, v6;
	v28 =	vadd.s32 s23, v6;
	v38 =	vld.idx.msk [tilespmem:v29+s19+$0x0], $0xffff  }
0x387: {  	v32 =	vadd.s32 s24, v7;
	v29 =	vld.idx.msk [tilespmem:v31+s19+$0x0], $0xffff;
	vm1 =	vgt.f32 v23, v22;
	vm2 =	vgt.f32 v25, v24  }
0x388: {  	v20 =	vimm.s32 $0x0;
	vm0 =	vgt.f32 v27, v21;
	v22 =	vsel vm1, v23, v22;
	v23 =	vld.idx.msk [tilespmem:v57+s19+$0x0], $0xffff  }
0x389: {  	v24 =	vsel vm2, v25, v24;
	v25 =	vld.idx.msk [tilespmem:v58+s19+$0x0], $0xffff;
	v27 =	vsel vm0, v27, v21;
	vm3 =	vgt.f32 v30, v26  }
0x38a: {  	v21 =	vld.idx.msk [tilespmem:v56+s19+$0x0], $0xffff;
	v26 =	vsel vm3, v30, v26;
	v30 =	vsel vm0, $0x1, v8;
	vm0 =	vgt.f32 v22, v27  }
0x38b: {  	vm4 =	vgt.f32 v26, v24;
	v22 =	vsel vm0, v22, v27;
	v27 =	vld.idx.msk [tilespmem:v28+s19+$0x0], $0xffff;
	v28 =	vadd.s32 s24, v1  }
0x38c: {  	v31 =	vld.idx.msk [tilespmem:v60+s19+$0x0], $0xffff;
	v61 =	vsel vm1, $0x3, v9;
	v24 =	vsel vm4, v26, v24;
	v26 =	vadd.s32 s24, v0  }
0x38d: {  	v62 =	vsel vm2, $0x5, v10;
	v63 =	vsel vm3, $0x7, v11;
	vm1 =	vgt.f32 v24, v22  }
0x38e: {  	v22 =	vsel vm1, v24, v22;
	v24 =	vsel vm0, v61, v30;
	v30 =	vsel vm4, v63, v62  }
0x38f: {  	vm2 =	vgt.f32 v21, v29;
	vm4 =	vgt.f32 v38, v59;
	v24 =	vsel vm1, v30, v24;
	v30 =	vld.idx.msk [tilespmem:v39+s19+$0x0], $0xffff  }
0x390: {  	vm3 =	vgt.f32 v25, v23;
	vm0 =	vgt.f32 v22, v55;
	v37 =	vsel vm4, v38, v59;
	v28 =	vld.idx.msk [tilespmem:v28+s19+$0x0], $0xffff  }
0x391: {  	v22 =	vsel vm0, v22, v55;
	v24 =	vor.u32 s25, v24;
	s25 =	simm.s32 $0x18;
	vm1 =	vgt.f32 v31, v27;
	v26 =	vld.idx.msk [tilespmem:v26+s19+$0x0], $0xffff  }
.LBB2_30:
0x392: {  	v29 =	vsel vm2, v21, v29  }
0x393: {  	p0 =	sne.s32 s25, $0x3E0;
	v21 =	vld.idx.msk [tilespmem:v36+s19+$0x0], $0xffff;
	v36 =	vsel vm3, v25, v23;
	v27 =	vsel vm1, v31, v27;
	vm5 =	vmmov vm0  }
0x394: {  	v23 =	vld.idx.msk [tilespmem:v34+s19+$0x0], $0xffff;
	v34 =	vsel vm4, $0x1, v8;
	vm0 =	vgt.f32 v29, v37;
	vm4 =	vgt.f32 v27, v36  }
0x395: {  	v25 =	vld.idx.msk [tilespmem:v35+s19+$0x0], $0xffff;
	v35 =	vsel vm2, $0x3, v9;
	v29 =	vsel vm0, v29, v37;
	v36 =	vsel vm4, v27, v36  }
0x396: {  	v37 =	vadd.s32 s25, v0;
	v38 =	vmovc v26;
	v27 =	vld.idx.msk [tilespmem:v33+s19+$0x0], $0xffff;
	v33 =	vsel vm3, $0x5, v10;
	vm2 =	vgt.f32 v36, v29  }
0x397: {  	v39 =	vadd.s32 s25, v1;
	v26 =	vsel vm1, $0x7, v11;
	v40 =	vmovc v28;
	v31 =	vld.idx.msk [tilespmem:v32+s19+$0x0], $0xffff;
	v32 =	vsel vm2, v36, v29  }
0x398: {  	v41 =	vadd.s32 s25, v2;
	v28 =	vsel vm0, v35, v34;
	vm0 =	vgt.f32 v32, v22;
	v29 =	vmovc v30  }
.Ltmp14:
0x399: {  	v36 =	vadd.s32 s25, v3;
	v26 =	vsel vm4, v26, v33;
	v22 =	vsel vm0, v32, v22;
	(pc) =	sbr.rel @p0 .LBB2_30-.Ltmp14, $4  }
0x39a: {  	v20 =	vsel vm5, v24, v20;
	v34 =	vadd.s32 s25, v4;
	v28 =	vsel vm2, v26, v28  }
0x39b: {  	v35 =	vadd.s32 s25, v5;
	v33 =	vadd.s32 s25, v6;
	v24 =	vor.u32 s23, v28;
	s23 =	smov.u32 s24;
	s24 =	smov.u32 s25;
	v26 =	vld.idx.msk [tilespmem:v37+s19+$0x0], $0xffff  }
0x39c: {  	vm4 =	vgt.f32 v40, v38;
	v32 =	vadd.s32 s25, v7;
	vm2 =	vgt.f32 v21, v29;
	v28 =	vld.idx.msk [tilespmem:v39+s19+$0x0], $0xffff  }
0x39d: {  	s25 =	sadd.s32 $0x8, s25;
	vm3 =	vgt.f32 v25, v23;
	v37 =	vsel vm4, v40, v38;
	vm1 =	vgt.f32 v31, v27;
	v30 =	vld.idx.msk [tilespmem:v41+s19+$0x0], $0xffff  }
0x39e: {  	_ =	sdelay $0x3  }
0x39f: {  	v36 =	vld.idx.msk [tilespmem:v36+s19+$0x0], $0xffff  }
0x3a0: {  	v23 =	vsel vm3, v25, v23;
	v25 =	vsel vm1, v31, v27;
	v27 =	vld.idx.msk [tilespmem:v34+s19+$0x0], $0xffff  }
0x3a1: {  	v21 =	vsel vm2, v21, v29;
	v29 =	vld.idx.msk [tilespmem:v35+s19+$0x0], $0xffff;
	v31 =	vsel vm4, $0x1, v8;
	vm0 =	vmmov vm0  }
0x3a2: {  	v52 =	vsel vm2, $0x3, v9;
	v32 =	vld.idx.msk [tilespmem:v32+s19+$0x0], $0xffff;
	vm5 =	vgt.f32 v21, v37;
	vm6 =	vgt.f32 v25, v23  }
0x3a3: {  	v53 =	vsel vm3, $0x5, v10;
	v21 =	vsel vm5, v21, v37;
	v23 =	vsel vm6, v25, v23;
	v25 =	vld.idx.msk [tilespmem:v33+s19+$0x0], $0xffff  }
0x3a4: {  	v54 =	vsel vm1, $0x7, v11;
	v20 =	vsel vm0, v24, v20;
	vm2 =	vgt.f32 v23, v21  }
0x3a5: {  	vm0 =	vgt.f32 v28, v26;
	v21 =	vsel vm2, v23, v21;
	v23 =	vsel vm5, v52, v31  }
0x3a6: {  	v31 =	vsel vm6, v54, v53;
	vm1 =	vgt.f32 v21, v22;
	vm3 =	vgt.f32 v29, v27  }
0x3a7: {  	v21 =	vsel vm1, v21, v22;
	v22 =	vsel vm2, v31, v23;
	vm2 =	vgt.f32 v36, v30  }
0x3a8: {  	v23 =	vsel vm0, v28, v26;
	v26 =	vsel vm3, v29, v27;
	vm4 =	vgt.f32 v32, v25  }
0x3a9: {  	v27 =	vsel vm0, $0x1, v8;
	v24 =	vsel vm2, v36, v30;
	v25 =	vsel vm4, v32, v25  }
0x3aa: {  	v22 =	vor.u32 s23, v22;
	vm0 =	vgt.f32 v24, v23;
	vm5 =	vgt.f32 v25, v26  }
0x3ab: {  	v28 =	vsel vm2, $0x3, v9;
	v23 =	vsel vm0, v24, v23;
	v24 =	vsel vm5, v25, v26  }
0x3ac: {  	v25 =	vsel vm3, $0x5, v10;
	v26 =	vsel vm4, $0x7, v11;
	vm2 =	vgt.f32 v24, v23  }
0x3ad: {  	v25 =	vsel vm5, v26, v25;
	v23 =	vsel vm2, v24, v23;
	v24 =	vsel vm0, v28, v27  }
0x3ae: {  	vm0 =	vmmov vm1;
	vm1 =	vgt.f32 v23, v21;
	v21 =	vsel vm2, v25, v24  }
0x3af: {  	v20 =	vsel vm0, v22, v20;
	v21 =	vor.u32 s24, v21;
	vm0 =	vmmov vm1  }
0x3b0: {  	v20 =	vsel vm0, v21, v20;
	_ =	sdelay $0x3  }
0x3b1: {  	v21 =	vld [tilespmem:$0xFEC8]  }
0x3b2: {  	v20 =	vld.idx.msk [tilespmem:v20+s15+$0x0], $0xffff;
	_ =	sdelay $0x4  }
0x3b3: {  	s25 =	simm.s32 $0x0;
	v20 =	vsub.f32 v20, v21  }
0x3b4: {  	v21 =	vadd.s32 s25, v12  }
0x3b5: {  	v22 =	vadd.s32 s25, v13;
	v20 =	vmax.f32 v20, $0.0e+00  }
0x3b6: {  	v23 =	vadd.s32 s25, v14;
	v20 =	vmul.f32 v20, v20  }
0x3b7: {  	v24 =	vadd.s32 s25, v15  }
0x3b8: {  	v25 =	vadd.s32 s25, v17;
	[tilespmem:$0xFFC8] =	vst v20  }
0x3b9: {  	v26 =	vadd.s32 s25, v18;
	v21 =	vld.idx.msk [tilespmem:v21+s19+$0x0], $0xffff  }
0x3ba: {  	v27 =	vadd.s32 s25, v19;
	v22 =	vld.idx.msk [tilespmem:v22+s19+$0x0], $0xffff  }
0x3bb: {  	s23 =	simm.s32 $0x8;
	v20 =	vadd.s32 s25, v16;
	v23 =	vld.idx.msk [tilespmem:v23+s19+$0x0], $0xffff  }
0x3bc: {  	v29 =	vadd.s32 s23, v12;
	v24 =	vld.idx.msk [tilespmem:v24+s19+$0x0], $0xffff  }
0x3bd: {  	v30 =	vadd.s32 s23, v13;
	v25 =	vld.idx.msk [tilespmem:v25+s19+$0x0], $0xffff  }
0x3be: {  	v31 =	vadd.s32 s23, v14;
	v26 =	vld.idx.msk [tilespmem:v26+s19+$0x0], $0xffff  }
0x3bf: {  	v55 =	vimm.f32 $-Inf;
	v56 =	vadd.s32 s23, v15;
	v27 =	vld.idx.msk [tilespmem:v27+s19+$0x0], $0xffff  }
0x3c0: {  	v57 =	vadd.s32 s23, v16;
	v58 =	vadd.s32 s23, v17;
	v38 =	vadd.s32 s23, v19;
	s24 =	simm.s32 $0x10;
	v28 =	vld.idx.msk [tilespmem:v20+s19+$0x0], $0xffff  }
0x3c1: {  	v60 =	vadd.s32 s23, v18;
	v40 =	vadd.s32 s24, v13;
	v63 =	vadd.s32 s24, v14;
	v59 =	vld.idx.msk [tilespmem:v29+s19+$0x0], $0xffff  }
0x3c2: {  	v36 =	vadd.s32 s24, v15;
	v34 =	vadd.s32 s24, v16;
	v35 =	vadd.s32 s24, v17;
	v39 =	vld.idx.msk [tilespmem:v30+s19+$0x0], $0xffff  }
0x3c3: {  	v33 =	vadd.s32 s24, v18;
	v32 =	vadd.s32 s24, v19;
	v29 =	vld.idx.msk [tilespmem:v31+s19+$0x0], $0xffff;
	vm0 =	vgt.f32 v22, v21  }
0x3c4: {  	v20 =	vimm.s32 $0x0;
	vm1 =	vgt.f32 v24, v23;
	v22 =	vsel vm0, v22, v21;
	v21 =	vld.idx.msk [tilespmem:v56+s19+$0x0], $0xffff  }
0x3c5: {  	v31 =	vld.idx.msk [tilespmem:v38+s19+$0x0], $0xffff;
	vm3 =	vgt.f32 v27, v26;
	v24 =	vsel vm1, v24, v23;
	vm2 =	vgt.f32 v25, v28  }
0x3c6: {  	v26 =	vsel vm3, v27, v26;
	v30 =	vsel vm0, $0x1, v8;
	v23 =	vld.idx.msk [tilespmem:v57+s19+$0x0], $0xffff;
	v28 =	vsel vm2, v25, v28  }
0x3c7: {  	v61 =	vsel vm1, $0x3, v9;
	vm0 =	vgt.f32 v24, v22;
	v25 =	vld.idx.msk [tilespmem:v58+s19+$0x0], $0xffff;
	vm4 =	vgt.f32 v26, v28  }
0x3c8: {  	v27 =	vld.idx.msk [tilespmem:v60+s19+$0x0], $0xffff;
	v22 =	vsel vm0, v24, v22;
	v24 =	vsel vm4, v26, v28;
	v26 =	vadd.s32 s24, v12  }
0x3c9: {  	v62 =	vsel vm3, $0x7, v11;
	v28 =	vsel vm2, $0x5, v10;
	vm2 =	vgt.f32 v21, v29  }
0x3ca: {  	vm1 =	vgt.f32 v24, v22;
	v28 =	vsel vm4, v62, v28;
	vm4 =	vgt.f32 v39, v59  }
0x3cb: {  	v22 =	vsel vm1, v24, v22;
	v24 =	vsel vm0, v61, v30;
	v30 =	vld.idx.msk [tilespmem:v63+s19+$0x0], $0xffff;
	v37 =	vsel vm4, v39, v59  }
0x3cc: {  	vm0 =	vgt.f32 v22, v55;
	v24 =	vsel vm1, v28, v24;
	v28 =	vld.idx.msk [tilespmem:v40+s19+$0x0], $0xffff;
	vm3 =	vgt.f32 v25, v23  }
0x3cd: {  	vm1 =	vgt.f32 v31, v27;
	v22 =	vsel vm0, v22, v55;
	v24 =	vor.u32 s25, v24;
	s25 =	simm.s32 $0x18;
	v26 =	vld.idx.msk [tilespmem:v26+s19+$0x0], $0xffff  }
.LBB2_32:
0x3ce: {  	v29 =	vsel vm2, v21, v29  }
0x3cf: {  	p0 =	sne.s32 s25, $0x3E0;
	v21 =	vld.idx.msk [tilespmem:v36+s19+$0x0], $0xffff;
	v36 =	vsel vm3, v25, v23;
	v27 =	vsel vm1, v31, v27;
	vm5 =	vmmov vm0  }
0x3d0: {  	v23 =	vld.idx.msk [tilespmem:v34+s19+$0x0], $0xffff;
	v34 =	vsel vm4, $0x1, v8;
	vm0 =	vgt.f32 v29, v37;
	vm4 =	vgt.f32 v27, v36  }
0x3d1: {  	v25 =	vld.idx.msk [tilespmem:v35+s19+$0x0], $0xffff;
	v35 =	vsel vm2, $0x3, v9;
	v29 =	vsel vm0, v29, v37;
	v36 =	vsel vm4, v27, v36  }
0x3d2: {  	v37 =	vadd.s32 s25, v12;
	v38 =	vmovc v26;
	v27 =	vld.idx.msk [tilespmem:v33+s19+$0x0], $0xffff;
	v33 =	vsel vm3, $0x5, v10;
	vm2 =	vgt.f32 v36, v29  }
0x3d3: {  	v39 =	vadd.s32 s25, v13;
	v26 =	vsel vm1, $0x7, v11;
	v40 =	vmovc v28;
	v31 =	vld.idx.msk [tilespmem:v32+s19+$0x0], $0xffff;
	v32 =	vsel vm2, v36, v29  }
0x3d4: {  	v41 =	vadd.s32 s25, v14;
	v28 =	vsel vm0, v35, v34;
	vm0 =	vgt.f32 v32, v22;
	v29 =	vmovc v30  }
.Ltmp15:
0x3d5: {  	v36 =	vadd.s32 s25, v15;
	v26 =	vsel vm4, v26, v33;
	v22 =	vsel vm0, v32, v22;
	(pc) =	sbr.rel @p0 .LBB2_32-.Ltmp15, $4  }
0x3d6: {  	v20 =	vsel vm5, v24, v20;
	v34 =	vadd.s32 s25, v16;
	v28 =	vsel vm2, v26, v28  }
0x3d7: {  	v35 =	vadd.s32 s25, v17;
	v33 =	vadd.s32 s25, v18;
	v24 =	vor.u32 s23, v28;
	s23 =	smov.u32 s24;
	s24 =	smov.u32 s25;
	v26 =	vld.idx.msk [tilespmem:v37+s19+$0x0], $0xffff  }
0x3d8: {  	vm4 =	vgt.f32 v40, v38;
	v32 =	vadd.s32 s25, v19;
	vm2 =	vgt.f32 v21, v29;
	v28 =	vld.idx.msk [tilespmem:v39+s19+$0x0], $0xffff  }
0x3d9: {  	s25 =	sadd.s32 $0x8, s25;
	vm3 =	vgt.f32 v25, v23;
	v37 =	vsel vm4, v40, v38;
	vm1 =	vgt.f32 v31, v27;
	v30 =	vld.idx.msk [tilespmem:v41+s19+$0x0], $0xffff  }
0x3da: {  	_ =	sdelay $0x3  }
0x3db: {  	v36 =	vld.idx.msk [tilespmem:v36+s19+$0x0], $0xffff  }
0x3dc: {  	v21 =	vsel vm2, v21, v29;
	v23 =	vsel vm3, v25, v23;
	v43 =	vld.idx.msk [tilespmem:v34+s19+$0x0], $0xffff  }
0x3dd: {  	v42 =	vsel vm1, v31, v27;
	v44 =	vld.idx.msk [tilespmem:v35+s19+$0x0], $0xffff;
	v45 =	vsel vm4, $0x1, v8;
	vm0 =	vmmov vm0  }
0x3de: {  	v46 =	vld.idx.msk [tilespmem:v33+s19+$0x0], $0xffff;
	v47 =	vsel vm2, $0x3, v9;
	v48 =	vsel vm3, $0x5, v10;
	v49 =	vsel vm1, $0x7, v11  }
0x3df: {  	v32 =	vld.idx.msk [tilespmem:v32+s19+$0x0], $0xffff;
	vm5 =	vgt.f32 v21, v37;
	vm6 =	vgt.f32 v42, v23;
	v20 =	vsel vm0, v24, v20  }
0x3e0: {  	v21 =	vsel vm5, v21, v37;
	v23 =	vsel vm6, v42, v23;
	v50 =	vsel vm5, v47, v45  }
0x3e1: {  	v51 =	vsel vm6, v49, v48;
	vm12 =	vgt.f32 v23, v21;
	vm14 =	vgt.f32 v28, v26  }
0x3e2: {  	v21 =	vsel vm12, v23, v21;
	v52 =	vsel vm12, v51, v50;
	v53 =	vsel vm14, v28, v26  }
0x3e3: {  	v56 =	vsel vm14, $0x1, v8;
	vm13 =	vgt.f32 v21, v22;
	vm15 =	vgt.f32 v36, v30  }
0x3e4: {  	vm8 =	vgt.f32 v44, v43;
	vm9 =	vgt.f32 v32, v46;
	v21 =	vsel vm13, v21, v22  }
0x3e5: {  	v54 =	vsel vm15, v36, v30;
	v55 =	vsel vm8, v44, v43;
	v25 =	vsel vm9, v32, v46  }
0x3e6: {  	v22 =	vor.u32 s23, v52;
	vm10 =	vgt.f32 v54, v53;
	vm11 =	vgt.f32 v25, v55  }
0x3e7: {  	v57 =	vsel vm15, $0x3, v9;
	v23 =	vsel vm10, v54, v53;
	v58 =	vsel vm11, v25, v55  }
0x3e8: {  	v59 =	vsel vm8, $0x5, v10;
	v60 =	vsel vm9, $0x7, v11;
	vm12 =	vgt.f32 v58, v23  }
0x3e9: {  	v61 =	vsel vm10, v57, v56;
	v25 =	vsel vm11, v60, v59;
	v23 =	vsel vm12, v58, v23  }
0x3ea: {  	vm13 =	vmmov vm13;
	v62 =	vsel vm12, v25, v61;
	vm14 =	vgt.f32 v23, v21  }
0x3eb: {  	v20 =	vsel vm13, v22, v20;
	v21 =	vor.u32 s24, v62;
	vm15 =	vmmov vm14  }
0x3ec: {  	v20 =	vsel vm15, v21, v20;
	_ =	sdelay $0x3  }
0x3ed: {  	v63 =	vld [tilespmem:$0xFED8]  }
0x3ee: {  	v20 =	vld.idx.msk [tilespmem:v20+s15+$0x0], $0xffff;
	_ =	sdelay $0x4  }
0x3ef: {  	v20 =	vsub.f32 v20, v63;
	_ =	sdelay $0x1  }
0x3f0: {  	v20 =	vmax.f32 v20, $0.0e+00  }
0x3f1: {  	s22 =	sadd.s32 $0x1, s22;
	v20 =	vmul.f32 v20, v20  }
0x3f2: {  	p0 =	sne.s32 s22, s14  }
.Ltmp16:
0x3f3: {  	[tilespmem:$0xFFD8] =	vst v20;
	(pc) =	sbr.rel @p0 .LBB2_1-.Ltmp16, $4  }
0x3f4: {  	[hbm4b:s13+s3] =	stream.linear.scatter [tilespmem:s21], [sflag:$0x3], $0x100, $0x38;
	[tilespmem:$0xFFE8] =	vst v63  }
0x3f5: {  	_ =	swait.ge [sflag:s16], $0x100  }
0x3f6: {  	[sflag:s16] =	ssyncset.done $0x0  }
0x3f7: {  	[sflag:s16] =	ssyncadd.s32 $0xFFFFFF00  }
0x3f8: {  	_ =	sfence.sel $0x180000  }
0x3f9: {  	[bflag:$0x0] =	sbarrier.arrive $0xFFFF  }
0x3fa: {  	p0 =	sne.s32 s1, $0x0;
	_ =	strace $0x90000047  }
0x3fb: {  	s0 =	sadd.s32 @!p0 $0x100000, s0;
	[bflag:$0x2] =	sbarrier.arrive $0xFFFF  }
0x3fc: {  	[sflag:s0] =	ssyncadd.tile.s32 @!p0 $0x1;
	_ =	shalt  }
.Lfunc_end2:
_tile_overlayer_lowered:
.L_overlay_start_2:
0x3fd: {  	(tag) =	ssettag $0x2  }
0x3fe: {  	s0 =	rddreg [dreg:$0x0];
	s2 =	stileid.u32  }
0x3ff: {  	s1 =	rddreg [dreg:$0x1];
	p0 =	sne.s32 s2, $0x0  }
0x400: {  	s3 =	rddreg [dreg:$0x2];
	[bflag:$0x3] =	sbarrier.arrive $0xFFFF;
	s2 =	simm.s32 @!p0 $0x1C03  }
0x401: {  	[timem:s3], [sflag:s2] =	dma.local @!p0 [hbm:s0], s1  }
0x402: {  	s0 =	simm.s32 @!p0 $0x3  }
0x403: {  	_ =	swait.ge @!p0 [sflag:s0], s1  }
0x404: {  	s1 =	ssub.s32 @!p0 $0x0, s1;
	[sflag:s0] =	ssyncset.done @!p0 $0x0  }
0x405: {  	[sflag:s0] =	ssyncadd.s32 @!p0 s1  }
0x406: {  	[bflag:$0x3] =	sbarrier.arrive $0xFFFF  }
0x407: {  	_ =	shalt  }

</sc_bundles>
